<compile_context>
chip_gen: v7x
topology: tpu7x:2x2x1
jax: 0.10.2.dev20260603
libtpu: 0.0.44.dev20260713+nightly
codegen_flags: <defaults>
</compile_context>

<pallas_src>
import functools

import jax
import jax.numpy as jnp
from jax import lax
from jax.experimental import pallas as pl
from jax.experimental.pallas import tpu as pltpu
from jax.experimental.pallas import tpu_sc as plsc

_OFFS = (0, 7, 15)
_NC = 2
_NS = 16
_NW = _NC * _NS
_M = 4096
_N = 8192
_ROWS_PER_W = _M // _NW
_NBUF = 8
_PF = _NBUF - 2


def _sc_body(out_in, x0h, x1h, x2h, out_hbm, *scratch):
    ring = scratch[:_NBUF]
    xbs = scratch[_NBUF:_NBUF + 3]
    si = scratch[_NBUF + 3:2 * _NBUF + 3]
    so = scratch[2 * _NBUF + 3:3 * _NBUF + 3]
    sx = scratch[3 * _NBUF + 3]

    cid = lax.axis_index("c")
    sid = lax.axis_index("s")
    wid = sid * _NC + cid
    base = wid * _ROWS_PER_W

    def in_src(cc):
        return out_in.at[base + cc]

    def out_dst(cc):
        return out_hbm.at[base + cc]

    xcps = [
        pltpu.async_copy(xh.at[pl.ds(base, _ROWS_PER_W)], xb, sx)
        for xh, xb in zip((x0h, x1h, x2h), xbs)
    ]
    for p in range(_PF):
        pltpu.async_copy(in_src(p), ring[p], si[p])
    for cp in xcps:
        cp.wait()

    iota = lax.iota(jnp.int32, 16)

    @pl.loop(0, _ROWS_PER_W, step=_NBUF)
    def _rows(c):
        for b in range(_NBUF):
            cc = c + b
            nxt = cc + _PF
            b2 = (b + _PF) % _NBUF

            @pl.when(nxt >= _NBUF)
            def _():
                pltpu.make_async_copy(ring[b2], out_dst(nxt - _NBUF),
                                      so[b2]).wait()

            @pl.when(nxt < _ROWS_PER_W)
            def _():
                pltpu.async_copy(in_src(nxt), ring[b2], si[b2])

            pltpu.make_async_copy(in_src(cc), ring[b], si[b]).wait()
            for xb, off in zip(xbs, _OFFS):
                for j in range(8):
                    vals = xb[cc, pl.ds(j * 16, 16)]
                    idx = iota * 32 + (j * 512 + off)
                    plsc.addupdate_scatter(ring[b], [idx], vals)
            pltpu.async_copy(ring[b], out_dst(cc), so[b])

    for cc in (_ROWS_PER_W - 2, _ROWS_PER_W - 1):
        b = cc % _NBUF
        pltpu.make_async_copy(ring[b], out_dst(cc), so[b]).wait()


def kernel(out, x_0, x_1, x_2):
    mesh = plsc.VectorSubcoreMesh(core_axis_name="c", subcore_axis_name="s")
    f = functools.partial(
        pl.kernel,
        out_type=jax.ShapeDtypeStruct((_M, _N), jnp.float32),
        mesh=mesh,
        compiler_params=pltpu.CompilerParams(needs_layout_passes=False),
        scratch_types=(
            [pltpu.VMEM((_N,), jnp.float32)] * _NBUF
            + [pltpu.VMEM((_ROWS_PER_W, 128), jnp.float32)] * 3
            + [pltpu.SemaphoreType.DMA] * (2 * _NBUF + 1)
        ),
    )(_sc_body)
    return f(out, x_0, x_1, x_2)

# --- scband reference (transcript-rebuilt; emitter-appended) ---
"""Pipeline reference for scband-iadd-t3-28183575397025 (READ-ONLY COPY).

The authoritative reference and input builder live on the scoring server;
editing this copy changes nothing except your own understanding.
"""

import jax, jax.numpy as jnp
import numpy as np

IND1 = jnp.arange(128, dtype=jnp.int32) * 32
IND2 = jnp.arange(128, dtype=jnp.int32) * 32 + 7
IND3 = jnp.arange(128, dtype=jnp.int32) * 32 + 15


def setup_inputs(seed: int = 0) -> dict:
    key = jax.random.key(seed)
    k1, k2, k3, k4 = jax.random.split(key, 4)
    out = jax.random.normal(k1, (4096, 8192), dtype=jnp.float32)
    x_0 = jax.random.normal(k2, (4096, 128), dtype=jnp.float32)
    x_1 = jax.random.normal(k3, (4096, 128), dtype=jnp.float32)
    x_2 = jax.random.normal(k4, (4096, 128), dtype=jnp.float32)
    return {"out": out, "x_0": x_0, "x_1": x_1, "x_2": x_2}


def reference(out, x_0, x_1, x_2):
    # torch index_add_(dim=1, ind, x) -> scatter-add into columns of `out`
    out = out.at[:, IND1].add(x_0)
    out = out.at[:, IND2].add(x_1)
    out = out.at[:, IND3].add(x_2)
    return out

if __name__ == "__main__":
    import jax
    _d = setup_inputs()
    print(jax.jit(kernel)(*tuple(_d.values())))

</pallas_src>

<mosaic_0001>
#map = affine_map<(d0, d1) -> (0, 0)>
module attributes {stable_mosaic.version = 14 : i64} {
  func.func @_sc_body(%arg0: i32, %arg1: i32, %arg2: memref<4096x8192xf32, #tpu.memory_space<hbm>>, %arg3: memref<4096x128xf32, #tpu.memory_space<hbm>>, %arg4: memref<4096x128xf32, #tpu.memory_space<hbm>>, %arg5: memref<4096x128xf32, #tpu.memory_space<hbm>>, %arg6: memref<4096x8192xf32, #tpu.memory_space<hbm>>, %arg7: memref<8192xf32, #tpu.memory_space<vmem>>, %arg8: memref<8192xf32, #tpu.memory_space<vmem>>, %arg9: memref<8192xf32, #tpu.memory_space<vmem>>, %arg10: memref<8192xf32, #tpu.memory_space<vmem>>, %arg11: memref<8192xf32, #tpu.memory_space<vmem>>, %arg12: memref<8192xf32, #tpu.memory_space<vmem>>, %arg13: memref<8192xf32, #tpu.memory_space<vmem>>, %arg14: memref<8192xf32, #tpu.memory_space<vmem>>, %arg15: memref<128x128xf32, #tpu.memory_space<vmem>>, %arg16: memref<128x128xf32, #tpu.memory_space<vmem>>, %arg17: memref<128x128xf32, #tpu.memory_space<vmem>>, %arg18: memref<!tpu.dma_semaphore, #tpu.memory_space<semaphore_mem>>, %arg19: memref<!tpu.dma_semaphore, #tpu.memory_space<semaphore_mem>>, %arg20: memref<!tpu.dma_semaphore, #tpu.memory_space<semaphore_mem>>, %arg21: memref<!tpu.dma_semaphore, #tpu.memory_space<semaphore_mem>>, %arg22: memref<!tpu.dma_semaphore, #tpu.memory_space<semaphore_mem>>, %arg23: memref<!tpu.dma_semaphore, #tpu.memory_space<semaphore_mem>>, %arg24: memref<!tpu.dma_semaphore, #tpu.memory_space<semaphore_mem>>, %arg25: memref<!tpu.dma_semaphore, #tpu.memory_space<semaphore_mem>>, %arg26: memref<!tpu.dma_semaphore, #tpu.memory_space<semaphore_mem>>, %arg27: memref<!tpu.dma_semaphore, #tpu.memory_space<semaphore_mem>>, %arg28: memref<!tpu.dma_semaphore, #tpu.memory_space<semaphore_mem>>, %arg29: memref<!tpu.dma_semaphore, #tpu.memory_space<semaphore_mem>>, %arg30: memref<!tpu.dma_semaphore, #tpu.memory_space<semaphore_mem>>, %arg31: memref<!tpu.dma_semaphore, #tpu.memory_space<semaphore_mem>>, %arg32: memref<!tpu.dma_semaphore, #tpu.memory_space<semaphore_mem>>, %arg33: memref<!tpu.dma_semaphore, #tpu.memory_space<semaphore_mem>>, %arg34: memref<!tpu.dma_semaphore, #tpu.memory_space<semaphore_mem>>) attributes {dimension_semantics = [#tpu.dimension_semantics<core_parallel>, #tpu.dimension_semantics<subcore_parallel>], iteration_bounds = array<i64: 2, 16>, scalar_prefetch = 0 : i64, scratch_operands = 28 : i64, tpu.core_type = #tpu.core_type<sc_vector_subcore>, window_params = [{transform_indices = #map}, {transform_indices = #map}, {transform_indices = #map}, {transform_indices = #map}, {transform_indices = #map}]} {
    %mul3A = arith.constant 2 : i32
    %mul3A_0 = arith.muli %arg1, %mul3A : i32
    %add3A = arith.addi %mul3A_0, %arg0 : i32
    %mul3A_1 = arith.constant 128 : i32
    %mul3A_2 = arith.muli %add3A, %mul3A_1 : i32
    %dma_start3A = arith.constant 0 : i32
    %dma_start3A_3 = tpu.memref_slice %arg3[%mul3A_2, %dma_start3A] : memref<4096x128xf32, #tpu.memory_space<hbm>> -> memref<128x128xf32, #tpu.memory_space<hbm>>
    %dma_start3A_4 = arith.constant 0 : i32
    %dma_start3A_5 = tpu.memref_slice %arg3[%mul3A_2, %dma_start3A_4] : memref<4096x128xf32, #tpu.memory_space<hbm>> -> memref<128x128xf32, #tpu.memory_space<hbm>>
    tpu.enqueue_dma source(%dma_start3A_5 : memref<128x128xf32, #tpu.memory_space<hbm>>) target(%arg15 : memref<128x128xf32, #tpu.memory_space<vmem>>) target_semaphore(%arg34 : memref<!tpu.dma_semaphore, #tpu.memory_space<semaphore_mem>>)
    %dma_start3A_6 = arith.constant 0 : i32
    %dma_start3A_7 = tpu.memref_slice %arg4[%mul3A_2, %dma_start3A_6] : memref<4096x128xf32, #tpu.memory_space<hbm>> -> memref<128x128xf32, #tpu.memory_space<hbm>>
    %dma_start3A_8 = arith.constant 0 : i32
    %dma_start3A_9 = tpu.memref_slice %arg4[%mul3A_2, %dma_start3A_8] : memref<4096x128xf32, #tpu.memory_space<hbm>> -> memref<128x128xf32, #tpu.memory_space<hbm>>
    tpu.enqueue_dma source(%dma_start3A_9 : memref<128x128xf32, #tpu.memory_space<hbm>>) target(%arg16 : memref<128x128xf32, #tpu.memory_space<vmem>>) target_semaphore(%arg34 : memref<!tpu.dma_semaphore, #tpu.memory_space<semaphore_mem>>)
    %dma_start3A_10 = arith.constant 0 : i32
    %dma_start3A_11 = tpu.memref_slice %arg5[%mul3A_2, %dma_start3A_10] : memref<4096x128xf32, #tpu.memory_space<hbm>> -> memref<128x128xf32, #tpu.memory_space<hbm>>
    %dma_start3A_12 = arith.constant 0 : i32
    %dma_start3A_13 = tpu.memref_slice %arg5[%mul3A_2, %dma_start3A_12] : memref<4096x128xf32, #tpu.memory_space<hbm>> -> memref<128x128xf32, #tpu.memory_space<hbm>>
    tpu.enqueue_dma source(%dma_start3A_13 : memref<128x128xf32, #tpu.memory_space<hbm>>) target(%arg17 : memref<128x128xf32, #tpu.memory_space<vmem>>) target_semaphore(%arg34 : memref<!tpu.dma_semaphore, #tpu.memory_space<semaphore_mem>>)
    %add3A_14 = arith.constant 0 : i32
    %add3A_15 = arith.addi %mul3A_2, %add3A_14 : i32
    %dma_start3A_16 = arith.constant 0 : i32
    %dma_start3A_17 = tpu.memref_slice %arg2[%add3A_15, %dma_start3A_16] : memref<4096x8192xf32, #tpu.memory_space<hbm>> -> memref<1x8192xf32, #tpu.memory_space<hbm>>
    %dma_start3A_18 = tpu.memref_squeeze %dma_start3A_17 : memref<1x8192xf32, #tpu.memory_space<hbm>> -> memref<8192xf32, #tpu.memory_space<hbm>>
    %dma_start3A_19 = arith.constant 0 : i32
    %dma_start3A_20 = tpu.memref_slice %arg2[%add3A_15, %dma_start3A_19] : memref<4096x8192xf32, #tpu.memory_space<hbm>> -> memref<1x8192xf32, #tpu.memory_space<hbm>>
    %dma_start3A_21 = tpu.memref_squeeze %dma_start3A_20 : memref<1x8192xf32, #tpu.memory_space<hbm>> -> memref<8192xf32, #tpu.memory_space<hbm>>
    tpu.enqueue_dma source(%dma_start3A_21 : memref<8192xf32, #tpu.memory_space<hbm>>) target(%arg7 : memref<8192xf32, #tpu.memory_space<vmem>>) target_semaphore(%arg18 : memref<!tpu.dma_semaphore, #tpu.memory_space<semaphore_mem>>)
    %add3A_22 = arith.constant 1 : i32
    %add3A_23 = arith.addi %mul3A_2, %add3A_22 : i32
    %dma_start3A_24 = arith.constant 0 : i32
    %dma_start3A_25 = tpu.memref_slice %arg2[%add3A_23, %dma_start3A_24] : memref<4096x8192xf32, #tpu.memory_space<hbm>> -> memref<1x8192xf32, #tpu.memory_space<hbm>>
    %dma_start3A_26 = tpu.memref_squeeze %dma_start3A_25 : memref<1x8192xf32, #tpu.memory_space<hbm>> -> memref<8192xf32, #tpu.memory_space<hbm>>
    %dma_start3A_27 = arith.constant 0 : i32
    %dma_start3A_28 = tpu.memref_slice %arg2[%add3A_23, %dma_start3A_27] : memref<4096x8192xf32, #tpu.memory_space<hbm>> -> memref<1x8192xf32, #tpu.memory_space<hbm>>
    %dma_start3A_29 = tpu.memref_squeeze %dma_start3A_28 : memref<1x8192xf32, #tpu.memory_space<hbm>> -> memref<8192xf32, #tpu.memory_space<hbm>>
    tpu.enqueue_dma source(%dma_start3A_29 : memref<8192xf32, #tpu.memory_space<hbm>>) target(%arg8 : memref<8192xf32, #tpu.memory_space<vmem>>) target_semaphore(%arg19 : memref<!tpu.dma_semaphore, #tpu.memory_space<semaphore_mem>>)
    %add3A_30 = arith.constant 2 : i32
    %add3A_31 = arith.addi %mul3A_2, %add3A_30 : i32
    %dma_start3A_32 = arith.constant 0 : i32
    %dma_start3A_33 = tpu.memref_slice %arg2[%add3A_31, %dma_start3A_32] : memref<4096x8192xf32, #tpu.memory_space<hbm>> -> memref<1x8192xf32, #tpu.memory_space<hbm>>
    %dma_start3A_34 = tpu.memref_squeeze %dma_start3A_33 : memref<1x8192xf32, #tpu.memory_space<hbm>> -> memref<8192xf32, #tpu.memory_space<hbm>>
    %dma_start3A_35 = arith.constant 0 : i32
    %dma_start3A_36 = tpu.memref_slice %arg2[%add3A_31, %dma_start3A_35] : memref<4096x8192xf32, #tpu.memory_space<hbm>> -> memref<1x8192xf32, #tpu.memory_space<hbm>>
    %dma_start3A_37 = tpu.memref_squeeze %dma_start3A_36 : memref<1x8192xf32, #tpu.memory_space<hbm>> -> memref<8192xf32, #tpu.memory_space<hbm>>
    tpu.enqueue_dma source(%dma_start3A_37 : memref<8192xf32, #tpu.memory_space<hbm>>) target(%arg9 : memref<8192xf32, #tpu.memory_space<vmem>>) target_semaphore(%arg20 : memref<!tpu.dma_semaphore, #tpu.memory_space<semaphore_mem>>)
    %add3A_38 = arith.constant 3 : i32
    %add3A_39 = arith.addi %mul3A_2, %add3A_38 : i32
    %dma_start3A_40 = arith.constant 0 : i32
    %dma_start3A_41 = tpu.memref_slice %arg2[%add3A_39, %dma_start3A_40] : memref<4096x8192xf32, #tpu.memory_space<hbm>> -> memref<1x8192xf32, #tpu.memory_space<hbm>>
    %dma_start3A_42 = tpu.memref_squeeze %dma_start3A_41 : memref<1x8192xf32, #tpu.memory_space<hbm>> -> memref<8192xf32, #tpu.memory_space<hbm>>
    %dma_start3A_43 = arith.constant 0 : i32
    %dma_start3A_44 = tpu.memref_slice %arg2[%add3A_39, %dma_start3A_43] : memref<4096x8192xf32, #tpu.memory_space<hbm>> -> memref<1x8192xf32, #tpu.memory_space<hbm>>
    %dma_start3A_45 = tpu.memref_squeeze %dma_start3A_44 : memref<1x8192xf32, #tpu.memory_space<hbm>> -> memref<8192xf32, #tpu.memory_space<hbm>>
    tpu.enqueue_dma source(%dma_start3A_45 : memref<8192xf32, #tpu.memory_space<hbm>>) target(%arg10 : memref<8192xf32, #tpu.memory_space<vmem>>) target_semaphore(%arg21 : memref<!tpu.dma_semaphore, #tpu.memory_space<semaphore_mem>>)
    %add3A_46 = arith.constant 4 : i32
    %add3A_47 = arith.addi %mul3A_2, %add3A_46 : i32
    %dma_start3A_48 = arith.constant 0 : i32
    %dma_start3A_49 = tpu.memref_slice %arg2[%add3A_47, %dma_start3A_48] : memref<4096x8192xf32, #tpu.memory_space<hbm>> -> memref<1x8192xf32, #tpu.memory_space<hbm>>
    %dma_start3A_50 = tpu.memref_squeeze %dma_start3A_49 : memref<1x8192xf32, #tpu.memory_space<hbm>> -> memref<8192xf32, #tpu.memory_space<hbm>>
    %dma_start3A_51 = arith.constant 0 : i32
    %dma_start3A_52 = tpu.memref_slice %arg2[%add3A_47, %dma_start3A_51] : memref<4096x8192xf32, #tpu.memory_space<hbm>> -> memref<1x8192xf32, #tpu.memory_space<hbm>>
    %dma_start3A_53 = tpu.memref_squeeze %dma_start3A_52 : memref<1x8192xf32, #tpu.memory_space<hbm>> -> memref<8192xf32, #tpu.memory_space<hbm>>
    tpu.enqueue_dma source(%dma_start3A_53 : memref<8192xf32, #tpu.memory_space<hbm>>) target(%arg11 : memref<8192xf32, #tpu.memory_space<vmem>>) target_semaphore(%arg22 : memref<!tpu.dma_semaphore, #tpu.memory_space<semaphore_mem>>)
    %add3A_54 = arith.constant 5 : i32
    %add3A_55 = arith.addi %mul3A_2, %add3A_54 : i32
    %dma_start3A_56 = arith.constant 0 : i32
    %dma_start3A_57 = tpu.memref_slice %arg2[%add3A_55, %dma_start3A_56] : memref<4096x8192xf32, #tpu.memory_space<hbm>> -> memref<1x8192xf32, #tpu.memory_space<hbm>>
    %dma_start3A_58 = tpu.memref_squeeze %dma_start3A_57 : memref<1x8192xf32, #tpu.memory_space<hbm>> -> memref<8192xf32, #tpu.memory_space<hbm>>
    %dma_start3A_59 = arith.constant 0 : i32
    %dma_start3A_60 = tpu.memref_slice %arg2[%add3A_55, %dma_start3A_59] : memref<4096x8192xf32, #tpu.memory_space<hbm>> -> memref<1x8192xf32, #tpu.memory_space<hbm>>
    %dma_start3A_61 = tpu.memref_squeeze %dma_start3A_60 : memref<1x8192xf32, #tpu.memory_space<hbm>> -> memref<8192xf32, #tpu.memory_space<hbm>>
    tpu.enqueue_dma source(%dma_start3A_61 : memref<8192xf32, #tpu.memory_space<hbm>>) target(%arg12 : memref<8192xf32, #tpu.memory_space<vmem>>) target_semaphore(%arg23 : memref<!tpu.dma_semaphore, #tpu.memory_space<semaphore_mem>>)
    %dma_wait3A = arith.constant 0 : i32
    %dma_wait3A_62 = tpu.memref_slice %arg3[%mul3A_2, %dma_wait3A] : memref<4096x128xf32, #tpu.memory_space<hbm>> -> memref<128x128xf32, #tpu.memory_space<hbm>>
    %dma_wait3A_63 = arith.constant 0 : i32
    %dma_wait3A_64 = tpu.memref_slice %arg3[%mul3A_2, %dma_wait3A_63] : memref<4096x128xf32, #tpu.memory_space<hbm>> -> memref<128x128xf32, #tpu.memory_space<hbm>>
    tpu.wait_dma2 semaphore(%arg34 : memref<!tpu.dma_semaphore, #tpu.memory_space<semaphore_mem>>) src(%dma_wait3A_64 : memref<128x128xf32, #tpu.memory_space<hbm>>) dst(%arg15 : memref<128x128xf32, #tpu.memory_space<vmem>>)
    %dma_wait3A_65 = arith.constant 0 : i32
    %dma_wait3A_66 = tpu.memref_slice %arg4[%mul3A_2, %dma_wait3A_65] : memref<4096x128xf32, #tpu.memory_space<hbm>> -> memref<128x128xf32, #tpu.memory_space<hbm>>
    %dma_wait3A_67 = arith.constant 0 : i32
    %dma_wait3A_68 = tpu.memref_slice %arg4[%mul3A_2, %dma_wait3A_67] : memref<4096x128xf32, #tpu.memory_space<hbm>> -> memref<128x128xf32, #tpu.memory_space<hbm>>
    tpu.wait_dma2 semaphore(%arg34 : memref<!tpu.dma_semaphore, #tpu.memory_space<semaphore_mem>>) src(%dma_wait3A_68 : memref<128x128xf32, #tpu.memory_space<hbm>>) dst(%arg16 : memref<128x128xf32, #tpu.memory_space<vmem>>)
    %dma_wait3A_69 = arith.constant 0 : i32
    %dma_wait3A_70 = tpu.memref_slice %arg5[%mul3A_2, %dma_wait3A_69] : memref<4096x128xf32, #tpu.memory_space<hbm>> -> memref<128x128xf32, #tpu.memory_space<hbm>>
    %dma_wait3A_71 = arith.constant 0 : i32
    %dma_wait3A_72 = tpu.memref_slice %arg5[%mul3A_2, %dma_wait3A_71] : memref<4096x128xf32, #tpu.memory_space<hbm>> -> memref<128x128xf32, #tpu.memory_space<hbm>>
    tpu.wait_dma2 semaphore(%arg34 : memref<!tpu.dma_semaphore, #tpu.memory_space<semaphore_mem>>) src(%dma_wait3A_72 : memref<128x128xf32, #tpu.memory_space<hbm>>) dst(%arg17 : memref<128x128xf32, #tpu.memory_space<vmem>>)
    %iota3A = tpu.iota {dimensions = array<i32: 0>} : vector<16xi32>
    %scan3A = arith.constant 0 : i32
    %scan3A_73 = arith.constant 16 : i32
    %scan3A_74 = arith.addi %scan3A, %scan3A_73 : i32
    %scan3A_75 = arith.constant 1 : i32
    scf.for %scan3A_93 = %scan3A to %scan3A_74 step %scan3A_75  : i32 {
      %mul3A_94 = arith.constant 8 : i32
      %mul3A_95 = arith.muli %scan3A_93, %mul3A_94 : i32
      %add3A_96 = arith.constant 0 : i32
      %add3A_97 = arith.addi %add3A_96, %mul3A_95 : i32
      %add3A_98 = arith.constant 0 : i32
      %add3A_99 = arith.addi %add3A_97, %add3A_98 : i32
      %add3A_100 = arith.constant 6 : i32
      %add3A_101 = arith.addi %add3A_99, %add3A_100 : i32
      %ge3A = arith.constant 8 : i32
      %ge3A_102 = arith.cmpi sge, %add3A_101, %ge3A : i32
      %convert_element_type3A = arith.extui %ge3A_102 : i1 to i32
      %cond3A = arith.constant 0 : i32
      %cond3A_103 = arith.cmpi ne, %convert_element_type3A, %cond3A : i32
      scf.if %cond3A_103 {
        %sub3A = arith.constant 8 : i32
        %sub3A_2045 = arith.subi %add3A_101, %sub3A : i32
        %add3A_2046 = arith.addi %mul3A_2, %sub3A_2045 : i32
        %dma_wait3A_2047 = arith.constant 0 : i32
        %dma_wait3A_2048 = tpu.memref_slice %arg6[%add3A_2046, %dma_wait3A_2047] : memref<4096x8192xf32, #tpu.memory_space<hbm>> -> memref<1x8192xf32, #tpu.memory_space<hbm>>
        %dma_wait3A_2049 = tpu.memref_squeeze %dma_wait3A_2048 : memref<1x8192xf32, #tpu.memory_space<hbm>> -> memref<8192xf32, #tpu.memory_space<hbm>>
        %dma_wait3A_2050 = arith.constant 0 : i32
        %dma_wait3A_2051 = tpu.memref_slice %arg6[%add3A_2046, %dma_wait3A_2050] : memref<4096x8192xf32, #tpu.memory_space<hbm>> -> memref<1x8192xf32, #tpu.memory_space<hbm>>
        %dma_wait3A_2052 = tpu.memref_squeeze %dma_wait3A_2051 : memref<1x8192xf32, #tpu.memory_space<hbm>> -> memref<8192xf32, #tpu.memory_space<hbm>>
        tpu.wait_dma2 semaphore(%arg32 : memref<!tpu.dma_semaphore, #tpu.memory_space<semaphore_mem>>) src(%arg13 : memref<8192xf32, #tpu.memory_space<vmem>>) dst(%dma_wait3A_2052 : memref<8192xf32, #tpu.memory_space<hbm>>)
      } else {
      }
      %lt3A = arith.constant 128 : i32
      %lt3A_104 = arith.cmpi slt, %add3A_101, %lt3A : i32
      %convert_element_type3A_105 = arith.extui %lt3A_104 : i1 to i32
      %cond3A_106 = arith.constant 0 : i32
      %cond3A_107 = arith.cmpi ne, %convert_element_type3A_105, %cond3A_106 : i32
      scf.if %cond3A_107 {
        %add3A_2045 = arith.addi %mul3A_2, %add3A_101 : i32
        %dma_start3A_2046 = arith.constant 0 : i32
        %dma_start3A_2047 = tpu.memref_slice %arg2[%add3A_2045, %dma_start3A_2046] : memref<4096x8192xf32, #tpu.memory_space<hbm>> -> memref<1x8192xf32, #tpu.memory_space<hbm>>
        %dma_start3A_2048 = tpu.memref_squeeze %dma_start3A_2047 : memref<1x8192xf32, #tpu.memory_space<hbm>> -> memref<8192xf32, #tpu.memory_space<hbm>>
        %dma_start3A_2049 = arith.constant 0 : i32
        %dma_start3A_2050 = tpu.memref_slice %arg2[%add3A_2045, %dma_start3A_2049] : memref<4096x8192xf32, #tpu.memory_space<hbm>> -> memref<1x8192xf32, #tpu.memory_space<hbm>>
        %dma_start3A_2051 = tpu.memref_squeeze %dma_start3A_2050 : memref<1x8192xf32, #tpu.memory_space<hbm>> -> memref<8192xf32, #tpu.memory_space<hbm>>
        tpu.enqueue_dma source(%dma_start3A_2051 : memref<8192xf32, #tpu.memory_space<hbm>>) target(%arg13 : memref<8192xf32, #tpu.memory_space<vmem>>) target_semaphore(%arg24 : memref<!tpu.dma_semaphore, #tpu.memory_space<semaphore_mem>>)
      } else {
      }
      %add3A_108 = arith.addi %mul3A_2, %add3A_99 : i32
      %dma_wait3A_109 = arith.constant 0 : i32
      %dma_wait3A_110 = tpu.memref_slice %arg2[%add3A_108, %dma_wait3A_109] : memref<4096x8192xf32, #tpu.memory_space<hbm>> -> memref<1x8192xf32, #tpu.memory_space<hbm>>
      %dma_wait3A_111 = tpu.memref_squeeze %dma_wait3A_110 : memref<1x8192xf32, #tpu.memory_space<hbm>> -> memref<8192xf32, #tpu.memory_space<hbm>>
      %dma_wait3A_112 = arith.constant 0 : i32
      %dma_wait3A_113 = tpu.memref_slice %arg2[%add3A_108, %dma_wait3A_112] : memref<4096x8192xf32, #tpu.memory_space<hbm>> -> memref<1x8192xf32, #tpu.memory_space<hbm>>
      %dma_wait3A_114 = tpu.memref_squeeze %dma_wait3A_113 : memref<1x8192xf32, #tpu.memory_space<hbm>> -> memref<8192xf32, #tpu.memory_space<hbm>>
      tpu.wait_dma2 semaphore(%arg18 : memref<!tpu.dma_semaphore, #tpu.memory_space<semaphore_mem>>) src(%dma_wait3A_114 : memref<8192xf32, #tpu.memory_space<hbm>>) dst(%arg7 : memref<8192xf32, #tpu.memory_space<vmem>>)
      %get3A = arith.index_cast %add3A_99 : i32 to index
      %get3A_115 = arith.constant 0 : index
      %get3A_116 = tpu.vector_load %arg15[%get3A, %get3A_115] {strides = array<i32>} : memref<128x128xf32, #tpu.memory_space<vmem>>, vector<16xf32>,
      %mul3A_117 = arith.constant 32 : i32
      %mul3A_118 = vector.broadcast %mul3A_117 : i32 to vector<16xi32>
      %mul3A_119 = arith.muli %iota3A, %mul3A_118 : vector<16xi32>
      %add3A_120 = arith.constant 0 : i32
      %add3A_121 = vector.broadcast %add3A_120 : i32 to vector<16xi32>
      %add3A_122 = arith.addi %mul3A_119, %add3A_121 : vector<16xi32>
      tpu.vector_store_idx %arg7[%add3A_122], %get3A_116 {add = true} : memref<8192xf32, #tpu.memory_space<vmem>>[vector<16xi32>], vector<16xf32>,
      %get3A_123 = arith.index_cast %add3A_99 : i32 to index
      %get3A_124 = arith.constant 16 : index
      %get3A_125 = tpu.vector_load %arg15[%get3A_123, %get3A_124] {strides = array<i32>} : memref<128x128xf32, #tpu.memory_space<vmem>>, vector<16xf32>,
      %mul3A_126 = arith.constant 32 : i32
      %mul3A_127 = vector.broadcast %mul3A_126 : i32 to vector<16xi32>
      %mul3A_128 = arith.muli %iota3A, %mul3A_127 : vector<16xi32>
      %add3A_129 = arith.constant 512 : i32
      %add3A_130 = vector.broadcast %add3A_129 : i32 to vector<16xi32>
      %add3A_131 = arith.addi %mul3A_128, %add3A_130 : vector<16xi32>
      tpu.vector_store_idx %arg7[%add3A_131], %get3A_125 {add = true} : memref<8192xf32, #tpu.memory_space<vmem>>[vector<16xi32>], vector<16xf32>,
      %get3A_132 = arith.index_cast %add3A_99 : i32 to index
      %get3A_133 = arith.constant 32 : index
      %get3A_134 = tpu.vector_load %arg15[%get3A_132, %get3A_133] {strides = array<i32>} : memref<128x128xf32, #tpu.memory_space<vmem>>, vector<16xf32>,
      %mul3A_135 = arith.constant 32 : i32
      %mul3A_136 = vector.broadcast %mul3A_135 : i32 to vector<16xi32>
      %mul3A_137 = arith.muli %iota3A, %mul3A_136 : vector<16xi32>
      %add3A_138 = arith.constant 1024 : i32
      %add3A_139 = vector.broadcast %add3A_138 : i32 to vector<16xi32>
      %add3A_140 = arith.addi %mul3A_137, %add3A_139 : vector<16xi32>
      tpu.vector_store_idx %arg7[%add3A_140], %get3A_134 {add = true} : memref<8192xf32, #tpu.memory_space<vmem>>[vector<16xi32>], vector<16xf32>,
      %get3A_141 = arith.index_cast %add3A_99 : i32 to index
      %get3A_142 = arith.constant 48 : index
      %get3A_143 = tpu.vector_load %arg15[%get3A_141, %get3A_142] {strides = array<i32>} : memref<128x128xf32, #tpu.memory_space<vmem>>, vector<16xf32>,
      %mul3A_144 = arith.constant 32 : i32
      %mul3A_145 = vector.broadcast %mul3A_144 : i32 to vector<16xi32>
      %mul3A_146 = arith.muli %iota3A, %mul3A_145 : vector<16xi32>
      %add3A_147 = arith.constant 1536 : i32
      %add3A_148 = vector.broadcast %add3A_147 : i32 to vector<16xi32>
      %add3A_149 = arith.addi %mul3A_146, %add3A_148 : vector<16xi32>
      tpu.vector_store_idx %arg7[%add3A_149], %get3A_143 {add = true} : memref<8192xf32, #tpu.memory_space<vmem>>[vector<16xi32>], vector<16xf32>,
      %get3A_150 = arith.index_cast %add3A_99 : i32 to index
      %get3A_151 = arith.constant 64 : index
      %get3A_152 = tpu.vector_load %arg15[%get3A_150, %get3A_151] {strides = array<i32>} : memref<128x128xf32, #tpu.memory_space<vmem>>, vector<16xf32>,
      %mul3A_153 = arith.constant 32 : i32
      %mul3A_154 = vector.broadcast %mul3A_153 : i32 to vector<16xi32>
      %mul3A_155 = arith.muli %iota3A, %mul3A_154 : vector<16xi32>
      %add3A_156 = arith.constant 2048 : i32
      %add3A_157 = vector.broadcast %add3A_156 : i32 to vector<16xi32>
      %add3A_158 = arith.addi %mul3A_155, %add3A_157 : vector<16xi32>
      tpu.vector_store_idx %arg7[%add3A_158], %get3A_152 {add = true} : memref<8192xf32, #tpu.memory_space<vmem>>[vector<16xi32>], vector<16xf32>,
      %get3A_159 = arith.index_cast %add3A_99 : i32 to index
      %get3A_160 = arith.constant 80 : index
      %get3A_161 = tpu.vector_load %arg15[%get3A_159, %get3A_160] {strides = array<i32>} : memref<128x128xf32, #tpu.memory_space<vmem>>, vector<16xf32>,
      %mul3A_162 = arith.constant 32 : i32
      %mul3A_163 = vector.broadcast %mul3A_162 : i32 to vector<16xi32>
      %mul3A_164 = arith.muli %iota3A, %mul3A_163 : vector<16xi32>
      %add3A_165 = arith.constant 2560 : i32
      %add3A_166 = vector.broadcast %add3A_165 : i32 to vector<16xi32>
      %add3A_167 = arith.addi %mul3A_164, %add3A_166 : vector<16xi32>
      tpu.vector_store_idx %arg7[%add3A_167], %get3A_161 {add = true} : memref<8192xf32, #tpu.memory_space<vmem>>[vector<16xi32>], vector<16xf32>,
      %get3A_168 = arith.index_cast %add3A_99 : i32 to index
      %get3A_169 = arith.constant 96 : index
      %get3A_170 = tpu.vector_load %arg15[%get3A_168, %get3A_169] {strides = array<i32>} : memref<128x128xf32, #tpu.memory_space<vmem>>, vector<16xf32>,
      %mul3A_171 = arith.constant 32 : i32
      %mul3A_172 = vector.broadcast %mul3A_171 : i32 to vector<16xi32>
      %mul3A_173 = arith.muli %iota3A, %mul3A_172 : vector<16xi32>
      %add3A_174 = arith.constant 3072 : i32
      %add3A_175 = vector.broadcast %add3A_174 : i32 to vector<16xi32>
      %add3A_176 = arith.addi %mul3A_173, %add3A_175 : vector<16xi32>
      tpu.vector_store_idx %arg7[%add3A_176], %get3A_170 {add = true} : memref<8192xf32, #tpu.memory_space<vmem>>[vector<16xi32>], vector<16xf32>,
      %get3A_177 = arith.index_cast %add3A_99 : i32 to index
      %get3A_178 = arith.constant 112 : index
      %get3A_179 = tpu.vector_load %arg15[%get3A_177, %get3A_178] {strides = array<i32>} : memref<128x128xf32, #tpu.memory_space<vmem>>, vector<16xf32>,
      %mul3A_180 = arith.constant 32 : i32
      %mul3A_181 = vector.broadcast %mul3A_180 : i32 to vector<16xi32>
      %mul3A_182 = arith.muli %iota3A, %mul3A_181 : vector<16xi32>
      %add3A_183 = arith.constant 3584 : i32
      %add3A_184 = vector.broadcast %add3A_183 : i32 to vector<16xi32>
      %add3A_185 = arith.addi %mul3A_182, %add3A_184 : vector<16xi32>
      tpu.vector_store_idx %arg7[%add3A_185], %get3A_179 {add = true} : memref<8192xf32, #tpu.memory_space<vmem>>[vector<16xi32>], vector<16xf32>,
      %get3A_186 = arith.index_cast %add3A_99 : i32 to index
      %get3A_187 = arith.constant 0 : index
      %get3A_188 = tpu.vector_load %arg16[%get3A_186, %get3A_187] {strides = array<i32>} : memref<128x128xf32, #tpu.memory_space<vmem>>, vector<16xf32>,
      %mul3A_189 = arith.constant 32 : i32
      %mul3A_190 = vector.broadcast %mul3A_189 : i32 to vector<16xi32>
      %mul3A_191 = arith.muli %iota3A, %mul3A_190 : vector<16xi32>
      %add3A_192 = arith.constant 7 : i32
      %add3A_193 = vector.broadcast %add3A_192 : i32 to vector<16xi32>
      %add3A_194 = arith.addi %mul3A_191, %add3A_193 : vector<16xi32>
      tpu.vector_store_idx %arg7[%add3A_194], %get3A_188 {add = true} : memref<8192xf32, #tpu.memory_space<vmem>>[vector<16xi32>], vector<16xf32>,
      %get3A_195 = arith.index_cast %add3A_99 : i32 to index
      %get3A_196 = arith.constant 16 : index
      %get3A_197 = tpu.vector_load %arg16[%get3A_195, %get3A_196] {strides = array<i32>} : memref<128x128xf32, #tpu.memory_space<vmem>>, vector<16xf32>,
      %mul3A_198 = arith.constant 32 : i32
      %mul3A_199 = vector.broadcast %mul3A_198 : i32 to vector<16xi32>
      %mul3A_200 = arith.muli %iota3A, %mul3A_199 : vector<16xi32>
      %add3A_201 = arith.constant 519 : i32
      %add3A_202 = vector.broadcast %add3A_201 : i32 to vector<16xi32>
      %add3A_203 = arith.addi %mul3A_200, %add3A_202 : vector<16xi32>
      tpu.vector_store_idx %arg7[%add3A_203], %get3A_197 {add = true} : memref<8192xf32, #tpu.memory_space<vmem>>[vector<16xi32>], vector<16xf32>,
      %get3A_204 = arith.index_cast %add3A_99 : i32 to index
      %get3A_205 = arith.constant 32 : index
      %get3A_206 = tpu.vector_load %arg16[%get3A_204, %get3A_205] {strides = array<i32>} : memref<128x128xf32, #tpu.memory_space<vmem>>, vector<16xf32>,
      %mul3A_207 = arith.constant 32 : i32
      %mul3A_208 = vector.broadcast %mul3A_207 : i32 to vector<16xi32>
      %mul3A_209 = arith.muli %iota3A, %mul3A_208 : vector<16xi32>
      %add3A_210 = arith.constant 1031 : i32
      %add3A_211 = vector.broadcast %add3A_210 : i32 to vector<16xi32>
      %add3A_212 = arith.addi %mul3A_209, %add3A_211 : vector<16xi32>
      tpu.vector_store_idx %arg7[%add3A_212], %get3A_206 {add = true} : memref<8192xf32, #tpu.memory_space<vmem>>[vector<16xi32>], vector<16xf32>,
      %get3A_213 = arith.index_cast %add3A_99 : i32 to index
      %get3A_214 = arith.constant 48 : index
      %get3A_215 = tpu.vector_load %arg16[%get3A_213, %get3A_214] {strides = array<i32>} : memref<128x128xf32, #tpu.memory_space<vmem>>, vector<16xf32>,
      %mul3A_216 = arith.constant 32 : i32
      %mul3A_217 = vector.broadcast %mul3A_216 : i32 to vector<16xi32>
      %mul3A_218 = arith.muli %iota3A, %mul3A_217 : vector<16xi32>
      %add3A_219 = arith.constant 1543 : i32
      %add3A_220 = vector.broadcast %add3A_219 : i32 to vector<16xi32>
      %add3A_221 = arith.addi %mul3A_218, %add3A_220 : vector<16xi32>
      tpu.vector_store_idx %arg7[%add3A_221], %get3A_215 {add = true} : memref<8192xf32, #tpu.memory_space<vmem>>[vector<16xi32>], vector<16xf32>,
      %get3A_222 = arith.index_cast %add3A_99 : i32 to index
      %get3A_223 = arith.constant 64 : index
      %get3A_224 = tpu.vector_load %arg16[%get3A_222, %get3A_223] {strides = array<i32>} : memref<128x128xf32, #tpu.memory_space<vmem>>, vector<16xf32>,
      %mul3A_225 = arith.constant 32 : i32
      %mul3A_226 = vector.broadcast %mul3A_225 : i32 to vector<16xi32>
      %mul3A_227 = arith.muli %iota3A, %mul3A_226 : vector<16xi32>
      %add3A_228 = arith.constant 2055 : i32
      %add3A_229 = vector.broadcast %add3A_228 : i32 to vector<16xi32>
      %add3A_230 = arith.addi %mul3A_227, %add3A_229 : vector<16xi32>
      tpu.vector_store_idx %arg7[%add3A_230], %get3A_224 {add = true} : memref<8192xf32, #tpu.memory_space<vmem>>[vector<16xi32>], vector<16xf32>,
      %get3A_231 = arith.index_cast %add3A_99 : i32 to index
      %get3A_232 = arith.constant 80 : index
      %get3A_233 = tpu.vector_load %arg16[%get3A_231, %get3A_232] {strides = array<i32>} : memref<128x128xf32, #tpu.memory_space<vmem>>, vector<16xf32>,
      %mul3A_234 = arith.constant 32 : i32
      %mul3A_235 = vector.broadcast %mul3A_234 : i32 to vector<16xi32>
      %mul3A_236 = arith.muli %iota3A, %mul3A_235 : vector<16xi32>
      %add3A_237 = arith.constant 2567 : i32
      %add3A_238 = vector.broadcast %add3A_237 : i32 to vector<16xi32>
      %add3A_239 = arith.addi %mul3A_236, %add3A_238 : vector<16xi32>
      tpu.vector_store_idx %arg7[%add3A_239], %get3A_233 {add = true} : memref<8192xf32, #tpu.memory_space<vmem>>[vector<16xi32>], vector<16xf32>,
      %get3A_240 = arith.index_cast %add3A_99 : i32 to index
      %get3A_241 = arith.constant 96 : index
      %get3A_242 = tpu.vector_load %arg16[%get3A_240, %get3A_241] {strides = array<i32>} : memref<128x128xf32, #tpu.memory_space<vmem>>, vector<16xf32>,
      %mul3A_243 = arith.constant 32 : i32
      %mul3A_244 = vector.broadcast %mul3A_243 : i32 to vector<16xi32>
      %mul3A_245 = arith.muli %iota3A, %mul3A_244 : vector<16xi32>
      %add3A_246 = arith.constant 3079 : i32
      %add3A_247 = vector.broadcast %add3A_246 : i32 to vector<16xi32>
      %add3A_248 = arith.addi %mul3A_245, %add3A_247 : vector<16xi32>
      tpu.vector_store_idx %arg7[%add3A_248], %get3A_242 {add = true} : memref<8192xf32, #tpu.memory_space<vmem>>[vector<16xi32>], vector<16xf32>,
      %get3A_249 = arith.index_cast %add3A_99 : i32 to index
      %get3A_250 = arith.constant 112 : index
      %get3A_251 = tpu.vector_load %arg16[%get3A_249, %get3A_250] {strides = array<i32>} : memref<128x128xf32, #tpu.memory_space<vmem>>, vector<16xf32>,
      %mul3A_252 = arith.constant 32 : i32
      %mul3A_253 = vector.broadcast %mul3A_252 : i32 to vector<16xi32>
      %mul3A_254 = arith.muli %iota3A, %mul3A_253 : vector<16xi32>
      %add3A_255 = arith.constant 3591 : i32
      %add3A_256 = vector.broadcast %add3A_255 : i32 to vector<16xi32>
      %add3A_257 = arith.addi %mul3A_254, %add3A_256 : vector<16xi32>
      tpu.vector_store_idx %arg7[%add3A_257], %get3A_251 {add = true} : memref<8192xf32, #tpu.memory_space<vmem>>[vector<16xi32>], vector<16xf32>,
      %get3A_258 = arith.index_cast %add3A_99 : i32 to index
      %get3A_259 = arith.constant 0 : index
      %get3A_260 = tpu.vector_load %arg17[%get3A_258, %get3A_259] {strides = array<i32>} : memref<128x128xf32, #tpu.memory_space<vmem>>, vector<16xf32>,
      %mul3A_261 = arith.constant 32 : i32
      %mul3A_262 = vector.broadcast %mul3A_261 : i32 to vector<16xi32>
      %mul3A_263 = arith.muli %iota3A, %mul3A_262 : vector<16xi32>
      %add3A_264 = arith.constant 15 : i32
      %add3A_265 = vector.broadcast %add3A_264 : i32 to vector<16xi32>
      %add3A_266 = arith.addi %mul3A_263, %add3A_265 : vector<16xi32>
      tpu.vector_store_idx %arg7[%add3A_266], %get3A_260 {add = true} : memref<8192xf32, #tpu.memory_space<vmem>>[vector<16xi32>], vector<16xf32>,
      %get3A_267 = arith.index_cast %add3A_99 : i32 to index
      %get3A_268 = arith.constant 16 : index
      %get3A_269 = tpu.vector_load %arg17[%get3A_267, %get3A_268] {strides = array<i32>} : memref<128x128xf32, #tpu.memory_space<vmem>>, vector<16xf32>,
      %mul3A_270 = arith.constant 32 : i32
      %mul3A_271 = vector.broadcast %mul3A_270 : i32 to vector<16xi32>
      %mul3A_272 = arith.muli %iota3A, %mul3A_271 : vector<16xi32>
      %add3A_273 = arith.constant 527 : i32
      %add3A_274 = vector.broadcast %add3A_273 : i32 to vector<16xi32>
      %add3A_275 = arith.addi %mul3A_272, %add3A_274 : vector<16xi32>
      tpu.vector_store_idx %arg7[%add3A_275], %get3A_269 {add = true} : memref<8192xf32, #tpu.memory_space<vmem>>[vector<16xi32>], vector<16xf32>,
      %get3A_276 = arith.index_cast %add3A_99 : i32 to index
      %get3A_277 = arith.constant 32 : index
      %get3A_278 = tpu.vector_load %arg17[%get3A_276, %get3A_277] {strides = array<i32>} : memref<128x128xf32, #tpu.memory_space<vmem>>, vector<16xf32>,
      %mul3A_279 = arith.constant 32 : i32
      %mul3A_280 = vector.broadcast %mul3A_279 : i32 to vector<16xi32>
      %mul3A_281 = arith.muli %iota3A, %mul3A_280 : vector<16xi32>
      %add3A_282 = arith.constant 1039 : i32
      %add3A_283 = vector.broadcast %add3A_282 : i32 to vector<16xi32>
      %add3A_284 = arith.addi %mul3A_281, %add3A_283 : vector<16xi32>
      tpu.vector_store_idx %arg7[%add3A_284], %get3A_278 {add = true} : memref<8192xf32, #tpu.memory_space<vmem>>[vector<16xi32>], vector<16xf32>,
      %get3A_285 = arith.index_cast %add3A_99 : i32 to index
      %get3A_286 = arith.constant 48 : index
      %get3A_287 = tpu.vector_load %arg17[%get3A_285, %get3A_286] {strides = array<i32>} : memref<128x128xf32, #tpu.memory_space<vmem>>, vector<16xf32>,
      %mul3A_288 = arith.constant 32 : i32
      %mul3A_289 = vector.broadcast %mul3A_288 : i32 to vector<16xi32>
      %mul3A_290 = arith.muli %iota3A, %mul3A_289 : vector<16xi32>
      %add3A_291 = arith.constant 1551 : i32
      %add3A_292 = vector.broadcast %add3A_291 : i32 to vector<16xi32>
      %add3A_293 = arith.addi %mul3A_290, %add3A_292 : vector<16xi32>
      tpu.vector_store_idx %arg7[%add3A_293], %get3A_287 {add = true} : memref<8192xf32, #tpu.memory_space<vmem>>[vector<16xi32>], vector<16xf32>,
      %get3A_294 = arith.index_cast %add3A_99 : i32 to index
      %get3A_295 = arith.constant 64 : index
      %get3A_296 = tpu.vector_load %arg17[%get3A_294, %get3A_295] {strides = array<i32>} : memref<128x128xf32, #tpu.memory_space<vmem>>, vector<16xf32>,
      %mul3A_297 = arith.constant 32 : i32
      %mul3A_298 = vector.broadcast %mul3A_297 : i32 to vector<16xi32>
      %mul3A_299 = arith.muli %iota3A, %mul3A_298 : vector<16xi32>
      %add3A_300 = arith.constant 2063 : i32
      %add3A_301 = vector.broadcast %add3A_300 : i32 to vector<16xi32>
      %add3A_302 = arith.addi %mul3A_299, %add3A_301 : vector<16xi32>
      tpu.vector_store_idx %arg7[%add3A_302], %get3A_296 {add = true} : memref<8192xf32, #tpu.memory_space<vmem>>[vector<16xi32>], vector<16xf32>,
      %get3A_303 = arith.index_cast %add3A_99 : i32 to index
      %get3A_304 = arith.constant 80 : index
      %get3A_305 = tpu.vector_load %arg17[%get3A_303, %get3A_304] {strides = array<i32>} : memref<128x128xf32, #tpu.memory_space<vmem>>, vector<16xf32>,
      %mul3A_306 = arith.constant 32 : i32
      %mul3A_307 = vector.broadcast %mul3A_306 : i32 to vector<16xi32>
      %mul3A_308 = arith.muli %iota3A, %mul3A_307 : vector<16xi32>
      %add3A_309 = arith.constant 2575 : i32
      %add3A_310 = vector.broadcast %add3A_309 : i32 to vector<16xi32>
      %add3A_311 = arith.addi %mul3A_308, %add3A_310 : vector<16xi32>
      tpu.vector_store_idx %arg7[%add3A_311], %get3A_305 {add = true} : memref<8192xf32, #tpu.memory_space<vmem>>[vector<16xi32>], vector<16xf32>,
      %get3A_312 = arith.index_cast %add3A_99 : i32 to index
      %get3A_313 = arith.constant 96 : index
      %get3A_314 = tpu.vector_load %arg17[%get3A_312, %get3A_313] {strides = array<i32>} : memref<128x128xf32, #tpu.memory_space<vmem>>, vector<16xf32>,
      %mul3A_315 = arith.constant 32 : i32
      %mul3A_316 = vector.broadcast %mul3A_315 : i32 to vector<16xi32>
      %mul3A_317 = arith.muli %iota3A, %mul3A_316 : vector<16xi32>
      %add3A_318 = arith.constant 3087 : i32
      %add3A_319 = vector.broadcast %add3A_318 : i32 to vector<16xi32>
      %add3A_320 = arith.addi %mul3A_317, %add3A_319 : vector<16xi32>
      tpu.vector_store_idx %arg7[%add3A_320], %get3A_314 {add = true} : memref<8192xf32, #tpu.memory_space<vmem>>[vector<16xi32>], vector<16xf32>,
      %get3A_321 = arith.index_cast %add3A_99 : i32 to index
      %get3A_322 = arith.constant 112 : index
      %get3A_323 = tpu.vector_load %arg17[%get3A_321, %get3A_322] {strides = array<i32>} : memref<128x128xf32, #tpu.memory_space<vmem>>, vector<16xf32>,
      %mul3A_324 = arith.constant 32 : i32
      %mul3A_325 = vector.broadcast %mul3A_324 : i32 to vector<16xi32>
      %mul3A_326 = arith.muli %iota3A, %mul3A_325 : vector<16xi32>
      %add3A_327 = arith.constant 3599 : i32
      %add3A_328 = vector.broadcast %add3A_327 : i32 to vector<16xi32>
      %add3A_329 = arith.addi %mul3A_326, %add3A_328 : vector<16xi32>
      tpu.vector_store_idx %arg7[%add3A_329], %get3A_323 {add = true} : memref<8192xf32, #tpu.memory_space<vmem>>[vector<16xi32>], vector<16xf32>,
      %add3A_330 = arith.addi %mul3A_2, %add3A_99 : i32
      %dma_start3A_331 = arith.constant 0 : i32
      %dma_start3A_332 = tpu.memref_slice %arg6[%add3A_330, %dma_start3A_331] : memref<4096x8192xf32, #tpu.memory_space<hbm>> -> memref<1x8192xf32, #tpu.memory_space<hbm>>
      %dma_start3A_333 = tpu.memref_squeeze %dma_start3A_332 : memref<1x8192xf32, #tpu.memory_space<hbm>> -> memref<8192xf32, #tpu.memory_space<hbm>>
      %dma_start3A_334 = arith.constant 0 : i32
      %dma_start3A_335 = tpu.memref_slice %arg6[%add3A_330, %dma_start3A_334] : memref<4096x8192xf32, #tpu.memory_space<hbm>> -> memref<1x8192xf32, #tpu.memory_space<hbm>>
      %dma_start3A_336 = tpu.memref_squeeze %dma_start3A_335 : memref<1x8192xf32, #tpu.memory_space<hbm>> -> memref<8192xf32, #tpu.memory_space<hbm>>
      tpu.enqueue_dma source(%arg7 : memref<8192xf32, #tpu.memory_space<vmem>>) target(%dma_start3A_336 : memref<8192xf32, #tpu.memory_space<hbm>>) target_semaphore(%arg26 : memref<!tpu.dma_semaphore, #tpu.memory_space<semaphore_mem>>)
      %add3A_337 = arith.constant 1 : i32
      %add3A_338 = arith.addi %add3A_97, %add3A_337 : i32
      %add3A_339 = arith.constant 6 : i32
      %add3A_340 = arith.addi %add3A_338, %add3A_339 : i32
      %ge3A_341 = arith.constant 8 : i32
      %ge3A_342 = arith.cmpi sge, %add3A_340, %ge3A_341 : i32
      %convert_element_type3A_343 = arith.extui %ge3A_342 : i1 to i32
      %cond3A_344 = arith.constant 0 : i32
      %cond3A_345 = arith.cmpi ne, %convert_element_type3A_343, %cond3A_344 : i32
      scf.if %cond3A_345 {
        %sub3A = arith.constant 8 : i32
        %sub3A_2045 = arith.subi %add3A_340, %sub3A : i32
        %add3A_2046 = arith.addi %mul3A_2, %sub3A_2045 : i32
        %dma_wait3A_2047 = arith.constant 0 : i32
        %dma_wait3A_2048 = tpu.memref_slice %arg6[%add3A_2046, %dma_wait3A_2047] : memref<4096x8192xf32, #tpu.memory_space<hbm>> -> memref<1x8192xf32, #tpu.memory_space<hbm>>
        %dma_wait3A_2049 = tpu.memref_squeeze %dma_wait3A_2048 : memref<1x8192xf32, #tpu.memory_space<hbm>> -> memref<8192xf32, #tpu.memory_space<hbm>>
        %dma_wait3A_2050 = arith.constant 0 : i32
        %dma_wait3A_2051 = tpu.memref_slice %arg6[%add3A_2046, %dma_wait3A_2050] : memref<4096x8192xf32, #tpu.memory_space<hbm>> -> memref<1x8192xf32, #tpu.memory_space<hbm>>
        %dma_wait3A_2052 = tpu.memref_squeeze %dma_wait3A_2051 : memref<1x8192xf32, #tpu.memory_space<hbm>> -> memref<8192xf32, #tpu.memory_space<hbm>>
        tpu.wait_dma2 semaphore(%arg33 : memref<!tpu.dma_semaphore, #tpu.memory_space<semaphore_mem>>) src(%arg14 : memref<8192xf32, #tpu.memory_space<vmem>>) dst(%dma_wait3A_2052 : memref<8192xf32, #tpu.memory_space<hbm>>)
      } else {
      }
      %lt3A_346 = arith.constant 128 : i32
      %lt3A_347 = arith.cmpi slt, %add3A_340, %lt3A_346 : i32
      %convert_element_type3A_348 = arith.extui %lt3A_347 : i1 to i32
      %cond3A_349 = arith.constant 0 : i32
      %cond3A_350 = arith.cmpi ne, %convert_element_type3A_348, %cond3A_349 : i32
      scf.if %cond3A_350 {
        %add3A_2045 = arith.addi %mul3A_2, %add3A_340 : i32
        %dma_start3A_2046 = arith.constant 0 : i32
        %dma_start3A_2047 = tpu.memref_slice %arg2[%add3A_2045, %dma_start3A_2046] : memref<4096x8192xf32, #tpu.memory_space<hbm>> -> memref<1x8192xf32, #tpu.memory_space<hbm>>
        %dma_start3A_2048 = tpu.memref_squeeze %dma_start3A_2047 : memref<1x8192xf32, #tpu.memory_space<hbm>> -> memref<8192xf32, #tpu.memory_space<hbm>>
        %dma_start3A_2049 = arith.constant 0 : i32
        %dma_start3A_2050 = tpu.memref_slice %arg2[%add3A_2045, %dma_start3A_2049] : memref<4096x8192xf32, #tpu.memory_space<hbm>> -> memref<1x8192xf32, #tpu.memory_space<hbm>>
        %dma_start3A_2051 = tpu.memref_squeeze %dma_start3A_2050 : memref<1x8192xf32, #tpu.memory_space<hbm>> -> memref<8192xf32, #tpu.memory_space<hbm>>
        tpu.enqueue_dma source(%dma_start3A_2051 : memref<8192xf32, #tpu.memory_space<hbm>>) target(%arg14 : memref<8192xf32, #tpu.memory_space<vmem>>) target_semaphore(%arg25 : memref<!tpu.dma_semaphore, #tpu.memory_space<semaphore_mem>>)
      } else {
      }
      %add3A_351 = arith.addi %mul3A_2, %add3A_338 : i32
      %dma_wait3A_352 = arith.constant 0 : i32
      %dma_wait3A_353 = tpu.memref_slice %arg2[%add3A_351, %dma_wait3A_352] : memref<4096x8192xf32, #tpu.memory_space<hbm>> -> memref<1x8192xf32, #tpu.memory_space<hbm>>
      %dma_wait3A_354 = tpu.memref_squeeze %dma_wait3A_353 : memref<1x8192xf32, #tpu.memory_space<hbm>> -> memref<8192xf32, #tpu.memory_space<hbm>>
      %dma_wait3A_355 = arith.constant 0 : i32
      %dma_wait3A_356 = tpu.memref_slice %arg2[%add3A_351, %dma_wait3A_355] : memref<4096x8192xf32, #tpu.memory_space<hbm>> -> memref<1x8192xf32, #tpu.memory_space<hbm>>
      %dma_wait3A_357 = tpu.memref_squeeze %dma_wait3A_356 : memref<1x8192xf32, #tpu.memory_space<hbm>> -> memref<8192xf32, #tpu.memory_space<hbm>>
      tpu.wait_dma2 semaphore(%arg19 : memref<!tpu.dma_semaphore, #tpu.memory_space<semaphore_mem>>) src(%dma_wait3A_357 : memref<8192xf32, #tpu.memory_space<hbm>>) dst(%arg8 : memref<8192xf32, #tpu.memory_space<vmem>>)
      %get3A_358 = arith.index_cast %add3A_338 : i32 to index
      %get3A_359 = arith.constant 0 : index
      %get3A_360 = tpu.vector_load %arg15[%get3A_358, %get3A_359] {strides = array<i32>} : memref<128x128xf32, #tpu.memory_space<vmem>>, vector<16xf32>,
      %mul3A_361 = arith.constant 32 : i32
      %mul3A_362 = vector.broadcast %mul3A_361 : i32 to vector<16xi32>
      %mul3A_363 = arith.muli %iota3A, %mul3A_362 : vector<16xi32>
      %add3A_364 = arith.constant 0 : i32
      %add3A_365 = vector.broadcast %add3A_364 : i32 to vector<16xi32>
      %add3A_366 = arith.addi %mul3A_363, %add3A_365 : vector<16xi32>
      tpu.vector_store_idx %arg8[%add3A_366], %get3A_360 {add = true} : memref<8192xf32, #tpu.memory_space<vmem>>[vector<16xi32>], vector<16xf32>,
      %get3A_367 = arith.index_cast %add3A_338 : i32 to index
      %get3A_368 = arith.constant 16 : index
      %get3A_369 = tpu.vector_load %arg15[%get3A_367, %get3A_368] {strides = array<i32>} : memref<128x128xf32, #tpu.memory_space<vmem>>, vector<16xf32>,
      %mul3A_370 = arith.constant 32 : i32
      %mul3A_371 = vector.broadcast %mul3A_370 : i32 to vector<16xi32>
      %mul3A_372 = arith.muli %iota3A, %mul3A_371 : vector<16xi32>
      %add3A_373 = arith.constant 512 : i32
      %add3A_374 = vector.broadcast %add3A_373 : i32 to vector<16xi32>
      %add3A_375 = arith.addi %mul3A_372, %add3A_374 : vector<16xi32>
      tpu.vector_store_idx %arg8[%add3A_375], %get3A_369 {add = true} : memref<8192xf32, #tpu.memory_space<vmem>>[vector<16xi32>], vector<16xf32>,
      %get3A_376 = arith.index_cast %add3A_338 : i32 to index
      %get3A_377 = arith.constant 32 : index
      %get3A_378 = tpu.vector_load %arg15[%get3A_376, %get3A_377] {strides = array<i32>} : memref<128x128xf32, #tpu.memory_space<vmem>>, vector<16xf32>,
      %mul3A_379 = arith.constant 32 : i32
      %mul3A_380 = vector.broadcast %mul3A_379 : i32 to vector<16xi32>
      %mul3A_381 = arith.muli %iota3A, %mul3A_380 : vector<16xi32>
      %add3A_382 = arith.constant 1024 : i32
      %add3A_383 = vector.broadcast %add3A_382 : i32 to vector<16xi32>
      %add3A_384 = arith.addi %mul3A_381, %add3A_383 : vector<16xi32>
      tpu.vector_store_idx %arg8[%add3A_384], %get3A_378 {add = true} : memref<8192xf32, #tpu.memory_space<vmem>>[vector<16xi32>], vector<16xf32>,
      %get3A_385 = arith.index_cast %add3A_338 : i32 to index
      %get3A_386 = arith.constant 48 : index
      %get3A_387 = tpu.vector_load %arg15[%get3A_385, %get3A_386] {strides = array<i32>} : memref<128x128xf32, #tpu.memory_space<vmem>>, vector<16xf32>,
      %mul3A_388 = arith.constant 32 : i32
      %mul3A_389 = vector.broadcast %mul3A_388 : i32 to vector<16xi32>
      %mul3A_390 = arith.muli %iota3A, %mul3A_389 : vector<16xi32>
      %add3A_391 = arith.constant 1536 : i32
      %add3A_392 = vector.broadcast %add3A_391 : i32 to vector<16xi32>
      %add3A_393 = arith.addi %mul3A_390, %add3A_392 : vector<16xi32>
      tpu.vector_store_idx %arg8[%add3A_393], %get3A_387 {add = true} : memref<8192xf32, #tpu.memory_space<vmem>>[vector<16xi32>], vector<16xf32>,
      %get3A_394 = arith.index_cast %add3A_338 : i32 to index
      %get3A_395 = arith.constant 64 : index
      %get3A_396 = tpu.vector_load %arg15[%get3A_394, %get3A_395] {strides = array<i32>} : memref<128x128xf32, #tpu.memory_space<vmem>>, vector<16xf32>,
      %mul3A_397 = arith.constant 32 : i32
      %mul3A_398 = vector.broadcast %mul3A_397 : i32 to vector<16xi32>
      %mul3A_399 = arith.muli %iota3A, %mul3A_398 : vector<16xi32>
      %add3A_400 = arith.constant 2048 : i32
      %add3A_401 = vector.broadcast %add3A_400 : i32 to vector<16xi32>
      %add3A_402 = arith.addi %mul3A_399, %add3A_401 : vector<16xi32>
      tpu.vector_store_idx %arg8[%add3A_402], %get3A_396 {add = true} : memref<8192xf32, #tpu.memory_space<vmem>>[vector<16xi32>], vector<16xf32>,
      %get3A_403 = arith.index_cast %add3A_338 : i32 to index
      %get3A_404 = arith.constant 80 : index
      %get3A_405 = tpu.vector_load %arg15[%get3A_403, %get3A_404] {strides = array<i32>} : memref<128x128xf32, #tpu.memory_space<vmem>>, vector<16xf32>,
      %mul3A_406 = arith.constant 32 : i32
      %mul3A_407 = vector.broadcast %mul3A_406 : i32 to vector<16xi32>
      %mul3A_408 = arith.muli %iota3A, %mul3A_407 : vector<16xi32>
      %add3A_409 = arith.constant 2560 : i32
      %add3A_410 = vector.broadcast %add3A_409 : i32 to vector<16xi32>
      %add3A_411 = arith.addi %mul3A_408, %add3A_410 : vector<16xi32>
      tpu.vector_store_idx %arg8[%add3A_411], %get3A_405 {add = true} : memref<8192xf32, #tpu.memory_space<vmem>>[vector<16xi32>], vector<16xf32>,
      %get3A_412 = arith.index_cast %add3A_338 : i32 to index
      %get3A_413 = arith.constant 96 : index
      %get3A_414 = tpu.vector_load %arg15[%get3A_412, %get3A_413] {strides = array<i32>} : memref<128x128xf32, #tpu.memory_space<vmem>>, vector<16xf32>,
      %mul3A_415 = arith.constant 32 : i32
      %mul3A_416 = vector.broadcast %mul3A_415 : i32 to vector<16xi32>
      %mul3A_417 = arith.muli %iota3A, %mul3A_416 : vector<16xi32>
      %add3A_418 = arith.constant 3072 : i32
      %add3A_419 = vector.broadcast %add3A_418 : i32 to vector<16xi32>
      %add3A_420 = arith.addi %mul3A_417, %add3A_419 : vector<16xi32>
      tpu.vector_store_idx %arg8[%add3A_420], %get3A_414 {add = true} : memref<8192xf32, #tpu.memory_space<vmem>>[vector<16xi32>], vector<16xf32>,
      %get3A_421 = arith.index_cast %add3A_338 : i32 to index
      %get3A_422 = arith.constant 112 : index
      %get3A_423 = tpu.vector_load %arg15[%get3A_421, %get3A_422] {strides = array<i32>} : memref<128x128xf32, #tpu.memory_space<vmem>>, vector<16xf32>,
      %mul3A_424 = arith.constant 32 : i32
      %mul3A_425 = vector.broadcast %mul3A_424 : i32 to vector<16xi32>
      %mul3A_426 = arith.muli %iota3A, %mul3A_425 : vector<16xi32>
      %add3A_427 = arith.constant 3584 : i32
      %add3A_428 = vector.broadcast %add3A_427 : i32 to vector<16xi32>
      %add3A_429 = arith.addi %mul3A_426, %add3A_428 : vector<16xi32>
      tpu.vector_store_idx %arg8[%add3A_429], %get3A_423 {add = true} : memref<8192xf32, #tpu.memory_space<vmem>>[vector<16xi32>], vector<16xf32>,
      %get3A_430 = arith.index_cast %add3A_338 : i32 to index
      %get3A_431 = arith.constant 0 : index
      %get3A_432 = tpu.vector_load %arg16[%get3A_430, %get3A_431] {strides = array<i32>} : memref<128x128xf32, #tpu.memory_space<vmem>>, vector<16xf32>,
      %mul3A_433 = arith.constant 32 : i32
      %mul3A_434 = vector.broadcast %mul3A_433 : i32 to vector<16xi32>
      %mul3A_435 = arith.muli %iota3A, %mul3A_434 : vector<16xi32>
      %add3A_436 = arith.constant 7 : i32
      %add3A_437 = vector.broadcast %add3A_436 : i32 to vector<16xi32>
      %add3A_438 = arith.addi %mul3A_435, %add3A_437 : vector<16xi32>
      tpu.vector_store_idx %arg8[%add3A_438], %get3A_432 {add = true} : memref<8192xf32, #tpu.memory_space<vmem>>[vector<16xi32>], vector<16xf32>,
      %get3A_439 = arith.index_cast %add3A_338 : i32 to index
      %get3A_440 = arith.constant 16 : index
      %get3A_441 = tpu.vector_load %arg16[%get3A_439, %get3A_440] {strides = array<i32>} : memref<128x128xf32, #tpu.memory_space<vmem>>, vector<16xf32>,
      %mul3A_442 = arith.constant 32 : i32
      %mul3A_443 = vector.broadcast %mul3A_442 : i32 to vector<16xi32>
      %mul3A_444 = arith.muli %iota3A, %mul3A_443 : vector<16xi32>
      %add3A_445 = arith.constant 519 : i32
      %add3A_446 = vector.broadcast %add3A_445 : i32 to vector<16xi32>
      %add3A_447 = arith.addi %mul3A_444, %add3A_446 : vector<16xi32>
      tpu.vector_store_idx %arg8[%add3A_447], %get3A_441 {add = true} : memref<8192xf32, #tpu.memory_space<vmem>>[vector<16xi32>], vector<16xf32>,
      %get3A_448 = arith.index_cast %add3A_338 : i32 to index
      %get3A_449 = arith.constant 32 : index
      %get3A_450 = tpu.vector_load %arg16[%get3A_448, %get3A_449] {strides = array<i32>} : memref<128x128xf32, #tpu.memory_space<vmem>>, vector<16xf32>,
      %mul3A_451 = arith.constant 32 : i32
      %mul3A_452 = vector.broadcast %mul3A_451 : i32 to vector<16xi32>
      %mul3A_453 = arith.muli %iota3A, %mul3A_452 : vector<16xi32>
      %add3A_454 = arith.constant 1031 : i32
      %add3A_455 = vector.broadcast %add3A_454 : i32 to vector<16xi32>
      %add3A_456 = arith.addi %mul3A_453, %add3A_455 : vector<16xi32>
      tpu.vector_store_idx %arg8[%add3A_456], %get3A_450 {add = true} : memref<8192xf32, #tpu.memory_space<vmem>>[vector<16xi32>], vector<16xf32>,
      %get3A_457 = arith.index_cast %add3A_338 : i32 to index
      %get3A_458 = arith.constant 48 : index
      %get3A_459 = tpu.vector_load %arg16[%get3A_457, %get3A_458] {strides = array<i32>} : memref<128x128xf32, #tpu.memory_space<vmem>>, vector<16xf32>,
      %mul3A_460 = arith.constant 32 : i32
      %mul3A_461 = vector.broadcast %mul3A_460 : i32 to vector<16xi32>
      %mul3A_462 = arith.muli %iota3A, %mul3A_461 : vector<16xi32>
      %add3A_463 = arith.constant 1543 : i32
      %add3A_464 = vector.broadcast %add3A_463 : i32 to vector<16xi32>
      %add3A_465 = arith.addi %mul3A_462, %add3A_464 : vector<16xi32>
      tpu.vector_store_idx %arg8[%add3A_465], %get3A_459 {add = true} : memref<8192xf32, #tpu.memory_space<vmem>>[vector<16xi32>], vector<16xf32>,
      %get3A_466 = arith.index_cast %add3A_338 : i32 to index
      %get3A_467 = arith.constant 64 : index
      %get3A_468 = tpu.vector_load %arg16[%get3A_466, %get3A_467] {strides = array<i32>} : memref<128x128xf32, #tpu.memory_space<vmem>>, vector<16xf32>,
      %mul3A_469 = arith.constant 32 : i32
      %mul3A_470 = vector.broadcast %mul3A_469 : i32 to vector<16xi32>
      %mul3A_471 = arith.muli %iota3A, %mul3A_470 : vector<16xi32>
      %add3A_472 = arith.constant 2055 : i32
      %add3A_473 = vector.broadcast %add3A_472 : i32 to vector<16xi32>
      %add3A_474 = arith.addi %mul3A_471, %add3A_473 : vector<16xi32>
      tpu.vector_store_idx %arg8[%add3A_474], %get3A_468 {add = true} : memref<8192xf32, #tpu.memory_space<vmem>>[vector<16xi32>], vector<16xf32>,
      %get3A_475 = arith.index_cast %add3A_338 : i32 to index
      %get3A_476 = arith.constant 80 : index
      %get3A_477 = tpu.vector_load %arg16[%get3A_475, %get3A_476] {strides = array<i32>} : memref<128x128xf32, #tpu.memory_space<vmem>>, vector<16xf32>,
      %mul3A_478 = arith.constant 32 : i32
      %mul3A_479 = vector.broadcast %mul3A_478 : i32 to vector<16xi32>
      %mul3A_480 = arith.muli %iota3A, %mul3A_479 : vector<16xi32>
      %add3A_481 = arith.constant 2567 : i32
      %add3A_482 = vector.broadcast %add3A_481 : i32 to vector<16xi32>
      %add3A_483 = arith.addi %mul3A_480, %add3A_482 : vector<16xi32>
      tpu.vector_store_idx %arg8[%add3A_483], %get3A_477 {add = true} : memref<8192xf32, #tpu.memory_space<vmem>>[vector<16xi32>], vector<16xf32>,
      %get3A_484 = arith.index_cast %add3A_338 : i32 to index
      %get3A_485 = arith.constant 96 : index
      %get3A_486 = tpu.vector_load %arg16[%get3A_484, %get3A_485] {strides = array<i32>} : memref<128x128xf32, #tpu.memory_space<vmem>>, vector<16xf32>,
      %mul3A_487 = arith.constant 32 : i32
      %mul3A_488 = vector.broadcast %mul3A_487 : i32 to vector<16xi32>
      %mul3A_489 = arith.muli %iota3A, %mul3A_488 : vector<16xi32>
      %add3A_490 = arith.constant 3079 : i32
      %add3A_491 = vector.broadcast %add3A_490 : i32 to vector<16xi32>
      %add3A_492 = arith.addi %mul3A_489, %add3A_491 : vector<16xi32>
      tpu.vector_store_idx %arg8[%add3A_492], %get3A_486 {add = true} : memref<8192xf32, #tpu.memory_space<vmem>>[vector<16xi32>], vector<16xf32>,
      %get3A_493 = arith.index_cast %add3A_338 : i32 to index
      %get3A_494 = arith.constant 112 : index
      %get3A_495 = tpu.vector_load %arg16[%get3A_493, %get3A_494] {strides = array<i32>} : memref<128x128xf32, #tpu.memory_space<vmem>>, vector<16xf32>,
      %mul3A_496 = arith.constant 32 : i32
      %mul3A_497 = vector.broadcast %mul3A_496 : i32 to vector<16xi32>
      %mul3A_498 = arith.muli %iota3A, %mul3A_497 : vector<16xi32>
      %add3A_499 = arith.constant 3591 : i32
      %add3A_500 = vector.broadcast %add3A_499 : i32 to vector<16xi32>
      %add3A_501 = arith.addi %mul3A_498, %add3A_500 : vector<16xi32>
      tpu.vector_store_idx %arg8[%add3A_501], %get3A_495 {add = true} : memref<8192xf32, #tpu.memory_space<vmem>>[vector<16xi32>], vector<16xf32>,
      %get3A_502 = arith.index_cast %add3A_338 : i32 to index
      %get3A_503 = arith.constant 0 : index
      %get3A_504 = tpu.vector_load %arg17[%get3A_502, %get3A_503] {strides = array<i32>} : memref<128x128xf32, #tpu.memory_space<vmem>>, vector<16xf32>,
      %mul3A_505 = arith.constant 32 : i32
      %mul3A_506 = vector.broadcast %mul3A_505 : i32 to vector<16xi32>
      %mul3A_507 = arith.muli %iota3A, %mul3A_506 : vector<16xi32>
      %add3A_508 = arith.constant 15 : i32
      %add3A_509 = vector.broadcast %add3A_508 : i32 to vector<16xi32>
      %add3A_510 = arith.addi %mul3A_507, %add3A_509 : vector<16xi32>
      tpu.vector_store_idx %arg8[%add3A_510], %get3A_504 {add = true} : memref<8192xf32, #tpu.memory_space<vmem>>[vector<16xi32>], vector<16xf32>,
      %get3A_511 = arith.index_cast %add3A_338 : i32 to index
      %get3A_512 = arith.constant 16 : index
      %get3A_513 = tpu.vector_load %arg17[%get3A_511, %get3A_512] {strides = array<i32>} : memref<128x128xf32, #tpu.memory_space<vmem>>, vector<16xf32>,
      %mul3A_514 = arith.constant 32 : i32
      %mul3A_515 = vector.broadcast %mul3A_514 : i32 to vector<16xi32>
      %mul3A_516 = arith.muli %iota3A, %mul3A_515 : vector<16xi32>
      %add3A_517 = arith.constant 527 : i32
      %add3A_518 = vector.broadcast %add3A_517 : i32 to vector<16xi32>
      %add3A_519 = arith.addi %mul3A_516, %add3A_518 : vector<16xi32>
      tpu.vector_store_idx %arg8[%add3A_519], %get3A_513 {add = true} : memref<8192xf32, #tpu.memory_space<vmem>>[vector<16xi32>], vector<16xf32>,
      %get3A_520 = arith.index_cast %add3A_338 : i32 to index
      %get3A_521 = arith.constant 32 : index
      %get3A_522 = tpu.vector_load %arg17[%get3A_520, %get3A_521] {strides = array<i32>} : memref<128x128xf32, #tpu.memory_space<vmem>>, vector<16xf32>,
      %mul3A_523 = arith.constant 32 : i32
      %mul3A_524 = vector.broadcast %mul3A_523 : i32 to vector<16xi32>
      %mul3A_525 = arith.muli %iota3A, %mul3A_524 : vector<16xi32>
      %add3A_526 = arith.constant 1039 : i32
      %add3A_527 = vector.broadcast %add3A_526 : i32 to vector<16xi32>
      %add3A_528 = arith.addi %mul3A_525, %add3A_527 : vector<16xi32>
      tpu.vector_store_idx %arg8[%add3A_528], %get3A_522 {add = true} : memref<8192xf32, #tpu.memory_space<vmem>>[vector<16xi32>], vector<16xf32>,
      %get3A_529 = arith.index_cast %add3A_338 : i32 to index
      %get3A_530 = arith.constant 48 : index
      %get3A_531 = tpu.vector_load %arg17[%get3A_529, %get3A_530] {strides = array<i32>} : memref<128x128xf32, #tpu.memory_space<vmem>>, vector<16xf32>,
      %mul3A_532 = arith.constant 32 : i32
      %mul3A_533 = vector.broadcast %mul3A_532 : i32 to vector<16xi32>
      %mul3A_534 = arith.muli %iota3A, %mul3A_533 : vector<16xi32>
      %add3A_535 = arith.constant 1551 : i32
      %add3A_536 = vector.broadcast %add3A_535 : i32 to vector<16xi32>
      %add3A_537 = arith.addi %mul3A_534, %add3A_536 : vector<16xi32>
      tpu.vector_store_idx %arg8[%add3A_537], %get3A_531 {add = true} : memref<8192xf32, #tpu.memory_space<vmem>>[vector<16xi32>], vector<16xf32>,
      %get3A_538 = arith.index_cast %add3A_338 : i32 to index
      %get3A_539 = arith.constant 64 : index
      %get3A_540 = tpu.vector_load %arg17[%get3A_538, %get3A_539] {strides = array<i32>} : memref<128x128xf32, #tpu.memory_space<vmem>>, vector<16xf32>,
      %mul3A_541 = arith.constant 32 : i32
      %mul3A_542 = vector.broadcast %mul3A_541 : i32 to vector<16xi32>
      %mul3A_543 = arith.muli %iota3A, %mul3A_542 : vector<16xi32>
      %add3A_544 = arith.constant 2063 : i32
      %add3A_545 = vector.broadcast %add3A_544 : i32 to vector<16xi32>
      %add3A_546 = arith.addi %mul3A_543, %add3A_545 : vector<16xi32>
      tpu.vector_store_idx %arg8[%add3A_546], %get3A_540 {add = true} : memref<8192xf32, #tpu.memory_space<vmem>>[vector<16xi32>], vector<16xf32>,
      %get3A_547 = arith.index_cast %add3A_338 : i32 to index
      %get3A_548 = arith.constant 80 : index
      %get3A_549 = tpu.vector_load %arg17[%get3A_547, %get3A_548] {strides = array<i32>} : memref<128x128xf32, #tpu.memory_space<vmem>>, vector<16xf32>,
      %mul3A_550 = arith.constant 32 : i32
      %mul3A_551 = vector.broadcast %mul3A_550 : i32 to vector<16xi32>
      %mul3A_552 = arith.muli %iota3A, %mul3A_551 : vector<16xi32>
      %add3A_553 = arith.constant 2575 : i32
      %add3A_554 = vector.broadcast %add3A_553 : i32 to vector<16xi32>
      %add3A_555 = arith.addi %mul3A_552, %add3A_554 : vector<16xi32>
      tpu.vector_store_idx %arg8[%add3A_555], %get3A_549 {add = true} : memref<8192xf32, #tpu.memory_space<vmem>>[vector<16xi32>], vector<16xf32>,
      %get3A_556 = arith.index_cast %add3A_338 : i32 to index
      %get3A_557 = arith.constant 96 : index
      %get3A_558 = tpu.vector_load %arg17[%get3A_556, %get3A_557] {strides = array<i32>} : memref<128x128xf32, #tpu.memory_space<vmem>>, vector<16xf32>,
      %mul3A_559 = arith.constant 32 : i32
      %mul3A_560 = vector.broadcast %mul3A_559 : i32 to vector<16xi32>
      %mul3A_561 = arith.muli %iota3A, %mul3A_560 : vector<16xi32>
      %add3A_562 = arith.constant 3087 : i32
      %add3A_563 = vector.broadcast %add3A_562 : i32 to vector<16xi32>
      %add3A_564 = arith.addi %mul3A_561, %add3A_563 : vector<16xi32>
      tpu.vector_store_idx %arg8[%add3A_564], %get3A_558 {add = true} : memref<8192xf32, #tpu.memory_space<vmem>>[vector<16xi32>], vector<16xf32>,
      %get3A_565 = arith.index_cast %add3A_338 : i32 to index
      %get3A_566 = arith.constant 112 : index
      %get3A_567 = tpu.vector_load %arg17[%get3A_565, %get3A_566] {strides = array<i32>} : memref<128x128xf32, #tpu.memory_space<vmem>>, vector<16xf32>,
      %mul3A_568 = arith.constant 32 : i32
      %mul3A_569 = vector.broadcast %mul3A_568 : i32 to vector<16xi32>
      %mul3A_570 = arith.muli %iota3A, %mul3A_569 : vector<16xi32>
      %add3A_571 = arith.constant 3599 : i32
      %add3A_572 = vector.broadcast %add3A_571 : i32 to vector<16xi32>
      %add3A_573 = arith.addi %mul3A_570, %add3A_572 : vector<16xi32>
      tpu.vector_store_idx %arg8[%add3A_573], %get3A_567 {add = true} : memref<8192xf32, #tpu.memory_space<vmem>>[vector<16xi32>], vector<16xf32>,
      %add3A_574 = arith.addi %mul3A_2, %add3A_338 : i32
      %dma_start3A_575 = arith.constant 0 : i32
      %dma_start3A_576 = tpu.memref_slice %arg6[%add3A_574, %dma_start3A_575] : memref<4096x8192xf32, #tpu.memory_space<hbm>> -> memref<1x8192xf32, #tpu.memory_space<hbm>>
      %dma_start3A_577 = tpu.memref_squeeze %dma_start3A_576 : memref<1x8192xf32, #tpu.memory_space<hbm>> -> memref<8192xf32, #tpu.memory_space<hbm>>
      %dma_start3A_578 = arith.constant 0 : i32
      %dma_start3A_579 = tpu.memref_slice %arg6[%add3A_574, %dma_start3A_578] : memref<4096x8192xf32, #tpu.memory_space<hbm>> -> memref<1x8192xf32, #tpu.memory_space<hbm>>
      %dma_start3A_580 = tpu.memref_squeeze %dma_start3A_579 : memref<1x8192xf32, #tpu.memory_space<hbm>> -> memref<8192xf32, #tpu.memory_space<hbm>>
      tpu.enqueue_dma source(%arg8 : memref<8192xf32, #tpu.memory_space<vmem>>) target(%dma_start3A_580 : memref<8192xf32, #tpu.memory_space<hbm>>) target_semaphore(%arg27 : memref<!tpu.dma_semaphore, #tpu.memory_space<semaphore_mem>>)
      %add3A_581 = arith.constant 2 : i32
      %add3A_582 = arith.addi %add3A_97, %add3A_581 : i32
      %add3A_583 = arith.constant 6 : i32
      %add3A_584 = arith.addi %add3A_582, %add3A_583 : i32
      %ge3A_585 = arith.constant 8 : i32
      %ge3A_586 = arith.cmpi sge, %add3A_584, %ge3A_585 : i32
      %convert_element_type3A_587 = arith.extui %ge3A_586 : i1 to i32
      %cond3A_588 = arith.constant 0 : i32
      %cond3A_589 = arith.cmpi ne, %convert_element_type3A_587, %cond3A_588 : i32
      scf.if %cond3A_589 {
        %sub3A = arith.constant 8 : i32
        %sub3A_2045 = arith.subi %add3A_584, %sub3A : i32
        %add3A_2046 = arith.addi %mul3A_2, %sub3A_2045 : i32
        %dma_wait3A_2047 = arith.constant 0 : i32
        %dma_wait3A_2048 = tpu.memref_slice %arg6[%add3A_2046, %dma_wait3A_2047] : memref<4096x8192xf32, #tpu.memory_space<hbm>> -> memref<1x8192xf32, #tpu.memory_space<hbm>>
        %dma_wait3A_2049 = tpu.memref_squeeze %dma_wait3A_2048 : memref<1x8192xf32, #tpu.memory_space<hbm>> -> memref<8192xf32, #tpu.memory_space<hbm>>
        %dma_wait3A_2050 = arith.constant 0 : i32
        %dma_wait3A_2051 = tpu.memref_slice %arg6[%add3A_2046, %dma_wait3A_2050] : memref<4096x8192xf32, #tpu.memory_space<hbm>> -> memref<1x8192xf32, #tpu.memory_space<hbm>>
        %dma_wait3A_2052 = tpu.memref_squeeze %dma_wait3A_2051 : memref<1x8192xf32, #tpu.memory_space<hbm>> -> memref<8192xf32, #tpu.memory_space<hbm>>
        tpu.wait_dma2 semaphore(%arg26 : memref<!tpu.dma_semaphore, #tpu.memory_space<semaphore_mem>>) src(%arg7 : memref<8192xf32, #tpu.memory_space<vmem>>) dst(%dma_wait3A_2052 : memref<8192xf32, #tpu.memory_space<hbm>>)
      } else {
      }
      %lt3A_590 = arith.constant 128 : i32
      %lt3A_591 = arith.cmpi slt, %add3A_584, %lt3A_590 : i32
      %convert_element_type3A_592 = arith.extui %lt3A_591 : i1 to i32
      %cond3A_593 = arith.constant 0 : i32
      %cond3A_594 = arith.cmpi ne, %convert_element_type3A_592, %cond3A_593 : i32
      scf.if %cond3A_594 {
        %add3A_2045 = arith.addi %mul3A_2, %add3A_584 : i32
        %dma_start3A_2046 = arith.constant 0 : i32
        %dma_start3A_2047 = tpu.memref_slice %arg2[%add3A_2045, %dma_start3A_2046] : memref<4096x8192xf32, #tpu.memory_space<hbm>> -> memref<1x8192xf32, #tpu.memory_space<hbm>>
        %dma_start3A_2048 = tpu.memref_squeeze %dma_start3A_2047 : memref<1x8192xf32, #tpu.memory_space<hbm>> -> memref<8192xf32, #tpu.memory_space<hbm>>
        %dma_start3A_2049 = arith.constant 0 : i32
        %dma_start3A_2050 = tpu.memref_slice %arg2[%add3A_2045, %dma_start3A_2049] : memref<4096x8192xf32, #tpu.memory_space<hbm>> -> memref<1x8192xf32, #tpu.memory_space<hbm>>
        %dma_start3A_2051 = tpu.memref_squeeze %dma_start3A_2050 : memref<1x8192xf32, #tpu.memory_space<hbm>> -> memref<8192xf32, #tpu.memory_space<hbm>>
        tpu.enqueue_dma source(%dma_start3A_2051 : memref<8192xf32, #tpu.memory_space<hbm>>) target(%arg7 : memref<8192xf32, #tpu.memory_space<vmem>>) target_semaphore(%arg18 : memref<!tpu.dma_semaphore, #tpu.memory_space<semaphore_mem>>)
      } else {
      }
      %add3A_595 = arith.addi %mul3A_2, %add3A_582 : i32
      %dma_wait3A_596 = arith.constant 0 : i32
      %dma_wait3A_597 = tpu.memref_slice %arg2[%add3A_595, %dma_wait3A_596] : memref<4096x8192xf32, #tpu.memory_space<hbm>> -> memref<1x8192xf32, #tpu.memory_space<hbm>>
      %dma_wait3A_598 = tpu.memref_squeeze %dma_wait3A_597 : memref<1x8192xf32, #tpu.memory_space<hbm>> -> memref<8192xf32, #tpu.memory_space<hbm>>
      %dma_wait3A_599 = arith.constant 0 : i32
      %dma_wait3A_600 = tpu.memref_slice %arg2[%add3A_595, %dma_wait3A_599] : memref<4096x8192xf32, #tpu.memory_space<hbm>> -> memref<1x8192xf32, #tpu.memory_space<hbm>>
      %dma_wait3A_601 = tpu.memref_squeeze %dma_wait3A_600 : memref<1x8192xf32, #tpu.memory_space<hbm>> -> memref<8192xf32, #tpu.memory_space<hbm>>
      tpu.wait_dma2 semaphore(%arg20 : memref<!tpu.dma_semaphore, #tpu.memory_space<semaphore_mem>>) src(%dma_wait3A_601 : memref<8192xf32, #tpu.memory_space<hbm>>) dst(%arg9 : memref<8192xf32, #tpu.memory_space<vmem>>)
      %get3A_602 = arith.index_cast %add3A_582 : i32 to index
      %get3A_603 = arith.constant 0 : index
      %get3A_604 = tpu.vector_load %arg15[%get3A_602, %get3A_603] {strides = array<i32>} : memref<128x128xf32, #tpu.memory_space<vmem>>, vector<16xf32>,
      %mul3A_605 = arith.constant 32 : i32
      %mul3A_606 = vector.broadcast %mul3A_605 : i32 to vector<16xi32>
      %mul3A_607 = arith.muli %iota3A, %mul3A_606 : vector<16xi32>
      %add3A_608 = arith.constant 0 : i32
      %add3A_609 = vector.broadcast %add3A_608 : i32 to vector<16xi32>
      %add3A_610 = arith.addi %mul3A_607, %add3A_609 : vector<16xi32>
      tpu.vector_store_idx %arg9[%add3A_610], %get3A_604 {add = true} : memref<8192xf32, #tpu.memory_space<vmem>>[vector<16xi32>], vector<16xf32>,
      %get3A_611 = arith.index_cast %add3A_582 : i32 to index
      %get3A_612 = arith.constant 16 : index
      %get3A_613 = tpu.vector_load %arg15[%get3A_611, %get3A_612] {strides = array<i32>} : memref<128x128xf32, #tpu.memory_space<vmem>>, vector<16xf32>,
      %mul3A_614 = arith.constant 32 : i32
      %mul3A_615 = vector.broadcast %mul3A_614 : i32 to vector<16xi32>
      %mul3A_616 = arith.muli %iota3A, %mul3A_615 : vector<16xi32>
      %add3A_617 = arith.constant 512 : i32
      %add3A_618 = vector.broadcast %add3A_617 : i32 to vector<16xi32>
      %add3A_619 = arith.addi %mul3A_616, %add3A_618 : vector<16xi32>
      tpu.vector_store_idx %arg9[%add3A_619], %get3A_613 {add = true} : memref<8192xf32, #tpu.memory_space<vmem>>[vector<16xi32>], vector<16xf32>,
      %get3A_620 = arith.index_cast %add3A_582 : i32 to index
      %get3A_621 = arith.constant 32 : index
      %get3A_622 = tpu.vector_load %arg15[%get3A_620, %get3A_621] {strides = array<i32>} : memref<128x128xf32, #tpu.memory_space<vmem>>, vector<16xf32>,
      %mul3A_623 = arith.constant 32 : i32
      %mul3A_624 = vector.broadcast %mul3A_623 : i32 to vector<16xi32>
      %mul3A_625 = arith.muli %iota3A, %mul3A_624 : vector<16xi32>
      %add3A_626 = arith.constant 1024 : i32
      %add3A_627 = vector.broadcast %add3A_626 : i32 to vector<16xi32>
      %add3A_628 = arith.addi %mul3A_625, %add3A_627 : vector<16xi32>
      tpu.vector_store_idx %arg9[%add3A_628], %get3A_622 {add = true} : memref<8192xf32, #tpu.memory_space<vmem>>[vector<16xi32>], vector<16xf32>,
      %get3A_629 = arith.index_cast %add3A_582 : i32 to index
      %get3A_630 = arith.constant 48 : index
      %get3A_631 = tpu.vector_load %arg15[%get3A_629, %get3A_630] {strides = array<i32>} : memref<128x128xf32, #tpu.memory_space<vmem>>, vector<16xf32>,
      %mul3A_632 = arith.constant 32 : i32
      %mul3A_633 = vector.broadcast %mul3A_632 : i32 to vector<16xi32>
      %mul3A_634 = arith.muli %iota3A, %mul3A_633 : vector<16xi32>
      %add3A_635 = arith.constant 1536 : i32
      %add3A_636 = vector.broadcast %add3A_635 : i32 to vector<16xi32>
      %add3A_637 = arith.addi %mul3A_634, %add3A_636 : vector<16xi32>
      tpu.vector_store_idx %arg9[%add3A_637], %get3A_631 {add = true} : memref<8192xf32, #tpu.memory_space<vmem>>[vector<16xi32>], vector<16xf32>,
      %get3A_638 = arith.index_cast %add3A_582 : i32 to index
      %get3A_639 = arith.constant 64 : index
      %get3A_640 = tpu.vector_load %arg15[%get3A_638, %get3A_639] {strides = array<i32>} : memref<128x128xf32, #tpu.memory_space<vmem>>, vector<16xf32>,
      %mul3A_641 = arith.constant 32 : i32
      %mul3A_642 = vector.broadcast %mul3A_641 : i32 to vector<16xi32>
      %mul3A_643 = arith.muli %iota3A, %mul3A_642 : vector<16xi32>
      %add3A_644 = arith.constant 2048 : i32
      %add3A_645 = vector.broadcast %add3A_644 : i32 to vector<16xi32>
      %add3A_646 = arith.addi %mul3A_643, %add3A_645 : vector<16xi32>
      tpu.vector_store_idx %arg9[%add3A_646], %get3A_640 {add = true} : memref<8192xf32, #tpu.memory_space<vmem>>[vector<16xi32>], vector<16xf32>,
      %get3A_647 = arith.index_cast %add3A_582 : i32 to index
      %get3A_648 = arith.constant 80 : index
      %get3A_649 = tpu.vector_load %arg15[%get3A_647, %get3A_648] {strides = array<i32>} : memref<128x128xf32, #tpu.memory_space<vmem>>, vector<16xf32>,
      %mul3A_650 = arith.constant 32 : i32
      %mul3A_651 = vector.broadcast %mul3A_650 : i32 to vector<16xi32>
      %mul3A_652 = arith.muli %iota3A, %mul3A_651 : vector<16xi32>
      %add3A_653 = arith.constant 2560 : i32
      %add3A_654 = vector.broadcast %add3A_653 : i32 to vector<16xi32>
      %add3A_655 = arith.addi %mul3A_652, %add3A_654 : vector<16xi32>
      tpu.vector_store_idx %arg9[%add3A_655], %get3A_649 {add = true} : memref<8192xf32, #tpu.memory_space<vmem>>[vector<16xi32>], vector<16xf32>,
      %get3A_656 = arith.index_cast %add3A_582 : i32 to index
      %get3A_657 = arith.constant 96 : index
      %get3A_658 = tpu.vector_load %arg15[%get3A_656, %get3A_657] {strides = array<i32>} : memref<128x128xf32, #tpu.memory_space<vmem>>, vector<16xf32>,
      %mul3A_659 = arith.constant 32 : i32
      %mul3A_660 = vector.broadcast %mul3A_659 : i32 to vector<16xi32>
      %mul3A_661 = arith.muli %iota3A, %mul3A_660 : vector<16xi32>
      %add3A_662 = arith.constant 3072 : i32
      %add3A_663 = vector.broadcast %add3A_662 : i32 to vector<16xi32>
      %add3A_664 = arith.addi %mul3A_661, %add3A_663 : vector<16xi32>
      tpu.vector_store_idx %arg9[%add3A_664], %get3A_658 {add = true} : memref<8192xf32, #tpu.memory_space<vmem>>[vector<16xi32>], vector<16xf32>,
      %get3A_665 = arith.index_cast %add3A_582 : i32 to index
      %get3A_666 = arith.constant 112 : index
      %get3A_667 = tpu.vector_load %arg15[%get3A_665, %get3A_666] {strides = array<i32>} : memref<128x128xf32, #tpu.memory_space<vmem>>, vector<16xf32>,
      %mul3A_668 = arith.constant 32 : i32
      %mul3A_669 = vector.broadcast %mul3A_668 : i32 to vector<16xi32>
      %mul3A_670 = arith.muli %iota3A, %mul3A_669 : vector<16xi32>
      %add3A_671 = arith.constant 3584 : i32
      %add3A_672 = vector.broadcast %add3A_671 : i32 to vector<16xi32>
      %add3A_673 = arith.addi %mul3A_670, %add3A_672 : vector<16xi32>
      tpu.vector_store_idx %arg9[%add3A_673], %get3A_667 {add = true} : memref<8192xf32, #tpu.memory_space<vmem>>[vector<16xi32>], vector<16xf32>,
      %get3A_674 = arith.index_cast %add3A_582 : i32 to index
      %get3A_675 = arith.constant 0 : index
      %get3A_676 = tpu.vector_load %arg16[%get3A_674, %get3A_675] {strides = array<i32>} : memref<128x128xf32, #tpu.memory_space<vmem>>, vector<16xf32>,
      %mul3A_677 = arith.constant 32 : i32
      %mul3A_678 = vector.broadcast %mul3A_677 : i32 to vector<16xi32>
      %mul3A_679 = arith.muli %iota3A, %mul3A_678 : vector<16xi32>
      %add3A_680 = arith.constant 7 : i32
      %add3A_681 = vector.broadcast %add3A_680 : i32 to vector<16xi32>
      %add3A_682 = arith.addi %mul3A_679, %add3A_681 : vector<16xi32>
      tpu.vector_store_idx %arg9[%add3A_682], %get3A_676 {add = true} : memref<8192xf32, #tpu.memory_space<vmem>>[vector<16xi32>], vector<16xf32>,
      %get3A_683 = arith.index_cast %add3A_582 : i32 to index
      %get3A_684 = arith.constant 16 : index
      %get3A_685 = tpu.vector_load %arg16[%get3A_683, %get3A_684] {strides = array<i32>} : memref<128x128xf32, #tpu.memory_space<vmem>>, vector<16xf32>,
      %mul3A_686 = arith.constant 32 : i32
      %mul3A_687 = vector.broadcast %mul3A_686 : i32 to vector<16xi32>
      %mul3A_688 = arith.muli %iota3A, %mul3A_687 : vector<16xi32>
      %add3A_689 = arith.constant 519 : i32
      %add3A_690 = vector.broadcast %add3A_689 : i32 to vector<16xi32>
      %add3A_691 = arith.addi %mul3A_688, %add3A_690 : vector<16xi32>
      tpu.vector_store_idx %arg9[%add3A_691], %get3A_685 {add = true} : memref<8192xf32, #tpu.memory_space<vmem>>[vector<16xi32>], vector<16xf32>,
      %get3A_692 = arith.index_cast %add3A_582 : i32 to index
      %get3A_693 = arith.constant 32 : index
      %get3A_694 = tpu.vector_load %arg16[%get3A_692, %get3A_693] {strides = array<i32>} : memref<128x128xf32, #tpu.memory_space<vmem>>, vector<16xf32>,
      %mul3A_695 = arith.constant 32 : i32
      %mul3A_696 = vector.broadcast %mul3A_695 : i32 to vector<16xi32>
      %mul3A_697 = arith.muli %iota3A, %mul3A_696 : vector<16xi32>
      %add3A_698 = arith.constant 1031 : i32
      %add3A_699 = vector.broadcast %add3A_698 : i32 to vector<16xi32>
      %add3A_700 = arith.addi %mul3A_697, %add3A_699 : vector<16xi32>
      tpu.vector_store_idx %arg9[%add3A_700], %get3A_694 {add = true} : memref<8192xf32, #tpu.memory_space<vmem>>[vector<16xi32>], vector<16xf32>,
      %get3A_701 = arith.index_cast %add3A_582 : i32 to index
      %get3A_702 = arith.constant 48 : index
      %get3A_703 = tpu.vector_load %arg16[%get3A_701, %get3A_702] {strides = array<i32>} : memref<128x128xf32, #tpu.memory_space<vmem>>, vector<16xf32>,
      %mul3A_704 = arith.constant 32 : i32
      %mul3A_705 = vector.broadcast %mul3A_704 : i32 to vector<16xi32>
      %mul3A_706 = arith.muli %iota3A, %mul3A_705 : vector<16xi32>
      %add3A_707 = arith.constant 1543 : i32
      %add3A_708 = vector.broadcast %add3A_707 : i32 to vector<16xi32>
      %add3A_709 = arith.addi %mul3A_706, %add3A_708 : vector<16xi32>
      tpu.vector_store_idx %arg9[%add3A_709], %get3A_703 {add = true} : memref<8192xf32, #tpu.memory_space<vmem>>[vector<16xi32>], vector<16xf32>,
      %get3A_710 = arith.index_cast %add3A_582 : i32 to index
      %get3A_711 = arith.constant 64 : index
      %get3A_712 = tpu.vector_load %arg16[%get3A_710, %get3A_711] {strides = array<i32>} : memref<128x128xf32, #tpu.memory_space<vmem>>, vector<16xf32>,
      %mul3A_713 = arith.constant 32 : i32
      %mul3A_714 = vector.broadcast %mul3A_713 : i32 to vector<16xi32>
      %mul3A_715 = arith.muli %iota3A, %mul3A_714 : vector<16xi32>
      %add3A_716 = arith.constant 2055 : i32
      %add3A_717 = vector.broadcast %add3A_716 : i32 to vector<16xi32>
      %add3A_718 = arith.addi %mul3A_715, %add3A_717 : vector<16xi32>
      tpu.vector_store_idx %arg9[%add3A_718], %get3A_712 {add = true} : memref<8192xf32, #tpu.memory_space<vmem>>[vector<16xi32>], vector<16xf32>,
      %get3A_719 = arith.index_cast %add3A_582 : i32 to index
      %get3A_720 = arith.constant 80 : index
      %get3A_721 = tpu.vector_load %arg16[%get3A_719, %get3A_720] {strides = array<i32>} : memref<128x128xf32, #tpu.memory_space<vmem>>, vector<16xf32>,
      %mul3A_722 = arith.constant 32 : i32
      %mul3A_723 = vector.broadcast %mul3A_722 : i32 to vector<16xi32>
      %mul3A_724 = arith.muli %iota3A, %mul3A_723 : vector<16xi32>
      %add3A_725 = arith.constant 2567 : i32
      %add3A_726 = vector.broadcast %add3A_725 : i32 to vector<16xi32>
      %add3A_727 = arith.addi %mul3A_724, %add3A_726 : vector<16xi32>
      tpu.vector_store_idx %arg9[%add3A_727], %get3A_721 {add = true} : memref<8192xf32, #tpu.memory_space<vmem>>[vector<16xi32>], vector<16xf32>,
      %get3A_728 = arith.index_cast %add3A_582 : i32 to index
      %get3A_729 = arith.constant 96 : index
      %get3A_730 = tpu.vector_load %arg16[%get3A_728, %get3A_729] {strides = array<i32>} : memref<128x128xf32, #tpu.memory_space<vmem>>, vector<16xf32>,
      %mul3A_731 = arith.constant 32 : i32
      %mul3A_732 = vector.broadcast %mul3A_731 : i32 to vector<16xi32>
      %mul3A_733 = arith.muli %iota3A, %mul3A_732 : vector<16xi32>
      %add3A_734 = arith.constant 3079 : i32
      %add3A_735 = vector.broadcast %add3A_734 : i32 to vector<16xi32>
      %add3A_736 = arith.addi %mul3A_733, %add3A_735 : vector<16xi32>
      tpu.vector_store_idx %arg9[%add3A_736], %get3A_730 {add = true} : memref<8192xf32, #tpu.memory_space<vmem>>[vector<16xi32>], vector<16xf32>,
      %get3A_737 = arith.index_cast %add3A_582 : i32 to index
      %get3A_738 = arith.constant 112 : index
      %get3A_739 = tpu.vector_load %arg16[%get3A_737, %get3A_738] {strides = array<i32>} : memref<128x128xf32, #tpu.memory_space<vmem>>, vector<16xf32>,
      %mul3A_740 = arith.constant 32 : i32
      %mul3A_741 = vector.broadcast %mul3A_740 : i32 to vector<16xi32>
      %mul3A_742 = arith.muli %iota3A, %mul3A_741 : vector<16xi32>
      %add3A_743 = arith.constant 3591 : i32
      %add3A_744 = vector.broadcast %add3A_743 : i32 to vector<16xi32>
      %add3A_745 = arith.addi %mul3A_742, %add3A_744 : vector<16xi32>
      tpu.vector_store_idx %arg9[%add3A_745], %get3A_739 {add = true} : memref<8192xf32, #tpu.memory_space<vmem>>[vector<16xi32>], vector<16xf32>,
      %get3A_746 = arith.index_cast %add3A_582 : i32 to index
      %get3A_747 = arith.constant 0 : index
      %get3A_748 = tpu.vector_load %arg17[%get3A_746, %get3A_747] {strides = array<i32>} : memref<128x128xf32, #tpu.memory_space<vmem>>, vector<16xf32>,
      %mul3A_749 = arith.constant 32 : i32
      %mul3A_750 = vector.broadcast %mul3A_749 : i32 to vector<16xi32>
      %mul3A_751 = arith.muli %iota3A, %mul3A_750 : vector<16xi32>
      %add3A_752 = arith.constant 15 : i32
      %add3A_753 = vector.broadcast %add3A_752 : i32 to vector<16xi32>
      %add3A_754 = arith.addi %mul3A_751, %add3A_753 : vector<16xi32>
      tpu.vector_store_idx %arg9[%add3A_754], %get3A_748 {add = true} : memref<8192xf32, #tpu.memory_space<vmem>>[vector<16xi32>], vector<16xf32>,
      %get3A_755 = arith.index_cast %add3A_582 : i32 to index
      %get3A_756 = arith.constant 16 : index
      %get3A_757 = tpu.vector_load %arg17[%get3A_755, %get3A_756] {strides = array<i32>} : memref<128x128xf32, #tpu.memory_space<vmem>>, vector<16xf32>,
      %mul3A_758 = arith.constant 32 : i32
      %mul3A_759 = vector.broadcast %mul3A_758 : i32 to vector<16xi32>
      %mul3A_760 = arith.muli %iota3A, %mul3A_759 : vector<16xi32>
      %add3A_761 = arith.constant 527 : i32
      %add3A_762 = vector.broadcast %add3A_761 : i32 to vector<16xi32>
      %add3A_763 = arith.addi %mul3A_760, %add3A_762 : vector<16xi32>
      tpu.vector_store_idx %arg9[%add3A_763], %get3A_757 {add = true} : memref<8192xf32, #tpu.memory_space<vmem>>[vector<16xi32>], vector<16xf32>,
      %get3A_764 = arith.index_cast %add3A_582 : i32 to index
      %get3A_765 = arith.constant 32 : index
      %get3A_766 = tpu.vector_load %arg17[%get3A_764, %get3A_765] {strides = array<i32>} : memref<128x128xf32, #tpu.memory_space<vmem>>, vector<16xf32>,
      %mul3A_767 = arith.constant 32 : i32
      %mul3A_768 = vector.broadcast %mul3A_767 : i32 to vector<16xi32>
      %mul3A_769 = arith.muli %iota3A, %mul3A_768 : vector<16xi32>
      %add3A_770 = arith.constant 1039 : i32
      %add3A_771 = vector.broadcast %add3A_770 : i32 to vector<16xi32>
      %add3A_772 = arith.addi %mul3A_769, %add3A_771 : vector<16xi32>
      tpu.vector_store_idx %arg9[%add3A_772], %get3A_766 {add = true} : memref<8192xf32, #tpu.memory_space<vmem>>[vector<16xi32>], vector<16xf32>,
      %get3A_773 = arith.index_cast %add3A_582 : i32 to index
      %get3A_774 = arith.constant 48 : index
      %get3A_775 = tpu.vector_load %arg17[%get3A_773, %get3A_774] {strides = array<i32>} : memref<128x128xf32, #tpu.memory_space<vmem>>, vector<16xf32>,
      %mul3A_776 = arith.constant 32 : i32
      %mul3A_777 = vector.broadcast %mul3A_776 : i32 to vector<16xi32>
      %mul3A_778 = arith.muli %iota3A, %mul3A_777 : vector<16xi32>
      %add3A_779 = arith.constant 1551 : i32
      %add3A_780 = vector.broadcast %add3A_779 : i32 to vector<16xi32>
      %add3A_781 = arith.addi %mul3A_778, %add3A_780 : vector<16xi32>
      tpu.vector_store_idx %arg9[%add3A_781], %get3A_775 {add = true} : memref<8192xf32, #tpu.memory_space<vmem>>[vector<16xi32>], vector<16xf32>,
      %get3A_782 = arith.index_cast %add3A_582 : i32 to index
      %get3A_783 = arith.constant 64 : index
      %get3A_784 = tpu.vector_load %arg17[%get3A_782, %get3A_783] {strides = array<i32>} : memref<128x128xf32, #tpu.memory_space<vmem>>, vector<16xf32>,
      %mul3A_785 = arith.constant 32 : i32
      %mul3A_786 = vector.broadcast %mul3A_785 : i32 to vector<16xi32>
      %mul3A_787 = arith.muli %iota3A, %mul3A_786 : vector<16xi32>
      %add3A_788 = arith.constant 2063 : i32
      %add3A_789 = vector.broadcast %add3A_788 : i32 to vector<16xi32>
      %add3A_790 = arith.addi %mul3A_787, %add3A_789 : vector<16xi32>
      tpu.vector_store_idx %arg9[%add3A_790], %get3A_784 {add = true} : memref<8192xf32, #tpu.memory_space<vmem>>[vector<16xi32>], vector<16xf32>,
      %get3A_791 = arith.index_cast %add3A_582 : i32 to index
      %get3A_792 = arith.constant 80 : index
      %get3A_793 = tpu.vector_load %arg17[%get3A_791, %get3A_792] {strides = array<i32>} : memref<128x128xf32, #tpu.memory_space<vmem>>, vector<16xf32>,
      %mul3A_794 = arith.constant 32 : i32
      %mul3A_795 = vector.broadcast %mul3A_794 : i32 to vector<16xi32>
      %mul3A_796 = arith.muli %iota3A, %mul3A_795 : vector<16xi32>
      %add3A_797 = arith.constant 2575 : i32
      %add3A_798 = vector.broadcast %add3A_797 : i32 to vector<16xi32>
      %add3A_799 = arith.addi %mul3A_796, %add3A_798 : vector<16xi32>
      tpu.vector_store_idx %arg9[%add3A_799], %get3A_793 {add = true} : memref<8192xf32, #tpu.memory_space<vmem>>[vector<16xi32>], vector<16xf32>,
      %get3A_800 = arith.index_cast %add3A_582 : i32 to index
      %get3A_801 = arith.constant 96 : index
      %get3A_802 = tpu.vector_load %arg17[%get3A_800, %get3A_801] {strides = array<i32>} : memref<128x128xf32, #tpu.memory_space<vmem>>, vector<16xf32>,
      %mul3A_803 = arith.constant 32 : i32
      %mul3A_804 = vector.broadcast %mul3A_803 : i32 to vector<16xi32>
      %mul3A_805 = arith.muli %iota3A, %mul3A_804 : vector<16xi32>
      %add3A_806 = arith.constant 3087 : i32
      %add3A_807 = vector.broadcast %add3A_806 : i32 to vector<16xi32>
      %add3A_808 = arith.addi %mul3A_805, %add3A_807 : vector<16xi32>
      tpu.vector_store_idx %arg9[%add3A_808], %get3A_802 {add = true} : memref<8192xf32, #tpu.memory_space<vmem>>[vector<16xi32>], vector<16xf32>,
      %get3A_809 = arith.index_cast %add3A_582 : i32 to index
      %get3A_810 = arith.constant 112 : index
      %get3A_811 = tpu.vector_load %arg17[%get3A_809, %get3A_810] {strides = array<i32>} : memref<128x128xf32, #tpu.memory_space<vmem>>, vector<16xf32>,
      %mul3A_812 = arith.constant 32 : i32
      %mul3A_813 = vector.broadcast %mul3A_812 : i32 to vector<16xi32>
      %mul3A_814 = arith.muli %iota3A, %mul3A_813 : vector<16xi32>
      %add3A_815 = arith.constant 3599 : i32
      %add3A_816 = vector.broadcast %add3A_815 : i32 to vector<16xi32>
      %add3A_817 = arith.addi %mul3A_814, %add3A_816 : vector<16xi32>
      tpu.vector_store_idx %arg9[%add3A_817], %get3A_811 {add = true} : memref<8192xf32, #tpu.memory_space<vmem>>[vector<16xi32>], vector<16xf32>,
      %add3A_818 = arith.addi %mul3A_2, %add3A_582 : i32
      %dma_start3A_819 = arith.constant 0 : i32
      %dma_start3A_820 = tpu.memref_slice %arg6[%add3A_818, %dma_start3A_819] : memref<4096x8192xf32, #tpu.memory_space<hbm>> -> memref<1x8192xf32, #tpu.memory_space<hbm>>
      %dma_start3A_821 = tpu.memref_squeeze %dma_start3A_820 : memref<1x8192xf32, #tpu.memory_space<hbm>> -> memref<8192xf32, #tpu.memory_space<hbm>>
      %dma_start3A_822 = arith.constant 0 : i32
      %dma_start3A_823 = tpu.memref_slice %arg6[%add3A_818, %dma_start3A_822] : memref<4096x8192xf32, #tpu.memory_space<hbm>> -> memref<1x8192xf32, #tpu.memory_space<hbm>>
      %dma_start3A_824 = tpu.memref_squeeze %dma_start3A_823 : memref<1x8192xf32, #tpu.memory_space<hbm>> -> memref<8192xf32, #tpu.memory_space<hbm>>
      tpu.enqueue_dma source(%arg9 : memref<8192xf32, #tpu.memory_space<vmem>>) target(%dma_start3A_824 : memref<8192xf32, #tpu.memory_space<hbm>>) target_semaphore(%arg28 : memref<!tpu.dma_semaphore, #tpu.memory_space<semaphore_mem>>)
      %add3A_825 = arith.constant 3 : i32
      %add3A_826 = arith.addi %add3A_97, %add3A_825 : i32
      %add3A_827 = arith.constant 6 : i32
      %add3A_828 = arith.addi %add3A_826, %add3A_827 : i32
      %ge3A_829 = arith.constant 8 : i32
      %ge3A_830 = arith.cmpi sge, %add3A_828, %ge3A_829 : i32
      %convert_element_type3A_831 = arith.extui %ge3A_830 : i1 to i32
      %cond3A_832 = arith.constant 0 : i32
      %cond3A_833 = arith.cmpi ne, %convert_element_type3A_831, %cond3A_832 : i32
      scf.if %cond3A_833 {
        %sub3A = arith.constant 8 : i32
        %sub3A_2045 = arith.subi %add3A_828, %sub3A : i32
        %add3A_2046 = arith.addi %mul3A_2, %sub3A_2045 : i32
        %dma_wait3A_2047 = arith.constant 0 : i32
        %dma_wait3A_2048 = tpu.memref_slice %arg6[%add3A_2046, %dma_wait3A_2047] : memref<4096x8192xf32, #tpu.memory_space<hbm>> -> memref<1x8192xf32, #tpu.memory_space<hbm>>
        %dma_wait3A_2049 = tpu.memref_squeeze %dma_wait3A_2048 : memref<1x8192xf32, #tpu.memory_space<hbm>> -> memref<8192xf32, #tpu.memory_space<hbm>>
        %dma_wait3A_2050 = arith.constant 0 : i32
        %dma_wait3A_2051 = tpu.memref_slice %arg6[%add3A_2046, %dma_wait3A_2050] : memref<4096x8192xf32, #tpu.memory_space<hbm>> -> memref<1x8192xf32, #tpu.memory_space<hbm>>
        %dma_wait3A_2052 = tpu.memref_squeeze %dma_wait3A_2051 : memref<1x8192xf32, #tpu.memory_space<hbm>> -> memref<8192xf32, #tpu.memory_space<hbm>>
        tpu.wait_dma2 semaphore(%arg27 : memref<!tpu.dma_semaphore, #tpu.memory_space<semaphore_mem>>) src(%arg8 : memref<8192xf32, #tpu.memory_space<vmem>>) dst(%dma_wait3A_2052 : memref<8192xf32, #tpu.memory_space<hbm>>)
      } else {
      }
      %lt3A_834 = arith.constant 128 : i32
      %lt3A_835 = arith.cmpi slt, %add3A_828, %lt3A_834 : i32
      %convert_element_type3A_836 = arith.extui %lt3A_835 : i1 to i32
      %cond3A_837 = arith.constant 0 : i32
      %cond3A_838 = arith.cmpi ne, %convert_element_type3A_836, %cond3A_837 : i32
      scf.if %cond3A_838 {
        %add3A_2045 = arith.addi %mul3A_2, %add3A_828 : i32
        %dma_start3A_2046 = arith.constant 0 : i32
        %dma_start3A_2047 = tpu.memref_slice %arg2[%add3A_2045, %dma_start3A_2046] : memref<4096x8192xf32, #tpu.memory_space<hbm>> -> memref<1x8192xf32, #tpu.memory_space<hbm>>
        %dma_start3A_2048 = tpu.memref_squeeze %dma_start3A_2047 : memref<1x8192xf32, #tpu.memory_space<hbm>> -> memref<8192xf32, #tpu.memory_space<hbm>>
        %dma_start3A_2049 = arith.constant 0 : i32
        %dma_start3A_2050 = tpu.memref_slice %arg2[%add3A_2045, %dma_start3A_2049] : memref<4096x8192xf32, #tpu.memory_space<hbm>> -> memref<1x8192xf32, #tpu.memory_space<hbm>>
        %dma_start3A_2051 = tpu.memref_squeeze %dma_start3A_2050 : memref<1x8192xf32, #tpu.memory_space<hbm>> -> memref<8192xf32, #tpu.memory_space<hbm>>
        tpu.enqueue_dma source(%dma_start3A_2051 : memref<8192xf32, #tpu.memory_space<hbm>>) target(%arg8 : memref<8192xf32, #tpu.memory_space<vmem>>) target_semaphore(%arg19 : memref<!tpu.dma_semaphore, #tpu.memory_space<semaphore_mem>>)
      } else {
      }
      %add3A_839 = arith.addi %mul3A_2, %add3A_826 : i32
      %dma_wait3A_840 = arith.constant 0 : i32
      %dma_wait3A_841 = tpu.memref_slice %arg2[%add3A_839, %dma_wait3A_840] : memref<4096x8192xf32, #tpu.memory_space<hbm>> -> memref<1x8192xf32, #tpu.memory_space<hbm>>
      %dma_wait3A_842 = tpu.memref_squeeze %dma_wait3A_841 : memref<1x8192xf32, #tpu.memory_space<hbm>> -> memref<8192xf32, #tpu.memory_space<hbm>>
      %dma_wait3A_843 = arith.constant 0 : i32
      %dma_wait3A_844 = tpu.memref_slice %arg2[%add3A_839, %dma_wait3A_843] : memref<4096x8192xf32, #tpu.memory_space<hbm>> -> memref<1x8192xf32, #tpu.memory_space<hbm>>
      %dma_wait3A_845 = tpu.memref_squeeze %dma_wait3A_844 : memref<1x8192xf32, #tpu.memory_space<hbm>> -> memref<8192xf32, #tpu.memory_space<hbm>>
      tpu.wait_dma2 semaphore(%arg21 : memref<!tpu.dma_semaphore, #tpu.memory_space<semaphore_mem>>) src(%dma_wait3A_845 : memref<8192xf32, #tpu.memory_space<hbm>>) dst(%arg10 : memref<8192xf32, #tpu.memory_space<vmem>>)
      %get3A_846 = arith.index_cast %add3A_826 : i32 to index
      %get3A_847 = arith.constant 0 : index
      %get3A_848 = tpu.vector_load %arg15[%get3A_846, %get3A_847] {strides = array<i32>} : memref<128x128xf32, #tpu.memory_space<vmem>>, vector<16xf32>,
      %mul3A_849 = arith.constant 32 : i32
      %mul3A_850 = vector.broadcast %mul3A_849 : i32 to vector<16xi32>
      %mul3A_851 = arith.muli %iota3A, %mul3A_850 : vector<16xi32>
      %add3A_852 = arith.constant 0 : i32
      %add3A_853 = vector.broadcast %add3A_852 : i32 to vector<16xi32>
      %add3A_854 = arith.addi %mul3A_851, %add3A_853 : vector<16xi32>
      tpu.vector_store_idx %arg10[%add3A_854], %get3A_848 {add = true} : memref<8192xf32, #tpu.memory_space<vmem>>[vector<16xi32>], vector<16xf32>,
      %get3A_855 = arith.index_cast %add3A_826 : i32 to index
      %get3A_856 = arith.constant 16 : index
      %get3A_857 = tpu.vector_load %arg15[%get3A_855, %get3A_856] {strides = array<i32>} : memref<128x128xf32, #tpu.memory_space<vmem>>, vector<16xf32>,
      %mul3A_858 = arith.constant 32 : i32
      %mul3A_859 = vector.broadcast %mul3A_858 : i32 to vector<16xi32>
      %mul3A_860 = arith.muli %iota3A, %mul3A_859 : vector<16xi32>
      %add3A_861 = arith.constant 512 : i32
      %add3A_862 = vector.broadcast %add3A_861 : i32 to vector<16xi32>
      %add3A_863 = arith.addi %mul3A_860, %add3A_862 : vector<16xi32>
      tpu.vector_store_idx %arg10[%add3A_863], %get3A_857 {add = true} : memref<8192xf32, #tpu.memory_space<vmem>>[vector<16xi32>], vector<16xf32>,
      %get3A_864 = arith.index_cast %add3A_826 : i32 to index
      %get3A_865 = arith.constant 32 : index
      %get3A_866 = tpu.vector_load %arg15[%get3A_864, %get3A_865] {strides = array<i32>} : memref<128x128xf32, #tpu.memory_space<vmem>>, vector<16xf32>,
      %mul3A_867 = arith.constant 32 : i32
      %mul3A_868 = vector.broadcast %mul3A_867 : i32 to vector<16xi32>
      %mul3A_869 = arith.muli %iota3A, %mul3A_868 : vector<16xi32>
      %add3A_870 = arith.constant 1024 : i32
      %add3A_871 = vector.broadcast %add3A_870 : i32 to vector<16xi32>
      %add3A_872 = arith.addi %mul3A_869, %add3A_871 : vector<16xi32>
      tpu.vector_store_idx %arg10[%add3A_872], %get3A_866 {add = true} : memref<8192xf32, #tpu.memory_space<vmem>>[vector<16xi32>], vector<16xf32>,
      %get3A_873 = arith.index_cast %add3A_826 : i32 to index
      %get3A_874 = arith.constant 48 : index
      %get3A_875 = tpu.vector_load %arg15[%get3A_873, %get3A_874] {strides = array<i32>} : memref<128x128xf32, #tpu.memory_space<vmem>>, vector<16xf32>,
      %mul3A_876 = arith.constant 32 : i32
      %mul3A_877 = vector.broadcast %mul3A_876 : i32 to vector<16xi32>
      %mul3A_878 = arith.muli %iota3A, %mul3A_877 : vector<16xi32>
      %add3A_879 = arith.constant 1536 : i32
      %add3A_880 = vector.broadcast %add3A_879 : i32 to vector<16xi32>
      %add3A_881 = arith.addi %mul3A_878, %add3A_880 : vector<16xi32>
      tpu.vector_store_idx %arg10[%add3A_881], %get3A_875 {add = true} : memref<8192xf32, #tpu.memory_space<vmem>>[vector<16xi32>], vector<16xf32>,
      %get3A_882 = arith.index_cast %add3A_826 : i32 to index
      %get3A_883 = arith.constant 64 : index
      %get3A_884 = tpu.vector_load %arg15[%get3A_882, %get3A_883] {strides = array<i32>} : memref<128x128xf32, #tpu.memory_space<vmem>>, vector<16xf32>,
      %mul3A_885 = arith.constant 32 : i32
      %mul3A_886 = vector.broadcast %mul3A_885 : i32 to vector<16xi32>
      %mul3A_887 = arith.muli %iota3A, %mul3A_886 : vector<16xi32>
      %add3A_888 = arith.constant 2048 : i32
      %add3A_889 = vector.broadcast %add3A_888 : i32 to vector<16xi32>
      %add3A_890 = arith.addi %mul3A_887, %add3A_889 : vector<16xi32>
      tpu.vector_store_idx %arg10[%add3A_890], %get3A_884 {add = true} : memref<8192xf32, #tpu.memory_space<vmem>>[vector<16xi32>], vector<16xf32>,
      %get3A_891 = arith.index_cast %add3A_826 : i32 to index
      %get3A_892 = arith.constant 80 : index
      %get3A_893 = tpu.vector_load %arg15[%get3A_891, %get3A_892] {strides = array<i32>} : memref<128x128xf32, #tpu.memory_space<vmem>>, vector<16xf32>,
      %mul3A_894 = arith.constant 32 : i32
      %mul3A_895 = vector.broadcast %mul3A_894 : i32 to vector<16xi32>
      %mul3A_896 = arith.muli %iota3A, %mul3A_895 : vector<16xi32>
      %add3A_897 = arith.constant 2560 : i32
      %add3A_898 = vector.broadcast %add3A_897 : i32 to vector<16xi32>
      %add3A_899 = arith.addi %mul3A_896, %add3A_898 : vector<16xi32>
      tpu.vector_store_idx %arg10[%add3A_899], %get3A_893 {add = true} : memref<8192xf32, #tpu.memory_space<vmem>>[vector<16xi32>], vector<16xf32>,
      %get3A_900 = arith.index_cast %add3A_826 : i32 to index
      %get3A_901 = arith.constant 96 : index
      %get3A_902 = tpu.vector_load %arg15[%get3A_900, %get3A_901] {strides = array<i32>} : memref<128x128xf32, #tpu.memory_space<vmem>>, vector<16xf32>,
      %mul3A_903 = arith.constant 32 : i32
      %mul3A_904 = vector.broadcast %mul3A_903 : i32 to vector<16xi32>
      %mul3A_905 = arith.muli %iota3A, %mul3A_904 : vector<16xi32>
      %add3A_906 = arith.constant 3072 : i32
      %add3A_907 = vector.broadcast %add3A_906 : i32 to vector<16xi32>
      %add3A_908 = arith.addi %mul3A_905, %add3A_907 : vector<16xi32>
      tpu.vector_store_idx %arg10[%add3A_908], %get3A_902 {add = true} : memref<8192xf32, #tpu.memory_space<vmem>>[vector<16xi32>], vector<16xf32>,
      %get3A_909 = arith.index_cast %add3A_826 : i32 to index
      %get3A_910 = arith.constant 112 : index
      %get3A_911 = tpu.vector_load %arg15[%get3A_909, %get3A_910] {strides = array<i32>} : memref<128x128xf32, #tpu.memory_space<vmem>>, vector<16xf32>,
      %mul3A_912 = arith.constant 32 : i32
      %mul3A_913 = vector.broadcast %mul3A_912 : i32 to vector<16xi32>
      %mul3A_914 = arith.muli %iota3A, %mul3A_913 : vector<16xi32>
      %add3A_915 = arith.constant 3584 : i32
      %add3A_916 = vector.broadcast %add3A_915 : i32 to vector<16xi32>
      %add3A_917 = arith.addi %mul3A_914, %add3A_916 : vector<16xi32>
      tpu.vector_store_idx %arg10[%add3A_917], %get3A_911 {add = true} : memref<8192xf32, #tpu.memory_space<vmem>>[vector<16xi32>], vector<16xf32>,
      %get3A_918 = arith.index_cast %add3A_826 : i32 to index
      %get3A_919 = arith.constant 0 : index
      %get3A_920 = tpu.vector_load %arg16[%get3A_918, %get3A_919] {strides = array<i32>} : memref<128x128xf32, #tpu.memory_space<vmem>>, vector<16xf32>,
      %mul3A_921 = arith.constant 32 : i32
      %mul3A_922 = vector.broadcast %mul3A_921 : i32 to vector<16xi32>
      %mul3A_923 = arith.muli %iota3A, %mul3A_922 : vector<16xi32>
      %add3A_924 = arith.constant 7 : i32
      %add3A_925 = vector.broadcast %add3A_924 : i32 to vector<16xi32>
      %add3A_926 = arith.addi %mul3A_923, %add3A_925 : vector<16xi32>
      tpu.vector_store_idx %arg10[%add3A_926], %get3A_920 {add = true} : memref<8192xf32, #tpu.memory_space<vmem>>[vector<16xi32>], vector<16xf32>,
      %get3A_927 = arith.index_cast %add3A_826 : i32 to index
      %get3A_928 = arith.constant 16 : index
      %get3A_929 = tpu.vector_load %arg16[%get3A_927, %get3A_928] {strides = array<i32>} : memref<128x128xf32, #tpu.memory_space<vmem>>, vector<16xf32>,
      %mul3A_930 = arith.constant 32 : i32
      %mul3A_931 = vector.broadcast %mul3A_930 : i32 to vector<16xi32>
      %mul3A_932 = arith.muli %iota3A, %mul3A_931 : vector<16xi32>
      %add3A_933 = arith.constant 519 : i32
      %add3A_934 = vector.broadcast %add3A_933 : i32 to vector<16xi32>
      %add3A_935 = arith.addi %mul3A_932, %add3A_934 : vector<16xi32>
      tpu.vector_store_idx %arg10[%add3A_935], %get3A_929 {add = true} : memref<8192xf32, #tpu.memory_space<vmem>>[vector<16xi32>], vector<16xf32>,
      %get3A_936 = arith.index_cast %add3A_826 : i32 to index
      %get3A_937 = arith.constant 32 : index
      %get3A_938 = tpu.vector_load %arg16[%get3A_936, %get3A_937] {strides = array<i32>} : memref<128x128xf32, #tpu.memory_space<vmem>>, vector<16xf32>,
      %mul3A_939 = arith.constant 32 : i32
      %mul3A_940 = vector.broadcast %mul3A_939 : i32 to vector<16xi32>
      %mul3A_941 = arith.muli %iota3A, %mul3A_940 : vector<16xi32>
      %add3A_942 = arith.constant 1031 : i32
      %add3A_943 = vector.broadcast %add3A_942 : i32 to vector<16xi32>
      %add3A_944 = arith.addi %mul3A_941, %add3A_943 : vector<16xi32>
      tpu.vector_store_idx %arg10[%add3A_944], %get3A_938 {add = true} : memref<8192xf32, #tpu.memory_space<vmem>>[vector<16xi32>], vector<16xf32>,
      %get3A_945 = arith.index_cast %add3A_826 : i32 to index
      %get3A_946 = arith.constant 48 : index
      %get3A_947 = tpu.vector_load %arg16[%get3A_945, %get3A_946] {strides = array<i32>} : memref<128x128xf32, #tpu.memory_space<vmem>>, vector<16xf32>,
      %mul3A_948 = arith.constant 32 : i32
      %mul3A_949 = vector.broadcast %mul3A_948 : i32 to vector<16xi32>
      %mul3A_950 = arith.muli %iota3A, %mul3A_949 : vector<16xi32>
      %add3A_951 = arith.constant 1543 : i32
      %add3A_952 = vector.broadcast %add3A_951 : i32 to vector<16xi32>
      %add3A_953 = arith.addi %mul3A_950, %add3A_952 : vector<16xi32>
      tpu.vector_store_idx %arg10[%add3A_953], %get3A_947 {add = true} : memref<8192xf32, #tpu.memory_space<vmem>>[vector<16xi32>], vector<16xf32>,
      %get3A_954 = arith.index_cast %add3A_826 : i32 to index
      %get3A_955 = arith.constant 64 : index
      %get3A_956 = tpu.vector_load %arg16[%get3A_954, %get3A_955] {strides = array<i32>} : memref<128x128xf32, #tpu.memory_space<vmem>>, vector<16xf32>,
      %mul3A_957 = arith.constant 32 : i32
      %mul3A_958 = vector.broadcast %mul3A_957 : i32 to vector<16xi32>
      %mul3A_959 = arith.muli %iota3A, %mul3A_958 : vector<16xi32>
      %add3A_960 = arith.constant 2055 : i32
      %add3A_961 = vector.broadcast %add3A_960 : i32 to vector<16xi32>
      %add3A_962 = arith.addi %mul3A_959, %add3A_961 : vector<16xi32>
      tpu.vector_store_idx %arg10[%add3A_962], %get3A_956 {add = true} : memref<8192xf32, #tpu.memory_space<vmem>>[vector<16xi32>], vector<16xf32>,
      %get3A_963 = arith.index_cast %add3A_826 : i32 to index
      %get3A_964 = arith.constant 80 : index
      %get3A_965 = tpu.vector_load %arg16[%get3A_963, %get3A_964] {strides = array<i32>} : memref<128x128xf32, #tpu.memory_space<vmem>>, vector<16xf32>,
      %mul3A_966 = arith.constant 32 : i32
      %mul3A_967 = vector.broadcast %mul3A_966 : i32 to vector<16xi32>
      %mul3A_968 = arith.muli %iota3A, %mul3A_967 : vector<16xi32>
      %add3A_969 = arith.constant 2567 : i32
      %add3A_970 = vector.broadcast %add3A_969 : i32 to vector<16xi32>
      %add3A_971 = arith.addi %mul3A_968, %add3A_970 : vector<16xi32>
      tpu.vector_store_idx %arg10[%add3A_971], %get3A_965 {add = true} : memref<8192xf32, #tpu.memory_space<vmem>>[vector<16xi32>], vector<16xf32>,
      %get3A_972 = arith.index_cast %add3A_826 : i32 to index
      %get3A_973 = arith.constant 96 : index
      %get3A_974 = tpu.vector_load %arg16[%get3A_972, %get3A_973] {strides = array<i32>} : memref<128x128xf32, #tpu.memory_space<vmem>>, vector<16xf32>,
      %mul3A_975 = arith.constant 32 : i32
      %mul3A_976 = vector.broadcast %mul3A_975 : i32 to vector<16xi32>
      %mul3A_977 = arith.muli %iota3A, %mul3A_976 : vector<16xi32>
      %add3A_978 = arith.constant 3079 : i32
      %add3A_979 = vector.broadcast %add3A_978 : i32 to vector<16xi32>
      %add3A_980 = arith.addi %mul3A_977, %add3A_979 : vector<16xi32>
      tpu.vector_store_idx %arg10[%add3A_980], %get3A_974 {add = true} : memref<8192xf32, #tpu.memory_space<vmem>>[vector<16xi32>], vector<16xf32>,
      %get3A_981 = arith.index_cast %add3A_826 : i32 to index
      %get3A_982 = arith.constant 112 : index
      %get3A_983 = tpu.vector_load %arg16[%get3A_981, %get3A_982] {strides = array<i32>} : memref<128x128xf32, #tpu.memory_space<vmem>>, vector<16xf32>,
      %mul3A_984 = arith.constant 32 : i32
      %mul3A_985 = vector.broadcast %mul3A_984 : i32 to vector<16xi32>
      %mul3A_986 = arith.muli %iota3A, %mul3A_985 : vector<16xi32>
      %add3A_987 = arith.constant 3591 : i32
      %add3A_988 = vector.broadcast %add3A_987 : i32 to vector<16xi32>
      %add3A_989 = arith.addi %mul3A_986, %add3A_988 : vector<16xi32>
      tpu.vector_store_idx %arg10[%add3A_989], %get3A_983 {add = true} : memref<8192xf32, #tpu.memory_space<vmem>>[vector<16xi32>], vector<16xf32>,
      %get3A_990 = arith.index_cast %add3A_826 : i32 to index
      %get3A_991 = arith.constant 0 : index
      %get3A_992 = tpu.vector_load %arg17[%get3A_990, %get3A_991] {strides = array<i32>} : memref<128x128xf32, #tpu.memory_space<vmem>>, vector<16xf32>,
      %mul3A_993 = arith.constant 32 : i32
      %mul3A_994 = vector.broadcast %mul3A_993 : i32 to vector<16xi32>
      %mul3A_995 = arith.muli %iota3A, %mul3A_994 : vector<16xi32>
      %add3A_996 = arith.constant 15 : i32
      %add3A_997 = vector.broadcast %add3A_996 : i32 to vector<16xi32>
      %add3A_998 = arith.addi %mul3A_995, %add3A_997 : vector<16xi32>
      tpu.vector_store_idx %arg10[%add3A_998], %get3A_992 {add = true} : memref<8192xf32, #tpu.memory_space<vmem>>[vector<16xi32>], vector<16xf32>,
      %get3A_999 = arith.index_cast %add3A_826 : i32 to index
      %get3A_1000 = arith.constant 16 : index
      %get3A_1001 = tpu.vector_load %arg17[%get3A_999, %get3A_1000] {strides = array<i32>} : memref<128x128xf32, #tpu.memory_space<vmem>>, vector<16xf32>,
      %mul3A_1002 = arith.constant 32 : i32
      %mul3A_1003 = vector.broadcast %mul3A_1002 : i32 to vector<16xi32>
      %mul3A_1004 = arith.muli %iota3A, %mul3A_1003 : vector<16xi32>
      %add3A_1005 = arith.constant 527 : i32
      %add3A_1006 = vector.broadcast %add3A_1005 : i32 to vector<16xi32>
      %add3A_1007 = arith.addi %mul3A_1004, %add3A_1006 : vector<16xi32>
      tpu.vector_store_idx %arg10[%add3A_1007], %get3A_1001 {add = true} : memref<8192xf32, #tpu.memory_space<vmem>>[vector<16xi32>], vector<16xf32>,
      %get3A_1008 = arith.index_cast %add3A_826 : i32 to index
      %get3A_1009 = arith.constant 32 : index
      %get3A_1010 = tpu.vector_load %arg17[%get3A_1008, %get3A_1009] {strides = array<i32>} : memref<128x128xf32, #tpu.memory_space<vmem>>, vector<16xf32>,
      %mul3A_1011 = arith.constant 32 : i32
      %mul3A_1012 = vector.broadcast %mul3A_1011 : i32 to vector<16xi32>
      %mul3A_1013 = arith.muli %iota3A, %mul3A_1012 : vector<16xi32>
      %add3A_1014 = arith.constant 1039 : i32
      %add3A_1015 = vector.broadcast %add3A_1014 : i32 to vector<16xi32>
      %add3A_1016 = arith.addi %mul3A_1013, %add3A_1015 : vector<16xi32>
      tpu.vector_store_idx %arg10[%add3A_1016], %get3A_1010 {add = true} : memref<8192xf32, #tpu.memory_space<vmem>>[vector<16xi32>], vector<16xf32>,
      %get3A_1017 = arith.index_cast %add3A_826 : i32 to index
      %get3A_1018 = arith.constant 48 : index
      %get3A_1019 = tpu.vector_load %arg17[%get3A_1017, %get3A_1018] {strides = array<i32>} : memref<128x128xf32, #tpu.memory_space<vmem>>, vector<16xf32>,
      %mul3A_1020 = arith.constant 32 : i32
      %mul3A_1021 = vector.broadcast %mul3A_1020 : i32 to vector<16xi32>
      %mul3A_1022 = arith.muli %iota3A, %mul3A_1021 : vector<16xi32>
      %add3A_1023 = arith.constant 1551 : i32
      %add3A_1024 = vector.broadcast %add3A_1023 : i32 to vector<16xi32>
      %add3A_1025 = arith.addi %mul3A_1022, %add3A_1024 : vector<16xi32>
      tpu.vector_store_idx %arg10[%add3A_1025], %get3A_1019 {add = true} : memref<8192xf32, #tpu.memory_space<vmem>>[vector<16xi32>], vector<16xf32>,
      %get3A_1026 = arith.index_cast %add3A_826 : i32 to index
      %get3A_1027 = arith.constant 64 : index
      %get3A_1028 = tpu.vector_load %arg17[%get3A_1026, %get3A_1027] {strides = array<i32>} : memref<128x128xf32, #tpu.memory_space<vmem>>, vector<16xf32>,
      %mul3A_1029 = arith.constant 32 : i32
      %mul3A_1030 = vector.broadcast %mul3A_1029 : i32 to vector<16xi32>
      %mul3A_1031 = arith.muli %iota3A, %mul3A_1030 : vector<16xi32>
      %add3A_1032 = arith.constant 2063 : i32
      %add3A_1033 = vector.broadcast %add3A_1032 : i32 to vector<16xi32>
      %add3A_1034 = arith.addi %mul3A_1031, %add3A_1033 : vector<16xi32>
      tpu.vector_store_idx %arg10[%add3A_1034], %get3A_1028 {add = true} : memref<8192xf32, #tpu.memory_space<vmem>>[vector<16xi32>], vector<16xf32>,
      %get3A_1035 = arith.index_cast %add3A_826 : i32 to index
      %get3A_1036 = arith.constant 80 : index
      %get3A_1037 = tpu.vector_load %arg17[%get3A_1035, %get3A_1036] {strides = array<i32>} : memref<128x128xf32, #tpu.memory_space<vmem>>, vector<16xf32>,
      %mul3A_1038 = arith.constant 32 : i32
      %mul3A_1039 = vector.broadcast %mul3A_1038 : i32 to vector<16xi32>
      %mul3A_1040 = arith.muli %iota3A, %mul3A_1039 : vector<16xi32>
      %add3A_1041 = arith.constant 2575 : i32
      %add3A_1042 = vector.broadcast %add3A_1041 : i32 to vector<16xi32>
      %add3A_1043 = arith.addi %mul3A_1040, %add3A_1042 : vector<16xi32>
      tpu.vector_store_idx %arg10[%add3A_1043], %get3A_1037 {add = true} : memref<8192xf32, #tpu.memory_space<vmem>>[vector<16xi32>], vector<16xf32>,
      %get3A_1044 = arith.index_cast %add3A_826 : i32 to index
      %get3A_1045 = arith.constant 96 : index
      %get3A_1046 = tpu.vector_load %arg17[%get3A_1044, %get3A_1045] {strides = array<i32>} : memref<128x128xf32, #tpu.memory_space<vmem>>, vector<16xf32>,
      %mul3A_1047 = arith.constant 32 : i32
      %mul3A_1048 = vector.broadcast %mul3A_1047 : i32 to vector<16xi32>
      %mul3A_1049 = arith.muli %iota3A, %mul3A_1048 : vector<16xi32>
      %add3A_1050 = arith.constant 3087 : i32
      %add3A_1051 = vector.broadcast %add3A_1050 : i32 to vector<16xi32>
      %add3A_1052 = arith.addi %mul3A_1049, %add3A_1051 : vector<16xi32>
      tpu.vector_store_idx %arg10[%add3A_1052], %get3A_1046 {add = true} : memref<8192xf32, #tpu.memory_space<vmem>>[vector<16xi32>], vector<16xf32>,
      %get3A_1053 = arith.index_cast %add3A_826 : i32 to index
      %get3A_1054 = arith.constant 112 : index
      %get3A_1055 = tpu.vector_load %arg17[%get3A_1053, %get3A_1054] {strides = array<i32>} : memref<128x128xf32, #tpu.memory_space<vmem>>, vector<16xf32>,
      %mul3A_1056 = arith.constant 32 : i32
      %mul3A_1057 = vector.broadcast %mul3A_1056 : i32 to vector<16xi32>
      %mul3A_1058 = arith.muli %iota3A, %mul3A_1057 : vector<16xi32>
      %add3A_1059 = arith.constant 3599 : i32
      %add3A_1060 = vector.broadcast %add3A_1059 : i32 to vector<16xi32>
      %add3A_1061 = arith.addi %mul3A_1058, %add3A_1060 : vector<16xi32>
      tpu.vector_store_idx %arg10[%add3A_1061], %get3A_1055 {add = true} : memref<8192xf32, #tpu.memory_space<vmem>>[vector<16xi32>], vector<16xf32>,
      %add3A_1062 = arith.addi %mul3A_2, %add3A_826 : i32
      %dma_start3A_1063 = arith.constant 0 : i32
      %dma_start3A_1064 = tpu.memref_slice %arg6[%add3A_1062, %dma_start3A_1063] : memref<4096x8192xf32, #tpu.memory_space<hbm>> -> memref<1x8192xf32, #tpu.memory_space<hbm>>
      %dma_start3A_1065 = tpu.memref_squeeze %dma_start3A_1064 : memref<1x8192xf32, #tpu.memory_space<hbm>> -> memref<8192xf32, #tpu.memory_space<hbm>>
      %dma_start3A_1066 = arith.constant 0 : i32
      %dma_start3A_1067 = tpu.memref_slice %arg6[%add3A_1062, %dma_start3A_1066] : memref<4096x8192xf32, #tpu.memory_space<hbm>> -> memref<1x8192xf32, #tpu.memory_space<hbm>>
      %dma_start3A_1068 = tpu.memref_squeeze %dma_start3A_1067 : memref<1x8192xf32, #tpu.memory_space<hbm>> -> memref<8192xf32, #tpu.memory_space<hbm>>
      tpu.enqueue_dma source(%arg10 : memref<8192xf32, #tpu.memory_space<vmem>>) target(%dma_start3A_1068 : memref<8192xf32, #tpu.memory_space<hbm>>) target_semaphore(%arg29 : memref<!tpu.dma_semaphore, #tpu.memory_space<semaphore_mem>>)
      %add3A_1069 = arith.constant 4 : i32
      %add3A_1070 = arith.addi %add3A_97, %add3A_1069 : i32
      %add3A_1071 = arith.constant 6 : i32
      %add3A_1072 = arith.addi %add3A_1070, %add3A_1071 : i32
      %ge3A_1073 = arith.constant 8 : i32
      %ge3A_1074 = arith.cmpi sge, %add3A_1072, %ge3A_1073 : i32
      %convert_element_type3A_1075 = arith.extui %ge3A_1074 : i1 to i32
      %cond3A_1076 = arith.constant 0 : i32
      %cond3A_1077 = arith.cmpi ne, %convert_element_type3A_1075, %cond3A_1076 : i32
      scf.if %cond3A_1077 {
        %sub3A = arith.constant 8 : i32
        %sub3A_2045 = arith.subi %add3A_1072, %sub3A : i32
        %add3A_2046 = arith.addi %mul3A_2, %sub3A_2045 : i32
        %dma_wait3A_2047 = arith.constant 0 : i32
        %dma_wait3A_2048 = tpu.memref_slice %arg6[%add3A_2046, %dma_wait3A_2047] : memref<4096x8192xf32, #tpu.memory_space<hbm>> -> memref<1x8192xf32, #tpu.memory_space<hbm>>
        %dma_wait3A_2049 = tpu.memref_squeeze %dma_wait3A_2048 : memref<1x8192xf32, #tpu.memory_space<hbm>> -> memref<8192xf32, #tpu.memory_space<hbm>>
        %dma_wait3A_2050 = arith.constant 0 : i32
        %dma_wait3A_2051 = tpu.memref_slice %arg6[%add3A_2046, %dma_wait3A_2050] : memref<4096x8192xf32, #tpu.memory_space<hbm>> -> memref<1x8192xf32, #tpu.memory_space<hbm>>
        %dma_wait3A_2052 = tpu.memref_squeeze %dma_wait3A_2051 : memref<1x8192xf32, #tpu.memory_space<hbm>> -> memref<8192xf32, #tpu.memory_space<hbm>>
        tpu.wait_dma2 semaphore(%arg28 : memref<!tpu.dma_semaphore, #tpu.memory_space<semaphore_mem>>) src(%arg9 : memref<8192xf32, #tpu.memory_space<vmem>>) dst(%dma_wait3A_2052 : memref<8192xf32, #tpu.memory_space<hbm>>)
      } else {
      }
      %lt3A_1078 = arith.constant 128 : i32
      %lt3A_1079 = arith.cmpi slt, %add3A_1072, %lt3A_1078 : i32
      %convert_element_type3A_1080 = arith.extui %lt3A_1079 : i1 to i32
      %cond3A_1081 = arith.constant 0 : i32
      %cond3A_1082 = arith.cmpi ne, %convert_element_type3A_1080, %cond3A_1081 : i32
      scf.if %cond3A_1082 {
        %add3A_2045 = arith.addi %mul3A_2, %add3A_1072 : i32
        %dma_start3A_2046 = arith.constant 0 : i32
        %dma_start3A_2047 = tpu.memref_slice %arg2[%add3A_2045, %dma_start3A_2046] : memref<4096x8192xf32, #tpu.memory_space<hbm>> -> memref<1x8192xf32, #tpu.memory_space<hbm>>
        %dma_start3A_2048 = tpu.memref_squeeze %dma_start3A_2047 : memref<1x8192xf32, #tpu.memory_space<hbm>> -> memref<8192xf32, #tpu.memory_space<hbm>>
        %dma_start3A_2049 = arith.constant 0 : i32
        %dma_start3A_2050 = tpu.memref_slice %arg2[%add3A_2045, %dma_start3A_2049] : memref<4096x8192xf32, #tpu.memory_space<hbm>> -> memref<1x8192xf32, #tpu.memory_space<hbm>>
        %dma_start3A_2051 = tpu.memref_squeeze %dma_start3A_2050 : memref<1x8192xf32, #tpu.memory_space<hbm>> -> memref<8192xf32, #tpu.memory_space<hbm>>
        tpu.enqueue_dma source(%dma_start3A_2051 : memref<8192xf32, #tpu.memory_space<hbm>>) target(%arg9 : memref<8192xf32, #tpu.memory_space<vmem>>) target_semaphore(%arg20 : memref<!tpu.dma_semaphore, #tpu.memory_space<semaphore_mem>>)
      } else {
      }
      %add3A_1083 = arith.addi %mul3A_2, %add3A_1070 : i32
      %dma_wait3A_1084 = arith.constant 0 : i32
      %dma_wait3A_1085 = tpu.memref_slice %arg2[%add3A_1083, %dma_wait3A_1084] : memref<4096x8192xf32, #tpu.memory_space<hbm>> -> memref<1x8192xf32, #tpu.memory_space<hbm>>
      %dma_wait3A_1086 = tpu.memref_squeeze %dma_wait3A_1085 : memref<1x8192xf32, #tpu.memory_space<hbm>> -> memref<8192xf32, #tpu.memory_space<hbm>>
      %dma_wait3A_1087 = arith.constant 0 : i32
      %dma_wait3A_1088 = tpu.memref_slice %arg2[%add3A_1083, %dma_wait3A_1087] : memref<4096x8192xf32, #tpu.memory_space<hbm>> -> memref<1x8192xf32, #tpu.memory_space<hbm>>
      %dma_wait3A_1089 = tpu.memref_squeeze %dma_wait3A_1088 : memref<1x8192xf32, #tpu.memory_space<hbm>> -> memref<8192xf32, #tpu.memory_space<hbm>>
      tpu.wait_dma2 semaphore(%arg22 : memref<!tpu.dma_semaphore, #tpu.memory_space<semaphore_mem>>) src(%dma_wait3A_1089 : memref<8192xf32, #tpu.memory_space<hbm>>) dst(%arg11 : memref<8192xf32, #tpu.memory_space<vmem>>)
      %get3A_1090 = arith.index_cast %add3A_1070 : i32 to index
      %get3A_1091 = arith.constant 0 : index
      %get3A_1092 = tpu.vector_load %arg15[%get3A_1090, %get3A_1091] {strides = array<i32>} : memref<128x128xf32, #tpu.memory_space<vmem>>, vector<16xf32>,
      %mul3A_1093 = arith.constant 32 : i32
      %mul3A_1094 = vector.broadcast %mul3A_1093 : i32 to vector<16xi32>
      %mul3A_1095 = arith.muli %iota3A, %mul3A_1094 : vector<16xi32>
      %add3A_1096 = arith.constant 0 : i32
      %add3A_1097 = vector.broadcast %add3A_1096 : i32 to vector<16xi32>
      %add3A_1098 = arith.addi %mul3A_1095, %add3A_1097 : vector<16xi32>
      tpu.vector_store_idx %arg11[%add3A_1098], %get3A_1092 {add = true} : memref<8192xf32, #tpu.memory_space<vmem>>[vector<16xi32>], vector<16xf32>,
      %get3A_1099 = arith.index_cast %add3A_1070 : i32 to index
      %get3A_1100 = arith.constant 16 : index
      %get3A_1101 = tpu.vector_load %arg15[%get3A_1099, %get3A_1100] {strides = array<i32>} : memref<128x128xf32, #tpu.memory_space<vmem>>, vector<16xf32>,
      %mul3A_1102 = arith.constant 32 : i32
      %mul3A_1103 = vector.broadcast %mul3A_1102 : i32 to vector<16xi32>
      %mul3A_1104 = arith.muli %iota3A, %mul3A_1103 : vector<16xi32>
      %add3A_1105 = arith.constant 512 : i32
      %add3A_1106 = vector.broadcast %add3A_1105 : i32 to vector<16xi32>
      %add3A_1107 = arith.addi %mul3A_1104, %add3A_1106 : vector<16xi32>
      tpu.vector_store_idx %arg11[%add3A_1107], %get3A_1101 {add = true} : memref<8192xf32, #tpu.memory_space<vmem>>[vector<16xi32>], vector<16xf32>,
      %get3A_1108 = arith.index_cast %add3A_1070 : i32 to index
      %get3A_1109 = arith.constant 32 : index
      %get3A_1110 = tpu.vector_load %arg15[%get3A_1108, %get3A_1109] {strides = array<i32>} : memref<128x128xf32, #tpu.memory_space<vmem>>, vector<16xf32>,
      %mul3A_1111 = arith.constant 32 : i32
      %mul3A_1112 = vector.broadcast %mul3A_1111 : i32 to vector<16xi32>
      %mul3A_1113 = arith.muli %iota3A, %mul3A_1112 : vector<16xi32>
      %add3A_1114 = arith.constant 1024 : i32
      %add3A_1115 = vector.broadcast %add3A_1114 : i32 to vector<16xi32>
      %add3A_1116 = arith.addi %mul3A_1113, %add3A_1115 : vector<16xi32>
      tpu.vector_store_idx %arg11[%add3A_1116], %get3A_1110 {add = true} : memref<8192xf32, #tpu.memory_space<vmem>>[vector<16xi32>], vector<16xf32>,
      %get3A_1117 = arith.index_cast %add3A_1070 : i32 to index
      %get3A_1118 = arith.constant 48 : index
      %get3A_1119 = tpu.vector_load %arg15[%get3A_1117, %get3A_1118] {strides = array<i32>} : memref<128x128xf32, #tpu.memory_space<vmem>>, vector<16xf32>,
      %mul3A_1120 = arith.constant 32 : i32
      %mul3A_1121 = vector.broadcast %mul3A_1120 : i32 to vector<16xi32>
      %mul3A_1122 = arith.muli %iota3A, %mul3A_1121 : vector<16xi32>
      %add3A_1123 = arith.constant 1536 : i32
      %add3A_1124 = vector.broadcast %add3A_1123 : i32 to vector<16xi32>
      %add3A_1125 = arith.addi %mul3A_1122, %add3A_1124 : vector<16xi32>
      tpu.vector_store_idx %arg11[%add3A_1125], %get3A_1119 {add = true} : memref<8192xf32, #tpu.memory_space<vmem>>[vector<16xi32>], vector<16xf32>,
      %get3A_1126 = arith.index_cast %add3A_1070 : i32 to index
      %get3A_1127 = arith.constant 64 : index
      %get3A_1128 = tpu.vector_load %arg15[%get3A_1126, %get3A_1127] {strides = array<i32>} : memref<128x128xf32, #tpu.memory_space<vmem>>, vector<16xf32>,
      %mul3A_1129 = arith.constant 32 : i32
      %mul3A_1130 = vector.broadcast %mul3A_1129 : i32 to vector<16xi32>
      %mul3A_1131 = arith.muli %iota3A, %mul3A_1130 : vector<16xi32>
      %add3A_1132 = arith.constant 2048 : i32
      %add3A_1133 = vector.broadcast %add3A_1132 : i32 to vector<16xi32>
      %add3A_1134 = arith.addi %mul3A_1131, %add3A_1133 : vector<16xi32>
      tpu.vector_store_idx %arg11[%add3A_1134], %get3A_1128 {add = true} : memref<8192xf32, #tpu.memory_space<vmem>>[vector<16xi32>], vector<16xf32>,
      %get3A_1135 = arith.index_cast %add3A_1070 : i32 to index
      %get3A_1136 = arith.constant 80 : index
      %get3A_1137 = tpu.vector_load %arg15[%get3A_1135, %get3A_1136] {strides = array<i32>} : memref<128x128xf32, #tpu.memory_space<vmem>>, vector<16xf32>,
      %mul3A_1138 = arith.constant 32 : i32
      %mul3A_1139 = vector.broadcast %mul3A_1138 : i32 to vector<16xi32>
      %mul3A_1140 = arith.muli %iota3A, %mul3A_1139 : vector<16xi32>
      %add3A_1141 = arith.constant 2560 : i32
      %add3A_1142 = vector.broadcast %add3A_1141 : i32 to vector<16xi32>
      %add3A_1143 = arith.addi %mul3A_1140, %add3A_1142 : vector<16xi32>
      tpu.vector_store_idx %arg11[%add3A_1143], %get3A_1137 {add = true} : memref<8192xf32, #tpu.memory_space<vmem>>[vector<16xi32>], vector<16xf32>,
      %get3A_1144 = arith.index_cast %add3A_1070 : i32 to index
      %get3A_1145 = arith.constant 96 : index
      %get3A_1146 = tpu.vector_load %arg15[%get3A_1144, %get3A_1145] {strides = array<i32>} : memref<128x128xf32, #tpu.memory_space<vmem>>, vector<16xf32>,
      %mul3A_1147 = arith.constant 32 : i32
      %mul3A_1148 = vector.broadcast %mul3A_1147 : i32 to vector<16xi32>
      %mul3A_1149 = arith.muli %iota3A, %mul3A_1148 : vector<16xi32>
      %add3A_1150 = arith.constant 3072 : i32
      %add3A_1151 = vector.broadcast %add3A_1150 : i32 to vector<16xi32>
      %add3A_1152 = arith.addi %mul3A_1149, %add3A_1151 : vector<16xi32>
      tpu.vector_store_idx %arg11[%add3A_1152], %get3A_1146 {add = true} : memref<8192xf32, #tpu.memory_space<vmem>>[vector<16xi32>], vector<16xf32>,
      %get3A_1153 = arith.index_cast %add3A_1070 : i32 to index
      %get3A_1154 = arith.constant 112 : index
      %get3A_1155 = tpu.vector_load %arg15[%get3A_1153, %get3A_1154] {strides = array<i32>} : memref<128x128xf32, #tpu.memory_space<vmem>>, vector<16xf32>,
      %mul3A_1156 = arith.constant 32 : i32
      %mul3A_1157 = vector.broadcast %mul3A_1156 : i32 to vector<16xi32>
      %mul3A_1158 = arith.muli %iota3A, %mul3A_1157 : vector<16xi32>
      %add3A_1159 = arith.constant 3584 : i32
      %add3A_1160 = vector.broadcast %add3A_1159 : i32 to vector<16xi32>
      %add3A_1161 = arith.addi %mul3A_1158, %add3A_1160 : vector<16xi32>
      tpu.vector_store_idx %arg11[%add3A_1161], %get3A_1155 {add = true} : memref<8192xf32, #tpu.memory_space<vmem>>[vector<16xi32>], vector<16xf32>,
      %get3A_1162 = arith.index_cast %add3A_1070 : i32 to index
      %get3A_1163 = arith.constant 0 : index
      %get3A_1164 = tpu.vector_load %arg16[%get3A_1162, %get3A_1163] {strides = array<i32>} : memref<128x128xf32, #tpu.memory_space<vmem>>, vector<16xf32>,
      %mul3A_1165 = arith.constant 32 : i32
      %mul3A_1166 = vector.broadcast %mul3A_1165 : i32 to vector<16xi32>
      %mul3A_1167 = arith.muli %iota3A, %mul3A_1166 : vector<16xi32>
      %add3A_1168 = arith.constant 7 : i32
      %add3A_1169 = vector.broadcast %add3A_1168 : i32 to vector<16xi32>
      %add3A_1170 = arith.addi %mul3A_1167, %add3A_1169 : vector<16xi32>
      tpu.vector_store_idx %arg11[%add3A_1170], %get3A_1164 {add = true} : memref<8192xf32, #tpu.memory_space<vmem>>[vector<16xi32>], vector<16xf32>,
      %get3A_1171 = arith.index_cast %add3A_1070 : i32 to index
      %get3A_1172 = arith.constant 16 : index
      %get3A_1173 = tpu.vector_load %arg16[%get3A_1171, %get3A_1172] {strides = array<i32>} : memref<128x128xf32, #tpu.memory_space<vmem>>, vector<16xf32>,
      %mul3A_1174 = arith.constant 32 : i32
      %mul3A_1175 = vector.broadcast %mul3A_1174 : i32 to vector<16xi32>
      %mul3A_1176 = arith.muli %iota3A, %mul3A_1175 : vector<16xi32>
      %add3A_1177 = arith.constant 519 : i32
      %add3A_1178 = vector.broadcast %add3A_1177 : i32 to vector<16xi32>
      %add3A_1179 = arith.addi %mul3A_1176, %add3A_1178 : vector<16xi32>
      tpu.vector_store_idx %arg11[%add3A_1179], %get3A_1173 {add = true} : memref<8192xf32, #tpu.memory_space<vmem>>[vector<16xi32>], vector<16xf32>,
      %get3A_1180 = arith.index_cast %add3A_1070 : i32 to index
      %get3A_1181 = arith.constant 32 : index
      %get3A_1182 = tpu.vector_load %arg16[%get3A_1180, %get3A_1181] {strides = array<i32>} : memref<128x128xf32, #tpu.memory_space<vmem>>, vector<16xf32>,
      %mul3A_1183 = arith.constant 32 : i32
      %mul3A_1184 = vector.broadcast %mul3A_1183 : i32 to vector<16xi32>
      %mul3A_1185 = arith.muli %iota3A, %mul3A_1184 : vector<16xi32>
      %add3A_1186 = arith.constant 1031 : i32
      %add3A_1187 = vector.broadcast %add3A_1186 : i32 to vector<16xi32>
      %add3A_1188 = arith.addi %mul3A_1185, %add3A_1187 : vector<16xi32>
      tpu.vector_store_idx %arg11[%add3A_1188], %get3A_1182 {add = true} : memref<8192xf32, #tpu.memory_space<vmem>>[vector<16xi32>], vector<16xf32>,
      %get3A_1189 = arith.index_cast %add3A_1070 : i32 to index
      %get3A_1190 = arith.constant 48 : index
      %get3A_1191 = tpu.vector_load %arg16[%get3A_1189, %get3A_1190] {strides = array<i32>} : memref<128x128xf32, #tpu.memory_space<vmem>>, vector<16xf32>,
      %mul3A_1192 = arith.constant 32 : i32
      %mul3A_1193 = vector.broadcast %mul3A_1192 : i32 to vector<16xi32>
      %mul3A_1194 = arith.muli %iota3A, %mul3A_1193 : vector<16xi32>
      %add3A_1195 = arith.constant 1543 : i32
      %add3A_1196 = vector.broadcast %add3A_1195 : i32 to vector<16xi32>
      %add3A_1197 = arith.addi %mul3A_1194, %add3A_1196 : vector<16xi32>
      tpu.vector_store_idx %arg11[%add3A_1197], %get3A_1191 {add = true} : memref<8192xf32, #tpu.memory_space<vmem>>[vector<16xi32>], vector<16xf32>,
      %get3A_1198 = arith.index_cast %add3A_1070 : i32 to index
      %get3A_1199 = arith.constant 64 : index
      %get3A_1200 = tpu.vector_load %arg16[%get3A_1198, %get3A_1199] {strides = array<i32>} : memref<128x128xf32, #tpu.memory_space<vmem>>, vector<16xf32>,
      %mul3A_1201 = arith.constant 32 : i32
      %mul3A_1202 = vector.broadcast %mul3A_1201 : i32 to vector<16xi32>
      %mul3A_1203 = arith.muli %iota3A, %mul3A_1202 : vector<16xi32>
      %add3A_1204 = arith.constant 2055 : i32
      %add3A_1205 = vector.broadcast %add3A_1204 : i32 to vector<16xi32>
      %add3A_1206 = arith.addi %mul3A_1203, %add3A_1205 : vector<16xi32>
      tpu.vector_store_idx %arg11[%add3A_1206], %get3A_1200 {add = true} : memref<8192xf32, #tpu.memory_space<vmem>>[vector<16xi32>], vector<16xf32>,
      %get3A_1207 = arith.index_cast %add3A_1070 : i32 to index
      %get3A_1208 = arith.constant 80 : index
      %get3A_1209 = tpu.vector_load %arg16[%get3A_1207, %get3A_1208] {strides = array<i32>} : memref<128x128xf32, #tpu.memory_space<vmem>>, vector<16xf32>,
      %mul3A_1210 = arith.constant 32 : i32
      %mul3A_1211 = vector.broadcast %mul3A_1210 : i32 to vector<16xi32>
      %mul3A_1212 = arith.muli %iota3A, %mul3A_1211 : vector<16xi32>
      %add3A_1213 = arith.constant 2567 : i32
      %add3A_1214 = vector.broadcast %add3A_1213 : i32 to vector<16xi32>
      %add3A_1215 = arith.addi %mul3A_1212, %add3A_1214 : vector<16xi32>
      tpu.vector_store_idx %arg11[%add3A_1215], %get3A_1209 {add = true} : memref<8192xf32, #tpu.memory_space<vmem>>[vector<16xi32>], vector<16xf32>,
      %get3A_1216 = arith.index_cast %add3A_1070 : i32 to index
      %get3A_1217 = arith.constant 96 : index
      %get3A_1218 = tpu.vector_load %arg16[%get3A_1216, %get3A_1217] {strides = array<i32>} : memref<128x128xf32, #tpu.memory_space<vmem>>, vector<16xf32>,
      %mul3A_1219 = arith.constant 32 : i32
      %mul3A_1220 = vector.broadcast %mul3A_1219 : i32 to vector<16xi32>
      %mul3A_1221 = arith.muli %iota3A, %mul3A_1220 : vector<16xi32>
      %add3A_1222 = arith.constant 3079 : i32
      %add3A_1223 = vector.broadcast %add3A_1222 : i32 to vector<16xi32>
      %add3A_1224 = arith.addi %mul3A_1221, %add3A_1223 : vector<16xi32>
      tpu.vector_store_idx %arg11[%add3A_1224], %get3A_1218 {add = true} : memref<8192xf32, #tpu.memory_space<vmem>>[vector<16xi32>], vector<16xf32>,
      %get3A_1225 = arith.index_cast %add3A_1070 : i32 to index
      %get3A_1226 = arith.constant 112 : index
      %get3A_1227 = tpu.vector_load %arg16[%get3A_1225, %get3A_1226] {strides = array<i32>} : memref<128x128xf32, #tpu.memory_space<vmem>>, vector<16xf32>,
      %mul3A_1228 = arith.constant 32 : i32
      %mul3A_1229 = vector.broadcast %mul3A_1228 : i32 to vector<16xi32>
      %mul3A_1230 = arith.muli %iota3A, %mul3A_1229 : vector<16xi32>
      %add3A_1231 = arith.constant 3591 : i32
      %add3A_1232 = vector.broadcast %add3A_1231 : i32 to vector<16xi32>
      %add3A_1233 = arith.addi %mul3A_1230, %add3A_1232 : vector<16xi32>
      tpu.vector_store_idx %arg11[%add3A_1233], %get3A_1227 {add = true} : memref<8192xf32, #tpu.memory_space<vmem>>[vector<16xi32>], vector<16xf32>,
      %get3A_1234 = arith.index_cast %add3A_1070 : i32 to index
      %get3A_1235 = arith.constant 0 : index
      %get3A_1236 = tpu.vector_load %arg17[%get3A_1234, %get3A_1235] {strides = array<i32>} : memref<128x128xf32, #tpu.memory_space<vmem>>, vector<16xf32>,
      %mul3A_1237 = arith.constant 32 : i32
      %mul3A_1238 = vector.broadcast %mul3A_1237 : i32 to vector<16xi32>
      %mul3A_1239 = arith.muli %iota3A, %mul3A_1238 : vector<16xi32>
      %add3A_1240 = arith.constant 15 : i32
      %add3A_1241 = vector.broadcast %add3A_1240 : i32 to vector<16xi32>
      %add3A_1242 = arith.addi %mul3A_1239, %add3A_1241 : vector<16xi32>
      tpu.vector_store_idx %arg11[%add3A_1242], %get3A_1236 {add = true} : memref<8192xf32, #tpu.memory_space<vmem>>[vector<16xi32>], vector<16xf32>,
      %get3A_1243 = arith.index_cast %add3A_1070 : i32 to index
      %get3A_1244 = arith.constant 16 : index
      %get3A_1245 = tpu.vector_load %arg17[%get3A_1243, %get3A_1244] {strides = array<i32>} : memref<128x128xf32, #tpu.memory_space<vmem>>, vector<16xf32>,
      %mul3A_1246 = arith.constant 32 : i32
      %mul3A_1247 = vector.broadcast %mul3A_1246 : i32 to vector<16xi32>
      %mul3A_1248 = arith.muli %iota3A, %mul3A_1247 : vector<16xi32>
      %add3A_1249 = arith.constant 527 : i32
      %add3A_1250 = vector.broadcast %add3A_1249 : i32 to vector<16xi32>
      %add3A_1251 = arith.addi %mul3A_1248, %add3A_1250 : vector<16xi32>
      tpu.vector_store_idx %arg11[%add3A_1251], %get3A_1245 {add = true} : memref<8192xf32, #tpu.memory_space<vmem>>[vector<16xi32>], vector<16xf32>,
      %get3A_1252 = arith.index_cast %add3A_1070 : i32 to index
      %get3A_1253 = arith.constant 32 : index
      %get3A_1254 = tpu.vector_load %arg17[%get3A_1252, %get3A_1253] {strides = array<i32>} : memref<128x128xf32, #tpu.memory_space<vmem>>, vector<16xf32>,
      %mul3A_1255 = arith.constant 32 : i32
      %mul3A_1256 = vector.broadcast %mul3A_1255 : i32 to vector<16xi32>
      %mul3A_1257 = arith.muli %iota3A, %mul3A_1256 : vector<16xi32>
      %add3A_1258 = arith.constant 1039 : i32
      %add3A_1259 = vector.broadcast %add3A_1258 : i32 to vector<16xi32>
      %add3A_1260 = arith.addi %mul3A_1257, %add3A_1259 : vector<16xi32>
      tpu.vector_store_idx %arg11[%add3A_1260], %get3A_1254 {add = true} : memref<8192xf32, #tpu.memory_space<vmem>>[vector<16xi32>], vector<16xf32>,
      %get3A_1261 = arith.index_cast %add3A_1070 : i32 to index
      %get3A_1262 = arith.constant 48 : index
      %get3A_1263 = tpu.vector_load %arg17[%get3A_1261, %get3A_1262] {strides = array<i32>} : memref<128x128xf32, #tpu.memory_space<vmem>>, vector<16xf32>,
      %mul3A_1264 = arith.constant 32 : i32
      %mul3A_1265 = vector.broadcast %mul3A_1264 : i32 to vector<16xi32>
      %mul3A_1266 = arith.muli %iota3A, %mul3A_1265 : vector<16xi32>
      %add3A_1267 = arith.constant 1551 : i32
      %add3A_1268 = vector.broadcast %add3A_1267 : i32 to vector<16xi32>
      %add3A_1269 = arith.addi %mul3A_1266, %add3A_1268 : vector<16xi32>
      tpu.vector_store_idx %arg11[%add3A_1269], %get3A_1263 {add = true} : memref<8192xf32, #tpu.memory_space<vmem>>[vector<16xi32>], vector<16xf32>,
      %get3A_1270 = arith.index_cast %add3A_1070 : i32 to index
      %get3A_1271 = arith.constant 64 : index
      %get3A_1272 = tpu.vector_load %arg17[%get3A_1270, %get3A_1271] {strides = array<i32>} : memref<128x128xf32, #tpu.memory_space<vmem>>, vector<16xf32>,
      %mul3A_1273 = arith.constant 32 : i32
      %mul3A_1274 = vector.broadcast %mul3A_1273 : i32 to vector<16xi32>
      %mul3A_1275 = arith.muli %iota3A, %mul3A_1274 : vector<16xi32>
      %add3A_1276 = arith.constant 2063 : i32
      %add3A_1277 = vector.broadcast %add3A_1276 : i32 to vector<16xi32>
      %add3A_1278 = arith.addi %mul3A_1275, %add3A_1277 : vector<16xi32>
      tpu.vector_store_idx %arg11[%add3A_1278], %get3A_1272 {add = true} : memref<8192xf32, #tpu.memory_space<vmem>>[vector<16xi32>], vector<16xf32>,
      %get3A_1279 = arith.index_cast %add3A_1070 : i32 to index
      %get3A_1280 = arith.constant 80 : index
      %get3A_1281 = tpu.vector_load %arg17[%get3A_1279, %get3A_1280] {strides = array<i32>} : memref<128x128xf32, #tpu.memory_space<vmem>>, vector<16xf32>,
      %mul3A_1282 = arith.constant 32 : i32
      %mul3A_1283 = vector.broadcast %mul3A_1282 : i32 to vector<16xi32>
      %mul3A_1284 = arith.muli %iota3A, %mul3A_1283 : vector<16xi32>
      %add3A_1285 = arith.constant 2575 : i32
      %add3A_1286 = vector.broadcast %add3A_1285 : i32 to vector<16xi32>
      %add3A_1287 = arith.addi %mul3A_1284, %add3A_1286 : vector<16xi32>
      tpu.vector_store_idx %arg11[%add3A_1287], %get3A_1281 {add = true} : memref<8192xf32, #tpu.memory_space<vmem>>[vector<16xi32>], vector<16xf32>,
      %get3A_1288 = arith.index_cast %add3A_1070 : i32 to index
      %get3A_1289 = arith.constant 96 : index
      %get3A_1290 = tpu.vector_load %arg17[%get3A_1288, %get3A_1289] {strides = array<i32>} : memref<128x128xf32, #tpu.memory_space<vmem>>, vector<16xf32>,
      %mul3A_1291 = arith.constant 32 : i32
      %mul3A_1292 = vector.broadcast %mul3A_1291 : i32 to vector<16xi32>
      %mul3A_1293 = arith.muli %iota3A, %mul3A_1292 : vector<16xi32>
      %add3A_1294 = arith.constant 3087 : i32
      %add3A_1295 = vector.broadcast %add3A_1294 : i32 to vector<16xi32>
      %add3A_1296 = arith.addi %mul3A_1293, %add3A_1295 : vector<16xi32>
      tpu.vector_store_idx %arg11[%add3A_1296], %get3A_1290 {add = true} : memref<8192xf32, #tpu.memory_space<vmem>>[vector<16xi32>], vector<16xf32>,
      %get3A_1297 = arith.index_cast %add3A_1070 : i32 to index
      %get3A_1298 = arith.constant 112 : index
      %get3A_1299 = tpu.vector_load %arg17[%get3A_1297, %get3A_1298] {strides = array<i32>} : memref<128x128xf32, #tpu.memory_space<vmem>>, vector<16xf32>,
      %mul3A_1300 = arith.constant 32 : i32
      %mul3A_1301 = vector.broadcast %mul3A_1300 : i32 to vector<16xi32>
      %mul3A_1302 = arith.muli %iota3A, %mul3A_1301 : vector<16xi32>
      %add3A_1303 = arith.constant 3599 : i32
      %add3A_1304 = vector.broadcast %add3A_1303 : i32 to vector<16xi32>
      %add3A_1305 = arith.addi %mul3A_1302, %add3A_1304 : vector<16xi32>
      tpu.vector_store_idx %arg11[%add3A_1305], %get3A_1299 {add = true} : memref<8192xf32, #tpu.memory_space<vmem>>[vector<16xi32>], vector<16xf32>,
      %add3A_1306 = arith.addi %mul3A_2, %add3A_1070 : i32
      %dma_start3A_1307 = arith.constant 0 : i32
      %dma_start3A_1308 = tpu.memref_slice %arg6[%add3A_1306, %dma_start3A_1307] : memref<4096x8192xf32, #tpu.memory_space<hbm>> -> memref<1x8192xf32, #tpu.memory_space<hbm>>
      %dma_start3A_1309 = tpu.memref_squeeze %dma_start3A_1308 : memref<1x8192xf32, #tpu.memory_space<hbm>> -> memref<8192xf32, #tpu.memory_space<hbm>>
      %dma_start3A_1310 = arith.constant 0 : i32
      %dma_start3A_1311 = tpu.memref_slice %arg6[%add3A_1306, %dma_start3A_1310] : memref<4096x8192xf32, #tpu.memory_space<hbm>> -> memref<1x8192xf32, #tpu.memory_space<hbm>>
      %dma_start3A_1312 = tpu.memref_squeeze %dma_start3A_1311 : memref<1x8192xf32, #tpu.memory_space<hbm>> -> memref<8192xf32, #tpu.memory_space<hbm>>
      tpu.enqueue_dma source(%arg11 : memref<8192xf32, #tpu.memory_space<vmem>>) target(%dma_start3A_1312 : memref<8192xf32, #tpu.memory_space<hbm>>) target_semaphore(%arg30 : memref<!tpu.dma_semaphore, #tpu.memory_space<semaphore_mem>>)
      %add3A_1313 = arith.constant 5 : i32
      %add3A_1314 = arith.addi %add3A_97, %add3A_1313 : i32
      %add3A_1315 = arith.constant 6 : i32
      %add3A_1316 = arith.addi %add3A_1314, %add3A_1315 : i32
      %ge3A_1317 = arith.constant 8 : i32
      %ge3A_1318 = arith.cmpi sge, %add3A_1316, %ge3A_1317 : i32
      %convert_element_type3A_1319 = arith.extui %ge3A_1318 : i1 to i32
      %cond3A_1320 = arith.constant 0 : i32
      %cond3A_1321 = arith.cmpi ne, %convert_element_type3A_1319, %cond3A_1320 : i32
      scf.if %cond3A_1321 {
        %sub3A = arith.constant 8 : i32
        %sub3A_2045 = arith.subi %add3A_1316, %sub3A : i32
        %add3A_2046 = arith.addi %mul3A_2, %sub3A_2045 : i32
        %dma_wait3A_2047 = arith.constant 0 : i32
        %dma_wait3A_2048 = tpu.memref_slice %arg6[%add3A_2046, %dma_wait3A_2047] : memref<4096x8192xf32, #tpu.memory_space<hbm>> -> memref<1x8192xf32, #tpu.memory_space<hbm>>
        %dma_wait3A_2049 = tpu.memref_squeeze %dma_wait3A_2048 : memref<1x8192xf32, #tpu.memory_space<hbm>> -> memref<8192xf32, #tpu.memory_space<hbm>>
        %dma_wait3A_2050 = arith.constant 0 : i32
        %dma_wait3A_2051 = tpu.memref_slice %arg6[%add3A_2046, %dma_wait3A_2050] : memref<4096x8192xf32, #tpu.memory_space<hbm>> -> memref<1x8192xf32, #tpu.memory_space<hbm>>
        %dma_wait3A_2052 = tpu.memref_squeeze %dma_wait3A_2051 : memref<1x8192xf32, #tpu.memory_space<hbm>> -> memref<8192xf32, #tpu.memory_space<hbm>>
        tpu.wait_dma2 semaphore(%arg29 : memref<!tpu.dma_semaphore, #tpu.memory_space<semaphore_mem>>) src(%arg10 : memref<8192xf32, #tpu.memory_space<vmem>>) dst(%dma_wait3A_2052 : memref<8192xf32, #tpu.memory_space<hbm>>)
      } else {
      }
      %lt3A_1322 = arith.constant 128 : i32
      %lt3A_1323 = arith.cmpi slt, %add3A_1316, %lt3A_1322 : i32
      %convert_element_type3A_1324 = arith.extui %lt3A_1323 : i1 to i32
      %cond3A_1325 = arith.constant 0 : i32
      %cond3A_1326 = arith.cmpi ne, %convert_element_type3A_1324, %cond3A_1325 : i32
      scf.if %cond3A_1326 {
        %add3A_2045 = arith.addi %mul3A_2, %add3A_1316 : i32
        %dma_start3A_2046 = arith.constant 0 : i32
        %dma_start3A_2047 = tpu.memref_slice %arg2[%add3A_2045, %dma_start3A_2046] : memref<4096x8192xf32, #tpu.memory_space<hbm>> -> memref<1x8192xf32, #tpu.memory_space<hbm>>
        %dma_start3A_2048 = tpu.memref_squeeze %dma_start3A_2047 : memref<1x8192xf32, #tpu.memory_space<hbm>> -> memref<8192xf32, #tpu.memory_space<hbm>>
        %dma_start3A_2049 = arith.constant 0 : i32
        %dma_start3A_2050 = tpu.memref_slice %arg2[%add3A_2045, %dma_start3A_2049] : memref<4096x8192xf32, #tpu.memory_space<hbm>> -> memref<1x8192xf32, #tpu.memory_space<hbm>>
        %dma_start3A_2051 = tpu.memref_squeeze %dma_start3A_2050 : memref<1x8192xf32, #tpu.memory_space<hbm>> -> memref<8192xf32, #tpu.memory_space<hbm>>
        tpu.enqueue_dma source(%dma_start3A_2051 : memref<8192xf32, #tpu.memory_space<hbm>>) target(%arg10 : memref<8192xf32, #tpu.memory_space<vmem>>) target_semaphore(%arg21 : memref<!tpu.dma_semaphore, #tpu.memory_space<semaphore_mem>>)
      } else {
      }
      %add3A_1327 = arith.addi %mul3A_2, %add3A_1314 : i32
      %dma_wait3A_1328 = arith.constant 0 : i32
      %dma_wait3A_1329 = tpu.memref_slice %arg2[%add3A_1327, %dma_wait3A_1328] : memref<4096x8192xf32, #tpu.memory_space<hbm>> -> memref<1x8192xf32, #tpu.memory_space<hbm>>
      %dma_wait3A_1330 = tpu.memref_squeeze %dma_wait3A_1329 : memref<1x8192xf32, #tpu.memory_space<hbm>> -> memref<8192xf32, #tpu.memory_space<hbm>>
      %dma_wait3A_1331 = arith.constant 0 : i32
      %dma_wait3A_1332 = tpu.memref_slice %arg2[%add3A_1327, %dma_wait3A_1331] : memref<4096x8192xf32, #tpu.memory_space<hbm>> -> memref<1x8192xf32, #tpu.memory_space<hbm>>
      %dma_wait3A_1333 = tpu.memref_squeeze %dma_wait3A_1332 : memref<1x8192xf32, #tpu.memory_space<hbm>> -> memref<8192xf32, #tpu.memory_space<hbm>>
      tpu.wait_dma2 semaphore(%arg23 : memref<!tpu.dma_semaphore, #tpu.memory_space<semaphore_mem>>) src(%dma_wait3A_1333 : memref<8192xf32, #tpu.memory_space<hbm>>) dst(%arg12 : memref<8192xf32, #tpu.memory_space<vmem>>)
      %get3A_1334 = arith.index_cast %add3A_1314 : i32 to index
      %get3A_1335 = arith.constant 0 : index
      %get3A_1336 = tpu.vector_load %arg15[%get3A_1334, %get3A_1335] {strides = array<i32>} : memref<128x128xf32, #tpu.memory_space<vmem>>, vector<16xf32>,
      %mul3A_1337 = arith.constant 32 : i32
      %mul3A_1338 = vector.broadcast %mul3A_1337 : i32 to vector<16xi32>
      %mul3A_1339 = arith.muli %iota3A, %mul3A_1338 : vector<16xi32>
      %add3A_1340 = arith.constant 0 : i32
      %add3A_1341 = vector.broadcast %add3A_1340 : i32 to vector<16xi32>
      %add3A_1342 = arith.addi %mul3A_1339, %add3A_1341 : vector<16xi32>
      tpu.vector_store_idx %arg12[%add3A_1342], %get3A_1336 {add = true} : memref<8192xf32, #tpu.memory_space<vmem>>[vector<16xi32>], vector<16xf32>,
      %get3A_1343 = arith.index_cast %add3A_1314 : i32 to index
      %get3A_1344 = arith.constant 16 : index
      %get3A_1345 = tpu.vector_load %arg15[%get3A_1343, %get3A_1344] {strides = array<i32>} : memref<128x128xf32, #tpu.memory_space<vmem>>, vector<16xf32>,
      %mul3A_1346 = arith.constant 32 : i32
      %mul3A_1347 = vector.broadcast %mul3A_1346 : i32 to vector<16xi32>
      %mul3A_1348 = arith.muli %iota3A, %mul3A_1347 : vector<16xi32>
      %add3A_1349 = arith.constant 512 : i32
      %add3A_1350 = vector.broadcast %add3A_1349 : i32 to vector<16xi32>
      %add3A_1351 = arith.addi %mul3A_1348, %add3A_1350 : vector<16xi32>
      tpu.vector_store_idx %arg12[%add3A_1351], %get3A_1345 {add = true} : memref<8192xf32, #tpu.memory_space<vmem>>[vector<16xi32>], vector<16xf32>,
      %get3A_1352 = arith.index_cast %add3A_1314 : i32 to index
      %get3A_1353 = arith.constant 32 : index
      %get3A_1354 = tpu.vector_load %arg15[%get3A_1352, %get3A_1353] {strides = array<i32>} : memref<128x128xf32, #tpu.memory_space<vmem>>, vector<16xf32>,
      %mul3A_1355 = arith.constant 32 : i32
      %mul3A_1356 = vector.broadcast %mul3A_1355 : i32 to vector<16xi32>
      %mul3A_1357 = arith.muli %iota3A, %mul3A_1356 : vector<16xi32>
      %add3A_1358 = arith.constant 1024 : i32
      %add3A_1359 = vector.broadcast %add3A_1358 : i32 to vector<16xi32>
      %add3A_1360 = arith.addi %mul3A_1357, %add3A_1359 : vector<16xi32>
      tpu.vector_store_idx %arg12[%add3A_1360], %get3A_1354 {add = true} : memref<8192xf32, #tpu.memory_space<vmem>>[vector<16xi32>], vector<16xf32>,
      %get3A_1361 = arith.index_cast %add3A_1314 : i32 to index
      %get3A_1362 = arith.constant 48 : index
      %get3A_1363 = tpu.vector_load %arg15[%get3A_1361, %get3A_1362] {strides = array<i32>} : memref<128x128xf32, #tpu.memory_space<vmem>>, vector<16xf32>,
      %mul3A_1364 = arith.constant 32 : i32
      %mul3A_1365 = vector.broadcast %mul3A_1364 : i32 to vector<16xi32>
      %mul3A_1366 = arith.muli %iota3A, %mul3A_1365 : vector<16xi32>
      %add3A_1367 = arith.constant 1536 : i32
      %add3A_1368 = vector.broadcast %add3A_1367 : i32 to vector<16xi32>
      %add3A_1369 = arith.addi %mul3A_1366, %add3A_1368 : vector<16xi32>
      tpu.vector_store_idx %arg12[%add3A_1369], %get3A_1363 {add = true} : memref<8192xf32, #tpu.memory_space<vmem>>[vector<16xi32>], vector<16xf32>,
      %get3A_1370 = arith.index_cast %add3A_1314 : i32 to index
      %get3A_1371 = arith.constant 64 : index
      %get3A_1372 = tpu.vector_load %arg15[%get3A_1370, %get3A_1371] {strides = array<i32>} : memref<128x128xf32, #tpu.memory_space<vmem>>, vector<16xf32>,
      %mul3A_1373 = arith.constant 32 : i32
      %mul3A_1374 = vector.broadcast %mul3A_1373 : i32 to vector<16xi32>
      %mul3A_1375 = arith.muli %iota3A, %mul3A_1374 : vector<16xi32>
      %add3A_1376 = arith.constant 2048 : i32
      %add3A_1377 = vector.broadcast %add3A_1376 : i32 to vector<16xi32>
      %add3A_1378 = arith.addi %mul3A_1375, %add3A_1377 : vector<16xi32>
      tpu.vector_store_idx %arg12[%add3A_1378], %get3A_1372 {add = true} : memref<8192xf32, #tpu.memory_space<vmem>>[vector<16xi32>], vector<16xf32>,
      %get3A_1379 = arith.index_cast %add3A_1314 : i32 to index
      %get3A_1380 = arith.constant 80 : index
      %get3A_1381 = tpu.vector_load %arg15[%get3A_1379, %get3A_1380] {strides = array<i32>} : memref<128x128xf32, #tpu.memory_space<vmem>>, vector<16xf32>,
      %mul3A_1382 = arith.constant 32 : i32
      %mul3A_1383 = vector.broadcast %mul3A_1382 : i32 to vector<16xi32>
      %mul3A_1384 = arith.muli %iota3A, %mul3A_1383 : vector<16xi32>
      %add3A_1385 = arith.constant 2560 : i32
      %add3A_1386 = vector.broadcast %add3A_1385 : i32 to vector<16xi32>
      %add3A_1387 = arith.addi %mul3A_1384, %add3A_1386 : vector<16xi32>
      tpu.vector_store_idx %arg12[%add3A_1387], %get3A_1381 {add = true} : memref<8192xf32, #tpu.memory_space<vmem>>[vector<16xi32>], vector<16xf32>,
      %get3A_1388 = arith.index_cast %add3A_1314 : i32 to index
      %get3A_1389 = arith.constant 96 : index
      %get3A_1390 = tpu.vector_load %arg15[%get3A_1388, %get3A_1389] {strides = array<i32>} : memref<128x128xf32, #tpu.memory_space<vmem>>, vector<16xf32>,
      %mul3A_1391 = arith.constant 32 : i32
      %mul3A_1392 = vector.broadcast %mul3A_1391 : i32 to vector<16xi32>
      %mul3A_1393 = arith.muli %iota3A, %mul3A_1392 : vector<16xi32>
      %add3A_1394 = arith.constant 3072 : i32
      %add3A_1395 = vector.broadcast %add3A_1394 : i32 to vector<16xi32>
      %add3A_1396 = arith.addi %mul3A_1393, %add3A_1395 : vector<16xi32>
      tpu.vector_store_idx %arg12[%add3A_1396], %get3A_1390 {add = true} : memref<8192xf32, #tpu.memory_space<vmem>>[vector<16xi32>], vector<16xf32>,
      %get3A_1397 = arith.index_cast %add3A_1314 : i32 to index
      %get3A_1398 = arith.constant 112 : index
      %get3A_1399 = tpu.vector_load %arg15[%get3A_1397, %get3A_1398] {strides = array<i32>} : memref<128x128xf32, #tpu.memory_space<vmem>>, vector<16xf32>,
      %mul3A_1400 = arith.constant 32 : i32
      %mul3A_1401 = vector.broadcast %mul3A_1400 : i32 to vector<16xi32>
      %mul3A_1402 = arith.muli %iota3A, %mul3A_1401 : vector<16xi32>
      %add3A_1403 = arith.constant 3584 : i32
      %add3A_1404 = vector.broadcast %add3A_1403 : i32 to vector<16xi32>
      %add3A_1405 = arith.addi %mul3A_1402, %add3A_1404 : vector<16xi32>
      tpu.vector_store_idx %arg12[%add3A_1405], %get3A_1399 {add = true} : memref<8192xf32, #tpu.memory_space<vmem>>[vector<16xi32>], vector<16xf32>,
      %get3A_1406 = arith.index_cast %add3A_1314 : i32 to index
      %get3A_1407 = arith.constant 0 : index
      %get3A_1408 = tpu.vector_load %arg16[%get3A_1406, %get3A_1407] {strides = array<i32>} : memref<128x128xf32, #tpu.memory_space<vmem>>, vector<16xf32>,
      %mul3A_1409 = arith.constant 32 : i32
      %mul3A_1410 = vector.broadcast %mul3A_1409 : i32 to vector<16xi32>
      %mul3A_1411 = arith.muli %iota3A, %mul3A_1410 : vector<16xi32>
      %add3A_1412 = arith.constant 7 : i32
      %add3A_1413 = vector.broadcast %add3A_1412 : i32 to vector<16xi32>
      %add3A_1414 = arith.addi %mul3A_1411, %add3A_1413 : vector<16xi32>
      tpu.vector_store_idx %arg12[%add3A_1414], %get3A_1408 {add = true} : memref<8192xf32, #tpu.memory_space<vmem>>[vector<16xi32>], vector<16xf32>,
      %get3A_1415 = arith.index_cast %add3A_1314 : i32 to index
      %get3A_1416 = arith.constant 16 : index
      %get3A_1417 = tpu.vector_load %arg16[%get3A_1415, %get3A_1416] {strides = array<i32>} : memref<128x128xf32, #tpu.memory_space<vmem>>, vector<16xf32>,
      %mul3A_1418 = arith.constant 32 : i32
      %mul3A_1419 = vector.broadcast %mul3A_1418 : i32 to vector<16xi32>
      %mul3A_1420 = arith.muli %iota3A, %mul3A_1419 : vector<16xi32>
      %add3A_1421 = arith.constant 519 : i32
      %add3A_1422 = vector.broadcast %add3A_1421 : i32 to vector<16xi32>
      %add3A_1423 = arith.addi %mul3A_1420, %add3A_1422 : vector<16xi32>
      tpu.vector_store_idx %arg12[%add3A_1423], %get3A_1417 {add = true} : memref<8192xf32, #tpu.memory_space<vmem>>[vector<16xi32>], vector<16xf32>,
      %get3A_1424 = arith.index_cast %add3A_1314 : i32 to index
      %get3A_1425 = arith.constant 32 : index
      %get3A_1426 = tpu.vector_load %arg16[%get3A_1424, %get3A_1425] {strides = array<i32>} : memref<128x128xf32, #tpu.memory_space<vmem>>, vector<16xf32>,
      %mul3A_1427 = arith.constant 32 : i32
      %mul3A_1428 = vector.broadcast %mul3A_1427 : i32 to vector<16xi32>
      %mul3A_1429 = arith.muli %iota3A, %mul3A_1428 : vector<16xi32>
      %add3A_1430 = arith.constant 1031 : i32
      %add3A_1431 = vector.broadcast %add3A_1430 : i32 to vector<16xi32>
      %add3A_1432 = arith.addi %mul3A_1429, %add3A_1431 : vector<16xi32>
      tpu.vector_store_idx %arg12[%add3A_1432], %get3A_1426 {add = true} : memref<8192xf32, #tpu.memory_space<vmem>>[vector<16xi32>], vector<16xf32>,
      %get3A_1433 = arith.index_cast %add3A_1314 : i32 to index
      %get3A_1434 = arith.constant 48 : index
      %get3A_1435 = tpu.vector_load %arg16[%get3A_1433, %get3A_1434] {strides = array<i32>} : memref<128x128xf32, #tpu.memory_space<vmem>>, vector<16xf32>,
      %mul3A_1436 = arith.constant 32 : i32
      %mul3A_1437 = vector.broadcast %mul3A_1436 : i32 to vector<16xi32>
      %mul3A_1438 = arith.muli %iota3A, %mul3A_1437 : vector<16xi32>
      %add3A_1439 = arith.constant 1543 : i32
      %add3A_1440 = vector.broadcast %add3A_1439 : i32 to vector<16xi32>
      %add3A_1441 = arith.addi %mul3A_1438, %add3A_1440 : vector<16xi32>
      tpu.vector_store_idx %arg12[%add3A_1441], %get3A_1435 {add = true} : memref<8192xf32, #tpu.memory_space<vmem>>[vector<16xi32>], vector<16xf32>,
      %get3A_1442 = arith.index_cast %add3A_1314 : i32 to index
      %get3A_1443 = arith.constant 64 : index
      %get3A_1444 = tpu.vector_load %arg16[%get3A_1442, %get3A_1443] {strides = array<i32>} : memref<128x128xf32, #tpu.memory_space<vmem>>, vector<16xf32>,
      %mul3A_1445 = arith.constant 32 : i32
      %mul3A_1446 = vector.broadcast %mul3A_1445 : i32 to vector<16xi32>
      %mul3A_1447 = arith.muli %iota3A, %mul3A_1446 : vector<16xi32>
      %add3A_1448 = arith.constant 2055 : i32
      %add3A_1449 = vector.broadcast %add3A_1448 : i32 to vector<16xi32>
      %add3A_1450 = arith.addi %mul3A_1447, %add3A_1449 : vector<16xi32>
      tpu.vector_store_idx %arg12[%add3A_1450], %get3A_1444 {add = true} : memref<8192xf32, #tpu.memory_space<vmem>>[vector<16xi32>], vector<16xf32>,
      %get3A_1451 = arith.index_cast %add3A_1314 : i32 to index
      %get3A_1452 = arith.constant 80 : index
      %get3A_1453 = tpu.vector_load %arg16[%get3A_1451, %get3A_1452] {strides = array<i32>} : memref<128x128xf32, #tpu.memory_space<vmem>>, vector<16xf32>,
      %mul3A_1454 = arith.constant 32 : i32
      %mul3A_1455 = vector.broadcast %mul3A_1454 : i32 to vector<16xi32>
      %mul3A_1456 = arith.muli %iota3A, %mul3A_1455 : vector<16xi32>
      %add3A_1457 = arith.constant 2567 : i32
      %add3A_1458 = vector.broadcast %add3A_1457 : i32 to vector<16xi32>
      %add3A_1459 = arith.addi %mul3A_1456, %add3A_1458 : vector<16xi32>
      tpu.vector_store_idx %arg12[%add3A_1459], %get3A_1453 {add = true} : memref<8192xf32, #tpu.memory_space<vmem>>[vector<16xi32>], vector<16xf32>,
      %get3A_1460 = arith.index_cast %add3A_1314 : i32 to index
      %get3A_1461 = arith.constant 96 : index
      %get3A_1462 = tpu.vector_load %arg16[%get3A_1460, %get3A_1461] {strides = array<i32>} : memref<128x128xf32, #tpu.memory_space<vmem>>, vector<16xf32>,
      %mul3A_1463 = arith.constant 32 : i32
      %mul3A_1464 = vector.broadcast %mul3A_1463 : i32 to vector<16xi32>
      %mul3A_1465 = arith.muli %iota3A, %mul3A_1464 : vector<16xi32>
      %add3A_1466 = arith.constant 3079 : i32
      %add3A_1467 = vector.broadcast %add3A_1466 : i32 to vector<16xi32>
      %add3A_1468 = arith.addi %mul3A_1465, %add3A_1467 : vector<16xi32>
      tpu.vector_store_idx %arg12[%add3A_1468], %get3A_1462 {add = true} : memref<8192xf32, #tpu.memory_space<vmem>>[vector<16xi32>], vector<16xf32>,
      %get3A_1469 = arith.index_cast %add3A_1314 : i32 to index
      %get3A_1470 = arith.constant 112 : index
      %get3A_1471 = tpu.vector_load %arg16[%get3A_1469, %get3A_1470] {strides = array<i32>} : memref<128x128xf32, #tpu.memory_space<vmem>>, vector<16xf32>,
      %mul3A_1472 = arith.constant 32 : i32
      %mul3A_1473 = vector.broadcast %mul3A_1472 : i32 to vector<16xi32>
      %mul3A_1474 = arith.muli %iota3A, %mul3A_1473 : vector<16xi32>
      %add3A_1475 = arith.constant 3591 : i32
      %add3A_1476 = vector.broadcast %add3A_1475 : i32 to vector<16xi32>
      %add3A_1477 = arith.addi %mul3A_1474, %add3A_1476 : vector<16xi32>
      tpu.vector_store_idx %arg12[%add3A_1477], %get3A_1471 {add = true} : memref<8192xf32, #tpu.memory_space<vmem>>[vector<16xi32>], vector<16xf32>,
      %get3A_1478 = arith.index_cast %add3A_1314 : i32 to index
      %get3A_1479 = arith.constant 0 : index
      %get3A_1480 = tpu.vector_load %arg17[%get3A_1478, %get3A_1479] {strides = array<i32>} : memref<128x128xf32, #tpu.memory_space<vmem>>, vector<16xf32>,
      %mul3A_1481 = arith.constant 32 : i32
      %mul3A_1482 = vector.broadcast %mul3A_1481 : i32 to vector<16xi32>
      %mul3A_1483 = arith.muli %iota3A, %mul3A_1482 : vector<16xi32>
      %add3A_1484 = arith.constant 15 : i32
      %add3A_1485 = vector.broadcast %add3A_1484 : i32 to vector<16xi32>
      %add3A_1486 = arith.addi %mul3A_1483, %add3A_1485 : vector<16xi32>
      tpu.vector_store_idx %arg12[%add3A_1486], %get3A_1480 {add = true} : memref<8192xf32, #tpu.memory_space<vmem>>[vector<16xi32>], vector<16xf32>,
      %get3A_1487 = arith.index_cast %add3A_1314 : i32 to index
      %get3A_1488 = arith.constant 16 : index
      %get3A_1489 = tpu.vector_load %arg17[%get3A_1487, %get3A_1488] {strides = array<i32>} : memref<128x128xf32, #tpu.memory_space<vmem>>, vector<16xf32>,
      %mul3A_1490 = arith.constant 32 : i32
      %mul3A_1491 = vector.broadcast %mul3A_1490 : i32 to vector<16xi32>
      %mul3A_1492 = arith.muli %iota3A, %mul3A_1491 : vector<16xi32>
      %add3A_1493 = arith.constant 527 : i32
      %add3A_1494 = vector.broadcast %add3A_1493 : i32 to vector<16xi32>
      %add3A_1495 = arith.addi %mul3A_1492, %add3A_1494 : vector<16xi32>
      tpu.vector_store_idx %arg12[%add3A_1495], %get3A_1489 {add = true} : memref<8192xf32, #tpu.memory_space<vmem>>[vector<16xi32>], vector<16xf32>,
      %get3A_1496 = arith.index_cast %add3A_1314 : i32 to index
      %get3A_1497 = arith.constant 32 : index
      %get3A_1498 = tpu.vector_load %arg17[%get3A_1496, %get3A_1497] {strides = array<i32>} : memref<128x128xf32, #tpu.memory_space<vmem>>, vector<16xf32>,
      %mul3A_1499 = arith.constant 32 : i32
      %mul3A_1500 = vector.broadcast %mul3A_1499 : i32 to vector<16xi32>
      %mul3A_1501 = arith.muli %iota3A, %mul3A_1500 : vector<16xi32>
      %add3A_1502 = arith.constant 1039 : i32
      %add3A_1503 = vector.broadcast %add3A_1502 : i32 to vector<16xi32>
      %add3A_1504 = arith.addi %mul3A_1501, %add3A_1503 : vector<16xi32>
      tpu.vector_store_idx %arg12[%add3A_1504], %get3A_1498 {add = true} : memref<8192xf32, #tpu.memory_space<vmem>>[vector<16xi32>], vector<16xf32>,
      %get3A_1505 = arith.index_cast %add3A_1314 : i32 to index
      %get3A_1506 = arith.constant 48 : index
      %get3A_1507 = tpu.vector_load %arg17[%get3A_1505, %get3A_1506] {strides = array<i32>} : memref<128x128xf32, #tpu.memory_space<vmem>>, vector<16xf32>,
      %mul3A_1508 = arith.constant 32 : i32
      %mul3A_1509 = vector.broadcast %mul3A_1508 : i32 to vector<16xi32>
      %mul3A_1510 = arith.muli %iota3A, %mul3A_1509 : vector<16xi32>
      %add3A_1511 = arith.constant 1551 : i32
      %add3A_1512 = vector.broadcast %add3A_1511 : i32 to vector<16xi32>
      %add3A_1513 = arith.addi %mul3A_1510, %add3A_1512 : vector<16xi32>
      tpu.vector_store_idx %arg12[%add3A_1513], %get3A_1507 {add = true} : memref<8192xf32, #tpu.memory_space<vmem>>[vector<16xi32>], vector<16xf32>,
      %get3A_1514 = arith.index_cast %add3A_1314 : i32 to index
      %get3A_1515 = arith.constant 64 : index
      %get3A_1516 = tpu.vector_load %arg17[%get3A_1514, %get3A_1515] {strides = array<i32>} : memref<128x128xf32, #tpu.memory_space<vmem>>, vector<16xf32>,
      %mul3A_1517 = arith.constant 32 : i32
      %mul3A_1518 = vector.broadcast %mul3A_1517 : i32 to vector<16xi32>
      %mul3A_1519 = arith.muli %iota3A, %mul3A_1518 : vector<16xi32>
      %add3A_1520 = arith.constant 2063 : i32
      %add3A_1521 = vector.broadcast %add3A_1520 : i32 to vector<16xi32>
      %add3A_1522 = arith.addi %mul3A_1519, %add3A_1521 : vector<16xi32>
      tpu.vector_store_idx %arg12[%add3A_1522], %get3A_1516 {add = true} : memref<8192xf32, #tpu.memory_space<vmem>>[vector<16xi32>], vector<16xf32>,
      %get3A_1523 = arith.index_cast %add3A_1314 : i32 to index
      %get3A_1524 = arith.constant 80 : index
      %get3A_1525 = tpu.vector_load %arg17[%get3A_1523, %get3A_1524] {strides = array<i32>} : memref<128x128xf32, #tpu.memory_space<vmem>>, vector<16xf32>,
      %mul3A_1526 = arith.constant 32 : i32
      %mul3A_1527 = vector.broadcast %mul3A_1526 : i32 to vector<16xi32>
      %mul3A_1528 = arith.muli %iota3A, %mul3A_1527 : vector<16xi32>
      %add3A_1529 = arith.constant 2575 : i32
      %add3A_1530 = vector.broadcast %add3A_1529 : i32 to vector<16xi32>
      %add3A_1531 = arith.addi %mul3A_1528, %add3A_1530 : vector<16xi32>
      tpu.vector_store_idx %arg12[%add3A_1531], %get3A_1525 {add = true} : memref<8192xf32, #tpu.memory_space<vmem>>[vector<16xi32>], vector<16xf32>,
      %get3A_1532 = arith.index_cast %add3A_1314 : i32 to index
      %get3A_1533 = arith.constant 96 : index
      %get3A_1534 = tpu.vector_load %arg17[%get3A_1532, %get3A_1533] {strides = array<i32>} : memref<128x128xf32, #tpu.memory_space<vmem>>, vector<16xf32>,
      %mul3A_1535 = arith.constant 32 : i32
      %mul3A_1536 = vector.broadcast %mul3A_1535 : i32 to vector<16xi32>
      %mul3A_1537 = arith.muli %iota3A, %mul3A_1536 : vector<16xi32>
      %add3A_1538 = arith.constant 3087 : i32
      %add3A_1539 = vector.broadcast %add3A_1538 : i32 to vector<16xi32>
      %add3A_1540 = arith.addi %mul3A_1537, %add3A_1539 : vector<16xi32>
      tpu.vector_store_idx %arg12[%add3A_1540], %get3A_1534 {add = true} : memref<8192xf32, #tpu.memory_space<vmem>>[vector<16xi32>], vector<16xf32>,
      %get3A_1541 = arith.index_cast %add3A_1314 : i32 to index
      %get3A_1542 = arith.constant 112 : index
      %get3A_1543 = tpu.vector_load %arg17[%get3A_1541, %get3A_1542] {strides = array<i32>} : memref<128x128xf32, #tpu.memory_space<vmem>>, vector<16xf32>,
      %mul3A_1544 = arith.constant 32 : i32
      %mul3A_1545 = vector.broadcast %mul3A_1544 : i32 to vector<16xi32>
      %mul3A_1546 = arith.muli %iota3A, %mul3A_1545 : vector<16xi32>
      %add3A_1547 = arith.constant 3599 : i32
      %add3A_1548 = vector.broadcast %add3A_1547 : i32 to vector<16xi32>
      %add3A_1549 = arith.addi %mul3A_1546, %add3A_1548 : vector<16xi32>
      tpu.vector_store_idx %arg12[%add3A_1549], %get3A_1543 {add = true} : memref<8192xf32, #tpu.memory_space<vmem>>[vector<16xi32>], vector<16xf32>,
      %add3A_1550 = arith.addi %mul3A_2, %add3A_1314 : i32
      %dma_start3A_1551 = arith.constant 0 : i32
      %dma_start3A_1552 = tpu.memref_slice %arg6[%add3A_1550, %dma_start3A_1551] : memref<4096x8192xf32, #tpu.memory_space<hbm>> -> memref<1x8192xf32, #tpu.memory_space<hbm>>
      %dma_start3A_1553 = tpu.memref_squeeze %dma_start3A_1552 : memref<1x8192xf32, #tpu.memory_space<hbm>> -> memref<8192xf32, #tpu.memory_space<hbm>>
      %dma_start3A_1554 = arith.constant 0 : i32
      %dma_start3A_1555 = tpu.memref_slice %arg6[%add3A_1550, %dma_start3A_1554] : memref<4096x8192xf32, #tpu.memory_space<hbm>> -> memref<1x8192xf32, #tpu.memory_space<hbm>>
      %dma_start3A_1556 = tpu.memref_squeeze %dma_start3A_1555 : memref<1x8192xf32, #tpu.memory_space<hbm>> -> memref<8192xf32, #tpu.memory_space<hbm>>
      tpu.enqueue_dma source(%arg12 : memref<8192xf32, #tpu.memory_space<vmem>>) target(%dma_start3A_1556 : memref<8192xf32, #tpu.memory_space<hbm>>) target_semaphore(%arg31 : memref<!tpu.dma_semaphore, #tpu.memory_space<semaphore_mem>>)
      %add3A_1557 = arith.constant 6 : i32
      %add3A_1558 = arith.addi %add3A_97, %add3A_1557 : i32
      %add3A_1559 = arith.constant 6 : i32
      %add3A_1560 = arith.addi %add3A_1558, %add3A_1559 : i32
      %ge3A_1561 = arith.constant 8 : i32
      %ge3A_1562 = arith.cmpi sge, %add3A_1560, %ge3A_1561 : i32
      %convert_element_type3A_1563 = arith.extui %ge3A_1562 : i1 to i32
      %cond3A_1564 = arith.constant 0 : i32
      %cond3A_1565 = arith.cmpi ne, %convert_element_type3A_1563, %cond3A_1564 : i32
      scf.if %cond3A_1565 {
        %sub3A = arith.constant 8 : i32
        %sub3A_2045 = arith.subi %add3A_1560, %sub3A : i32
        %add3A_2046 = arith.addi %mul3A_2, %sub3A_2045 : i32
        %dma_wait3A_2047 = arith.constant 0 : i32
        %dma_wait3A_2048 = tpu.memref_slice %arg6[%add3A_2046, %dma_wait3A_2047] : memref<4096x8192xf32, #tpu.memory_space<hbm>> -> memref<1x8192xf32, #tpu.memory_space<hbm>>
        %dma_wait3A_2049 = tpu.memref_squeeze %dma_wait3A_2048 : memref<1x8192xf32, #tpu.memory_space<hbm>> -> memref<8192xf32, #tpu.memory_space<hbm>>
        %dma_wait3A_2050 = arith.constant 0 : i32
        %dma_wait3A_2051 = tpu.memref_slice %arg6[%add3A_2046, %dma_wait3A_2050] : memref<4096x8192xf32, #tpu.memory_space<hbm>> -> memref<1x8192xf32, #tpu.memory_space<hbm>>
        %dma_wait3A_2052 = tpu.memref_squeeze %dma_wait3A_2051 : memref<1x8192xf32, #tpu.memory_space<hbm>> -> memref<8192xf32, #tpu.memory_space<hbm>>
        tpu.wait_dma2 semaphore(%arg30 : memref<!tpu.dma_semaphore, #tpu.memory_space<semaphore_mem>>) src(%arg11 : memref<8192xf32, #tpu.memory_space<vmem>>) dst(%dma_wait3A_2052 : memref<8192xf32, #tpu.memory_space<hbm>>)
      } else {
      }
      %lt3A_1566 = arith.constant 128 : i32
      %lt3A_1567 = arith.cmpi slt, %add3A_1560, %lt3A_1566 : i32
      %convert_element_type3A_1568 = arith.extui %lt3A_1567 : i1 to i32
      %cond3A_1569 = arith.constant 0 : i32
      %cond3A_1570 = arith.cmpi ne, %convert_element_type3A_1568, %cond3A_1569 : i32
      scf.if %cond3A_1570 {
        %add3A_2045 = arith.addi %mul3A_2, %add3A_1560 : i32
        %dma_start3A_2046 = arith.constant 0 : i32
        %dma_start3A_2047 = tpu.memref_slice %arg2[%add3A_2045, %dma_start3A_2046] : memref<4096x8192xf32, #tpu.memory_space<hbm>> -> memref<1x8192xf32, #tpu.memory_space<hbm>>
        %dma_start3A_2048 = tpu.memref_squeeze %dma_start3A_2047 : memref<1x8192xf32, #tpu.memory_space<hbm>> -> memref<8192xf32, #tpu.memory_space<hbm>>
        %dma_start3A_2049 = arith.constant 0 : i32
        %dma_start3A_2050 = tpu.memref_slice %arg2[%add3A_2045, %dma_start3A_2049] : memref<4096x8192xf32, #tpu.memory_space<hbm>> -> memref<1x8192xf32, #tpu.memory_space<hbm>>
        %dma_start3A_2051 = tpu.memref_squeeze %dma_start3A_2050 : memref<1x8192xf32, #tpu.memory_space<hbm>> -> memref<8192xf32, #tpu.memory_space<hbm>>
        tpu.enqueue_dma source(%dma_start3A_2051 : memref<8192xf32, #tpu.memory_space<hbm>>) target(%arg11 : memref<8192xf32, #tpu.memory_space<vmem>>) target_semaphore(%arg22 : memref<!tpu.dma_semaphore, #tpu.memory_space<semaphore_mem>>)
      } else {
      }
      %add3A_1571 = arith.addi %mul3A_2, %add3A_1558 : i32
      %dma_wait3A_1572 = arith.constant 0 : i32
      %dma_wait3A_1573 = tpu.memref_slice %arg2[%add3A_1571, %dma_wait3A_1572] : memref<4096x8192xf32, #tpu.memory_space<hbm>> -> memref<1x8192xf32, #tpu.memory_space<hbm>>
      %dma_wait3A_1574 = tpu.memref_squeeze %dma_wait3A_1573 : memref<1x8192xf32, #tpu.memory_space<hbm>> -> memref<8192xf32, #tpu.memory_space<hbm>>
      %dma_wait3A_1575 = arith.constant 0 : i32
      %dma_wait3A_1576 = tpu.memref_slice %arg2[%add3A_1571, %dma_wait3A_1575] : memref<4096x8192xf32, #tpu.memory_space<hbm>> -> memref<1x8192xf32, #tpu.memory_space<hbm>>
      %dma_wait3A_1577 = tpu.memref_squeeze %dma_wait3A_1576 : memref<1x8192xf32, #tpu.memory_space<hbm>> -> memref<8192xf32, #tpu.memory_space<hbm>>
      tpu.wait_dma2 semaphore(%arg24 : memref<!tpu.dma_semaphore, #tpu.memory_space<semaphore_mem>>) src(%dma_wait3A_1577 : memref<8192xf32, #tpu.memory_space<hbm>>) dst(%arg13 : memref<8192xf32, #tpu.memory_space<vmem>>)
      %get3A_1578 = arith.index_cast %add3A_1558 : i32 to index
      %get3A_1579 = arith.constant 0 : index
      %get3A_1580 = tpu.vector_load %arg15[%get3A_1578, %get3A_1579] {strides = array<i32>} : memref<128x128xf32, #tpu.memory_space<vmem>>, vector<16xf32>,
      %mul3A_1581 = arith.constant 32 : i32
      %mul3A_1582 = vector.broadcast %mul3A_1581 : i32 to vector<16xi32>
      %mul3A_1583 = arith.muli %iota3A, %mul3A_1582 : vector<16xi32>
      %add3A_1584 = arith.constant 0 : i32
      %add3A_1585 = vector.broadcast %add3A_1584 : i32 to vector<16xi32>
      %add3A_1586 = arith.addi %mul3A_1583, %add3A_1585 : vector<16xi32>
      tpu.vector_store_idx %arg13[%add3A_1586], %get3A_1580 {add = true} : memref<8192xf32, #tpu.memory_space<vmem>>[vector<16xi32>], vector<16xf32>,
      %get3A_1587 = arith.index_cast %add3A_1558 : i32 to index
      %get3A_1588 = arith.constant 16 : index
      %get3A_1589 = tpu.vector_load %arg15[%get3A_1587, %get3A_1588] {strides = array<i32>} : memref<128x128xf32, #tpu.memory_space<vmem>>, vector<16xf32>,
      %mul3A_1590 = arith.constant 32 : i32
      %mul3A_1591 = vector.broadcast %mul3A_1590 : i32 to vector<16xi32>
      %mul3A_1592 = arith.muli %iota3A, %mul3A_1591 : vector<16xi32>
      %add3A_1593 = arith.constant 512 : i32
      %add3A_1594 = vector.broadcast %add3A_1593 : i32 to vector<16xi32>
      %add3A_1595 = arith.addi %mul3A_1592, %add3A_1594 : vector<16xi32>
      tpu.vector_store_idx %arg13[%add3A_1595], %get3A_1589 {add = true} : memref<8192xf32, #tpu.memory_space<vmem>>[vector<16xi32>], vector<16xf32>,
      %get3A_1596 = arith.index_cast %add3A_1558 : i32 to index
      %get3A_1597 = arith.constant 32 : index
      %get3A_1598 = tpu.vector_load %arg15[%get3A_1596, %get3A_1597] {strides = array<i32>} : memref<128x128xf32, #tpu.memory_space<vmem>>, vector<16xf32>,
      %mul3A_1599 = arith.constant 32 : i32
      %mul3A_1600 = vector.broadcast %mul3A_1599 : i32 to vector<16xi32>
      %mul3A_1601 = arith.muli %iota3A, %mul3A_1600 : vector<16xi32>
      %add3A_1602 = arith.constant 1024 : i32
      %add3A_1603 = vector.broadcast %add3A_1602 : i32 to vector<16xi32>
      %add3A_1604 = arith.addi %mul3A_1601, %add3A_1603 : vector<16xi32>
      tpu.vector_store_idx %arg13[%add3A_1604], %get3A_1598 {add = true} : memref<8192xf32, #tpu.memory_space<vmem>>[vector<16xi32>], vector<16xf32>,
      %get3A_1605 = arith.index_cast %add3A_1558 : i32 to index
      %get3A_1606 = arith.constant 48 : index
      %get3A_1607 = tpu.vector_load %arg15[%get3A_1605, %get3A_1606] {strides = array<i32>} : memref<128x128xf32, #tpu.memory_space<vmem>>, vector<16xf32>,
      %mul3A_1608 = arith.constant 32 : i32
      %mul3A_1609 = vector.broadcast %mul3A_1608 : i32 to vector<16xi32>
      %mul3A_1610 = arith.muli %iota3A, %mul3A_1609 : vector<16xi32>
      %add3A_1611 = arith.constant 1536 : i32
      %add3A_1612 = vector.broadcast %add3A_1611 : i32 to vector<16xi32>
      %add3A_1613 = arith.addi %mul3A_1610, %add3A_1612 : vector<16xi32>
      tpu.vector_store_idx %arg13[%add3A_1613], %get3A_1607 {add = true} : memref<8192xf32, #tpu.memory_space<vmem>>[vector<16xi32>], vector<16xf32>,
      %get3A_1614 = arith.index_cast %add3A_1558 : i32 to index
      %get3A_1615 = arith.constant 64 : index
      %get3A_1616 = tpu.vector_load %arg15[%get3A_1614, %get3A_1615] {strides = array<i32>} : memref<128x128xf32, #tpu.memory_space<vmem>>, vector<16xf32>,
      %mul3A_1617 = arith.constant 32 : i32
      %mul3A_1618 = vector.broadcast %mul3A_1617 : i32 to vector<16xi32>
      %mul3A_1619 = arith.muli %iota3A, %mul3A_1618 : vector<16xi32>
      %add3A_1620 = arith.constant 2048 : i32
      %add3A_1621 = vector.broadcast %add3A_1620 : i32 to vector<16xi32>
      %add3A_1622 = arith.addi %mul3A_1619, %add3A_1621 : vector<16xi32>
      tpu.vector_store_idx %arg13[%add3A_1622], %get3A_1616 {add = true} : memref<8192xf32, #tpu.memory_space<vmem>>[vector<16xi32>], vector<16xf32>,
      %get3A_1623 = arith.index_cast %add3A_1558 : i32 to index
      %get3A_1624 = arith.constant 80 : index
      %get3A_1625 = tpu.vector_load %arg15[%get3A_1623, %get3A_1624] {strides = array<i32>} : memref<128x128xf32, #tpu.memory_space<vmem>>, vector<16xf32>,
      %mul3A_1626 = arith.constant 32 : i32
      %mul3A_1627 = vector.broadcast %mul3A_1626 : i32 to vector<16xi32>
      %mul3A_1628 = arith.muli %iota3A, %mul3A_1627 : vector<16xi32>
      %add3A_1629 = arith.constant 2560 : i32
      %add3A_1630 = vector.broadcast %add3A_1629 : i32 to vector<16xi32>
      %add3A_1631 = arith.addi %mul3A_1628, %add3A_1630 : vector<16xi32>
      tpu.vector_store_idx %arg13[%add3A_1631], %get3A_1625 {add = true} : memref<8192xf32, #tpu.memory_space<vmem>>[vector<16xi32>], vector<16xf32>,
      %get3A_1632 = arith.index_cast %add3A_1558 : i32 to index
      %get3A_1633 = arith.constant 96 : index
      %get3A_1634 = tpu.vector_load %arg15[%get3A_1632, %get3A_1633] {strides = array<i32>} : memref<128x128xf32, #tpu.memory_space<vmem>>, vector<16xf32>,
      %mul3A_1635 = arith.constant 32 : i32
      %mul3A_1636 = vector.broadcast %mul3A_1635 : i32 to vector<16xi32>
      %mul3A_1637 = arith.muli %iota3A, %mul3A_1636 : vector<16xi32>
      %add3A_1638 = arith.constant 3072 : i32
      %add3A_1639 = vector.broadcast %add3A_1638 : i32 to vector<16xi32>
      %add3A_1640 = arith.addi %mul3A_1637, %add3A_1639 : vector<16xi32>
      tpu.vector_store_idx %arg13[%add3A_1640], %get3A_1634 {add = true} : memref<8192xf32, #tpu.memory_space<vmem>>[vector<16xi32>], vector<16xf32>,
      %get3A_1641 = arith.index_cast %add3A_1558 : i32 to index
      %get3A_1642 = arith.constant 112 : index
      %get3A_1643 = tpu.vector_load %arg15[%get3A_1641, %get3A_1642] {strides = array<i32>} : memref<128x128xf32, #tpu.memory_space<vmem>>, vector<16xf32>,
      %mul3A_1644 = arith.constant 32 : i32
      %mul3A_1645 = vector.broadcast %mul3A_1644 : i32 to vector<16xi32>
      %mul3A_1646 = arith.muli %iota3A, %mul3A_1645 : vector<16xi32>
      %add3A_1647 = arith.constant 3584 : i32
      %add3A_1648 = vector.broadcast %add3A_1647 : i32 to vector<16xi32>
      %add3A_1649 = arith.addi %mul3A_1646, %add3A_1648 : vector<16xi32>
      tpu.vector_store_idx %arg13[%add3A_1649], %get3A_1643 {add = true} : memref<8192xf32, #tpu.memory_space<vmem>>[vector<16xi32>], vector<16xf32>,
      %get3A_1650 = arith.index_cast %add3A_1558 : i32 to index
      %get3A_1651 = arith.constant 0 : index
      %get3A_1652 = tpu.vector_load %arg16[%get3A_1650, %get3A_1651] {strides = array<i32>} : memref<128x128xf32, #tpu.memory_space<vmem>>, vector<16xf32>,
      %mul3A_1653 = arith.constant 32 : i32
      %mul3A_1654 = vector.broadcast %mul3A_1653 : i32 to vector<16xi32>
      %mul3A_1655 = arith.muli %iota3A, %mul3A_1654 : vector<16xi32>
      %add3A_1656 = arith.constant 7 : i32
      %add3A_1657 = vector.broadcast %add3A_1656 : i32 to vector<16xi32>
      %add3A_1658 = arith.addi %mul3A_1655, %add3A_1657 : vector<16xi32>
      tpu.vector_store_idx %arg13[%add3A_1658], %get3A_1652 {add = true} : memref<8192xf32, #tpu.memory_space<vmem>>[vector<16xi32>], vector<16xf32>,
      %get3A_1659 = arith.index_cast %add3A_1558 : i32 to index
      %get3A_1660 = arith.constant 16 : index
      %get3A_1661 = tpu.vector_load %arg16[%get3A_1659, %get3A_1660] {strides = array<i32>} : memref<128x128xf32, #tpu.memory_space<vmem>>, vector<16xf32>,
      %mul3A_1662 = arith.constant 32 : i32
      %mul3A_1663 = vector.broadcast %mul3A_1662 : i32 to vector<16xi32>
      %mul3A_1664 = arith.muli %iota3A, %mul3A_1663 : vector<16xi32>
      %add3A_1665 = arith.constant 519 : i32
      %add3A_1666 = vector.broadcast %add3A_1665 : i32 to vector<16xi32>
      %add3A_1667 = arith.addi %mul3A_1664, %add3A_1666 : vector<16xi32>
      tpu.vector_store_idx %arg13[%add3A_1667], %get3A_1661 {add = true} : memref<8192xf32, #tpu.memory_space<vmem>>[vector<16xi32>], vector<16xf32>,
      %get3A_1668 = arith.index_cast %add3A_1558 : i32 to index
      %get3A_1669 = arith.constant 32 : index
      %get3A_1670 = tpu.vector_load %arg16[%get3A_1668, %get3A_1669] {strides = array<i32>} : memref<128x128xf32, #tpu.memory_space<vmem>>, vector<16xf32>,
      %mul3A_1671 = arith.constant 32 : i32
      %mul3A_1672 = vector.broadcast %mul3A_1671 : i32 to vector<16xi32>
      %mul3A_1673 = arith.muli %iota3A, %mul3A_1672 : vector<16xi32>
      %add3A_1674 = arith.constant 1031 : i32
      %add3A_1675 = vector.broadcast %add3A_1674 : i32 to vector<16xi32>
      %add3A_1676 = arith.addi %mul3A_1673, %add3A_1675 : vector<16xi32>
      tpu.vector_store_idx %arg13[%add3A_1676], %get3A_1670 {add = true} : memref<8192xf32, #tpu.memory_space<vmem>>[vector<16xi32>], vector<16xf32>,
      %get3A_1677 = arith.index_cast %add3A_1558 : i32 to index
      %get3A_1678 = arith.constant 48 : index
      %get3A_1679 = tpu.vector_load %arg16[%get3A_1677, %get3A_1678] {strides = array<i32>} : memref<128x128xf32, #tpu.memory_space<vmem>>, vector<16xf32>,
      %mul3A_1680 = arith.constant 32 : i32
      %mul3A_1681 = vector.broadcast %mul3A_1680 : i32 to vector<16xi32>
      %mul3A_1682 = arith.muli %iota3A, %mul3A_1681 : vector<16xi32>
      %add3A_1683 = arith.constant 1543 : i32
      %add3A_1684 = vector.broadcast %add3A_1683 : i32 to vector<16xi32>
      %add3A_1685 = arith.addi %mul3A_1682, %add3A_1684 : vector<16xi32>
      tpu.vector_store_idx %arg13[%add3A_1685], %get3A_1679 {add = true} : memref<8192xf32, #tpu.memory_space<vmem>>[vector<16xi32>], vector<16xf32>,
      %get3A_1686 = arith.index_cast %add3A_1558 : i32 to index
      %get3A_1687 = arith.constant 64 : index
      %get3A_1688 = tpu.vector_load %arg16[%get3A_1686, %get3A_1687] {strides = array<i32>} : memref<128x128xf32, #tpu.memory_space<vmem>>, vector<16xf32>,
      %mul3A_1689 = arith.constant 32 : i32
      %mul3A_1690 = vector.broadcast %mul3A_1689 : i32 to vector<16xi32>
      %mul3A_1691 = arith.muli %iota3A, %mul3A_1690 : vector<16xi32>
      %add3A_1692 = arith.constant 2055 : i32
      %add3A_1693 = vector.broadcast %add3A_1692 : i32 to vector<16xi32>
      %add3A_1694 = arith.addi %mul3A_1691, %add3A_1693 : vector<16xi32>
      tpu.vector_store_idx %arg13[%add3A_1694], %get3A_1688 {add = true} : memref<8192xf32, #tpu.memory_space<vmem>>[vector<16xi32>], vector<16xf32>,
      %get3A_1695 = arith.index_cast %add3A_1558 : i32 to index
      %get3A_1696 = arith.constant 80 : index
      %get3A_1697 = tpu.vector_load %arg16[%get3A_1695, %get3A_1696] {strides = array<i32>} : memref<128x128xf32, #tpu.memory_space<vmem>>, vector<16xf32>,
      %mul3A_1698 = arith.constant 32 : i32
      %mul3A_1699 = vector.broadcast %mul3A_1698 : i32 to vector<16xi32>
      %mul3A_1700 = arith.muli %iota3A, %mul3A_1699 : vector<16xi32>
      %add3A_1701 = arith.constant 2567 : i32
      %add3A_1702 = vector.broadcast %add3A_1701 : i32 to vector<16xi32>
      %add3A_1703 = arith.addi %mul3A_1700, %add3A_1702 : vector<16xi32>
      tpu.vector_store_idx %arg13[%add3A_1703], %get3A_1697 {add = true} : memref<8192xf32, #tpu.memory_space<vmem>>[vector<16xi32>], vector<16xf32>,
      %get3A_1704 = arith.index_cast %add3A_1558 : i32 to index
      %get3A_1705 = arith.constant 96 : index
      %get3A_1706 = tpu.vector_load %arg16[%get3A_1704, %get3A_1705] {strides = array<i32>} : memref<128x128xf32, #tpu.memory_space<vmem>>, vector<16xf32>,
      %mul3A_1707 = arith.constant 32 : i32
      %mul3A_1708 = vector.broadcast %mul3A_1707 : i32 to vector<16xi32>
      %mul3A_1709 = arith.muli %iota3A, %mul3A_1708 : vector<16xi32>
      %add3A_1710 = arith.constant 3079 : i32
      %add3A_1711 = vector.broadcast %add3A_1710 : i32 to vector<16xi32>
      %add3A_1712 = arith.addi %mul3A_1709, %add3A_1711 : vector<16xi32>
      tpu.vector_store_idx %arg13[%add3A_1712], %get3A_1706 {add = true} : memref<8192xf32, #tpu.memory_space<vmem>>[vector<16xi32>], vector<16xf32>,
      %get3A_1713 = arith.index_cast %add3A_1558 : i32 to index
      %get3A_1714 = arith.constant 112 : index
      %get3A_1715 = tpu.vector_load %arg16[%get3A_1713, %get3A_1714] {strides = array<i32>} : memref<128x128xf32, #tpu.memory_space<vmem>>, vector<16xf32>,
      %mul3A_1716 = arith.constant 32 : i32
      %mul3A_1717 = vector.broadcast %mul3A_1716 : i32 to vector<16xi32>
      %mul3A_1718 = arith.muli %iota3A, %mul3A_1717 : vector<16xi32>
      %add3A_1719 = arith.constant 3591 : i32
      %add3A_1720 = vector.broadcast %add3A_1719 : i32 to vector<16xi32>
      %add3A_1721 = arith.addi %mul3A_1718, %add3A_1720 : vector<16xi32>
      tpu.vector_store_idx %arg13[%add3A_1721], %get3A_1715 {add = true} : memref<8192xf32, #tpu.memory_space<vmem>>[vector<16xi32>], vector<16xf32>,
      %get3A_1722 = arith.index_cast %add3A_1558 : i32 to index
      %get3A_1723 = arith.constant 0 : index
      %get3A_1724 = tpu.vector_load %arg17[%get3A_1722, %get3A_1723] {strides = array<i32>} : memref<128x128xf32, #tpu.memory_space<vmem>>, vector<16xf32>,
      %mul3A_1725 = arith.constant 32 : i32
      %mul3A_1726 = vector.broadcast %mul3A_1725 : i32 to vector<16xi32>
      %mul3A_1727 = arith.muli %iota3A, %mul3A_1726 : vector<16xi32>
      %add3A_1728 = arith.constant 15 : i32
      %add3A_1729 = vector.broadcast %add3A_1728 : i32 to vector<16xi32>
      %add3A_1730 = arith.addi %mul3A_1727, %add3A_1729 : vector<16xi32>
      tpu.vector_store_idx %arg13[%add3A_1730], %get3A_1724 {add = true} : memref<8192xf32, #tpu.memory_space<vmem>>[vector<16xi32>], vector<16xf32>,
      %get3A_1731 = arith.index_cast %add3A_1558 : i32 to index
      %get3A_1732 = arith.constant 16 : index
      %get3A_1733 = tpu.vector_load %arg17[%get3A_1731, %get3A_1732] {strides = array<i32>} : memref<128x128xf32, #tpu.memory_space<vmem>>, vector<16xf32>,
      %mul3A_1734 = arith.constant 32 : i32
      %mul3A_1735 = vector.broadcast %mul3A_1734 : i32 to vector<16xi32>
      %mul3A_1736 = arith.muli %iota3A, %mul3A_1735 : vector<16xi32>
      %add3A_1737 = arith.constant 527 : i32
      %add3A_1738 = vector.broadcast %add3A_1737 : i32 to vector<16xi32>
      %add3A_1739 = arith.addi %mul3A_1736, %add3A_1738 : vector<16xi32>
      tpu.vector_store_idx %arg13[%add3A_1739], %get3A_1733 {add = true} : memref<8192xf32, #tpu.memory_space<vmem>>[vector<16xi32>], vector<16xf32>,
      %get3A_1740 = arith.index_cast %add3A_1558 : i32 to index
      %get3A_1741 = arith.constant 32 : index
      %get3A_1742 = tpu.vector_load %arg17[%get3A_1740, %get3A_1741] {strides = array<i32>} : memref<128x128xf32, #tpu.memory_space<vmem>>, vector<16xf32>,
      %mul3A_1743 = arith.constant 32 : i32
      %mul3A_1744 = vector.broadcast %mul3A_1743 : i32 to vector<16xi32>
      %mul3A_1745 = arith.muli %iota3A, %mul3A_1744 : vector<16xi32>
      %add3A_1746 = arith.constant 1039 : i32
      %add3A_1747 = vector.broadcast %add3A_1746 : i32 to vector<16xi32>
      %add3A_1748 = arith.addi %mul3A_1745, %add3A_1747 : vector<16xi32>
      tpu.vector_store_idx %arg13[%add3A_1748], %get3A_1742 {add = true} : memref<8192xf32, #tpu.memory_space<vmem>>[vector<16xi32>], vector<16xf32>,
      %get3A_1749 = arith.index_cast %add3A_1558 : i32 to index
      %get3A_1750 = arith.constant 48 : index
      %get3A_1751 = tpu.vector_load %arg17[%get3A_1749, %get3A_1750] {strides = array<i32>} : memref<128x128xf32, #tpu.memory_space<vmem>>, vector<16xf32>,
      %mul3A_1752 = arith.constant 32 : i32
      %mul3A_1753 = vector.broadcast %mul3A_1752 : i32 to vector<16xi32>
      %mul3A_1754 = arith.muli %iota3A, %mul3A_1753 : vector<16xi32>
      %add3A_1755 = arith.constant 1551 : i32
      %add3A_1756 = vector.broadcast %add3A_1755 : i32 to vector<16xi32>
      %add3A_1757 = arith.addi %mul3A_1754, %add3A_1756 : vector<16xi32>
      tpu.vector_store_idx %arg13[%add3A_1757], %get3A_1751 {add = true} : memref<8192xf32, #tpu.memory_space<vmem>>[vector<16xi32>], vector<16xf32>,
      %get3A_1758 = arith.index_cast %add3A_1558 : i32 to index
      %get3A_1759 = arith.constant 64 : index
      %get3A_1760 = tpu.vector_load %arg17[%get3A_1758, %get3A_1759] {strides = array<i32>} : memref<128x128xf32, #tpu.memory_space<vmem>>, vector<16xf32>,
      %mul3A_1761 = arith.constant 32 : i32
      %mul3A_1762 = vector.broadcast %mul3A_1761 : i32 to vector<16xi32>
      %mul3A_1763 = arith.muli %iota3A, %mul3A_1762 : vector<16xi32>
      %add3A_1764 = arith.constant 2063 : i32
      %add3A_1765 = vector.broadcast %add3A_1764 : i32 to vector<16xi32>
      %add3A_1766 = arith.addi %mul3A_1763, %add3A_1765 : vector<16xi32>
      tpu.vector_store_idx %arg13[%add3A_1766], %get3A_1760 {add = true} : memref<8192xf32, #tpu.memory_space<vmem>>[vector<16xi32>], vector<16xf32>,
      %get3A_1767 = arith.index_cast %add3A_1558 : i32 to index
      %get3A_1768 = arith.constant 80 : index
      %get3A_1769 = tpu.vector_load %arg17[%get3A_1767, %get3A_1768] {strides = array<i32>} : memref<128x128xf32, #tpu.memory_space<vmem>>, vector<16xf32>,
      %mul3A_1770 = arith.constant 32 : i32
      %mul3A_1771 = vector.broadcast %mul3A_1770 : i32 to vector<16xi32>
      %mul3A_1772 = arith.muli %iota3A, %mul3A_1771 : vector<16xi32>
      %add3A_1773 = arith.constant 2575 : i32
      %add3A_1774 = vector.broadcast %add3A_1773 : i32 to vector<16xi32>
      %add3A_1775 = arith.addi %mul3A_1772, %add3A_1774 : vector<16xi32>
      tpu.vector_store_idx %arg13[%add3A_1775], %get3A_1769 {add = true} : memref<8192xf32, #tpu.memory_space<vmem>>[vector<16xi32>], vector<16xf32>,
      %get3A_1776 = arith.index_cast %add3A_1558 : i32 to index
      %get3A_1777 = arith.constant 96 : index
      %get3A_1778 = tpu.vector_load %arg17[%get3A_1776, %get3A_1777] {strides = array<i32>} : memref<128x128xf32, #tpu.memory_space<vmem>>, vector<16xf32>,
      %mul3A_1779 = arith.constant 32 : i32
      %mul3A_1780 = vector.broadcast %mul3A_1779 : i32 to vector<16xi32>
      %mul3A_1781 = arith.muli %iota3A, %mul3A_1780 : vector<16xi32>
      %add3A_1782 = arith.constant 3087 : i32
      %add3A_1783 = vector.broadcast %add3A_1782 : i32 to vector<16xi32>
      %add3A_1784 = arith.addi %mul3A_1781, %add3A_1783 : vector<16xi32>
      tpu.vector_store_idx %arg13[%add3A_1784], %get3A_1778 {add = true} : memref<8192xf32, #tpu.memory_space<vmem>>[vector<16xi32>], vector<16xf32>,
      %get3A_1785 = arith.index_cast %add3A_1558 : i32 to index
      %get3A_1786 = arith.constant 112 : index
      %get3A_1787 = tpu.vector_load %arg17[%get3A_1785, %get3A_1786] {strides = array<i32>} : memref<128x128xf32, #tpu.memory_space<vmem>>, vector<16xf32>,
      %mul3A_1788 = arith.constant 32 : i32
      %mul3A_1789 = vector.broadcast %mul3A_1788 : i32 to vector<16xi32>
      %mul3A_1790 = arith.muli %iota3A, %mul3A_1789 : vector<16xi32>
      %add3A_1791 = arith.constant 3599 : i32
      %add3A_1792 = vector.broadcast %add3A_1791 : i32 to vector<16xi32>
      %add3A_1793 = arith.addi %mul3A_1790, %add3A_1792 : vector<16xi32>
      tpu.vector_store_idx %arg13[%add3A_1793], %get3A_1787 {add = true} : memref<8192xf32, #tpu.memory_space<vmem>>[vector<16xi32>], vector<16xf32>,
      %add3A_1794 = arith.addi %mul3A_2, %add3A_1558 : i32
      %dma_start3A_1795 = arith.constant 0 : i32
      %dma_start3A_1796 = tpu.memref_slice %arg6[%add3A_1794, %dma_start3A_1795] : memref<4096x8192xf32, #tpu.memory_space<hbm>> -> memref<1x8192xf32, #tpu.memory_space<hbm>>
      %dma_start3A_1797 = tpu.memref_squeeze %dma_start3A_1796 : memref<1x8192xf32, #tpu.memory_space<hbm>> -> memref<8192xf32, #tpu.memory_space<hbm>>
      %dma_start3A_1798 = arith.constant 0 : i32
      %dma_start3A_1799 = tpu.memref_slice %arg6[%add3A_1794, %dma_start3A_1798] : memref<4096x8192xf32, #tpu.memory_space<hbm>> -> memref<1x8192xf32, #tpu.memory_space<hbm>>
      %dma_start3A_1800 = tpu.memref_squeeze %dma_start3A_1799 : memref<1x8192xf32, #tpu.memory_space<hbm>> -> memref<8192xf32, #tpu.memory_space<hbm>>
      tpu.enqueue_dma source(%arg13 : memref<8192xf32, #tpu.memory_space<vmem>>) target(%dma_start3A_1800 : memref<8192xf32, #tpu.memory_space<hbm>>) target_semaphore(%arg32 : memref<!tpu.dma_semaphore, #tpu.memory_space<semaphore_mem>>)
      %add3A_1801 = arith.constant 7 : i32
      %add3A_1802 = arith.addi %add3A_97, %add3A_1801 : i32
      %add3A_1803 = arith.constant 6 : i32
      %add3A_1804 = arith.addi %add3A_1802, %add3A_1803 : i32
      %ge3A_1805 = arith.constant 8 : i32
      %ge3A_1806 = arith.cmpi sge, %add3A_1804, %ge3A_1805 : i32
      %convert_element_type3A_1807 = arith.extui %ge3A_1806 : i1 to i32
      %cond3A_1808 = arith.constant 0 : i32
      %cond3A_1809 = arith.cmpi ne, %convert_element_type3A_1807, %cond3A_1808 : i32
      scf.if %cond3A_1809 {
        %sub3A = arith.constant 8 : i32
        %sub3A_2045 = arith.subi %add3A_1804, %sub3A : i32
        %add3A_2046 = arith.addi %mul3A_2, %sub3A_2045 : i32
        %dma_wait3A_2047 = arith.constant 0 : i32
        %dma_wait3A_2048 = tpu.memref_slice %arg6[%add3A_2046, %dma_wait3A_2047] : memref<4096x8192xf32, #tpu.memory_space<hbm>> -> memref<1x8192xf32, #tpu.memory_space<hbm>>
        %dma_wait3A_2049 = tpu.memref_squeeze %dma_wait3A_2048 : memref<1x8192xf32, #tpu.memory_space<hbm>> -> memref<8192xf32, #tpu.memory_space<hbm>>
        %dma_wait3A_2050 = arith.constant 0 : i32
        %dma_wait3A_2051 = tpu.memref_slice %arg6[%add3A_2046, %dma_wait3A_2050] : memref<4096x8192xf32, #tpu.memory_space<hbm>> -> memref<1x8192xf32, #tpu.memory_space<hbm>>
        %dma_wait3A_2052 = tpu.memref_squeeze %dma_wait3A_2051 : memref<1x8192xf32, #tpu.memory_space<hbm>> -> memref<8192xf32, #tpu.memory_space<hbm>>
        tpu.wait_dma2 semaphore(%arg31 : memref<!tpu.dma_semaphore, #tpu.memory_space<semaphore_mem>>) src(%arg12 : memref<8192xf32, #tpu.memory_space<vmem>>) dst(%dma_wait3A_2052 : memref<8192xf32, #tpu.memory_space<hbm>>)
      } else {
      }
      %lt3A_1810 = arith.constant 128 : i32
      %lt3A_1811 = arith.cmpi slt, %add3A_1804, %lt3A_1810 : i32
      %convert_element_type3A_1812 = arith.extui %lt3A_1811 : i1 to i32
      %cond3A_1813 = arith.constant 0 : i32
      %cond3A_1814 = arith.cmpi ne, %convert_element_type3A_1812, %cond3A_1813 : i32
      scf.if %cond3A_1814 {
        %add3A_2045 = arith.addi %mul3A_2, %add3A_1804 : i32
        %dma_start3A_2046 = arith.constant 0 : i32
        %dma_start3A_2047 = tpu.memref_slice %arg2[%add3A_2045, %dma_start3A_2046] : memref<4096x8192xf32, #tpu.memory_space<hbm>> -> memref<1x8192xf32, #tpu.memory_space<hbm>>
        %dma_start3A_2048 = tpu.memref_squeeze %dma_start3A_2047 : memref<1x8192xf32, #tpu.memory_space<hbm>> -> memref<8192xf32, #tpu.memory_space<hbm>>
        %dma_start3A_2049 = arith.constant 0 : i32
        %dma_start3A_2050 = tpu.memref_slice %arg2[%add3A_2045, %dma_start3A_2049] : memref<4096x8192xf32, #tpu.memory_space<hbm>> -> memref<1x8192xf32, #tpu.memory_space<hbm>>
        %dma_start3A_2051 = tpu.memref_squeeze %dma_start3A_2050 : memref<1x8192xf32, #tpu.memory_space<hbm>> -> memref<8192xf32, #tpu.memory_space<hbm>>
        tpu.enqueue_dma source(%dma_start3A_2051 : memref<8192xf32, #tpu.memory_space<hbm>>) target(%arg12 : memref<8192xf32, #tpu.memory_space<vmem>>) target_semaphore(%arg23 : memref<!tpu.dma_semaphore, #tpu.memory_space<semaphore_mem>>)
      } else {
      }
      %add3A_1815 = arith.addi %mul3A_2, %add3A_1802 : i32
      %dma_wait3A_1816 = arith.constant 0 : i32
      %dma_wait3A_1817 = tpu.memref_slice %arg2[%add3A_1815, %dma_wait3A_1816] : memref<4096x8192xf32, #tpu.memory_space<hbm>> -> memref<1x8192xf32, #tpu.memory_space<hbm>>
      %dma_wait3A_1818 = tpu.memref_squeeze %dma_wait3A_1817 : memref<1x8192xf32, #tpu.memory_space<hbm>> -> memref<8192xf32, #tpu.memory_space<hbm>>
      %dma_wait3A_1819 = arith.constant 0 : i32
      %dma_wait3A_1820 = tpu.memref_slice %arg2[%add3A_1815, %dma_wait3A_1819] : memref<4096x8192xf32, #tpu.memory_space<hbm>> -> memref<1x8192xf32, #tpu.memory_space<hbm>>
      %dma_wait3A_1821 = tpu.memref_squeeze %dma_wait3A_1820 : memref<1x8192xf32, #tpu.memory_space<hbm>> -> memref<8192xf32, #tpu.memory_space<hbm>>
      tpu.wait_dma2 semaphore(%arg25 : memref<!tpu.dma_semaphore, #tpu.memory_space<semaphore_mem>>) src(%dma_wait3A_1821 : memref<8192xf32, #tpu.memory_space<hbm>>) dst(%arg14 : memref<8192xf32, #tpu.memory_space<vmem>>)
      %get3A_1822 = arith.index_cast %add3A_1802 : i32 to index
      %get3A_1823 = arith.constant 0 : index
      %get3A_1824 = tpu.vector_load %arg15[%get3A_1822, %get3A_1823] {strides = array<i32>} : memref<128x128xf32, #tpu.memory_space<vmem>>, vector<16xf32>,
      %mul3A_1825 = arith.constant 32 : i32
      %mul3A_1826 = vector.broadcast %mul3A_1825 : i32 to vector<16xi32>
      %mul3A_1827 = arith.muli %iota3A, %mul3A_1826 : vector<16xi32>
      %add3A_1828 = arith.constant 0 : i32
      %add3A_1829 = vector.broadcast %add3A_1828 : i32 to vector<16xi32>
      %add3A_1830 = arith.addi %mul3A_1827, %add3A_1829 : vector<16xi32>
      tpu.vector_store_idx %arg14[%add3A_1830], %get3A_1824 {add = true} : memref<8192xf32, #tpu.memory_space<vmem>>[vector<16xi32>], vector<16xf32>,
      %get3A_1831 = arith.index_cast %add3A_1802 : i32 to index
      %get3A_1832 = arith.constant 16 : index
      %get3A_1833 = tpu.vector_load %arg15[%get3A_1831, %get3A_1832] {strides = array<i32>} : memref<128x128xf32, #tpu.memory_space<vmem>>, vector<16xf32>,
      %mul3A_1834 = arith.constant 32 : i32
      %mul3A_1835 = vector.broadcast %mul3A_1834 : i32 to vector<16xi32>
      %mul3A_1836 = arith.muli %iota3A, %mul3A_1835 : vector<16xi32>
      %add3A_1837 = arith.constant 512 : i32
      %add3A_1838 = vector.broadcast %add3A_1837 : i32 to vector<16xi32>
      %add3A_1839 = arith.addi %mul3A_1836, %add3A_1838 : vector<16xi32>
      tpu.vector_store_idx %arg14[%add3A_1839], %get3A_1833 {add = true} : memref<8192xf32, #tpu.memory_space<vmem>>[vector<16xi32>], vector<16xf32>,
      %get3A_1840 = arith.index_cast %add3A_1802 : i32 to index
      %get3A_1841 = arith.constant 32 : index
      %get3A_1842 = tpu.vector_load %arg15[%get3A_1840, %get3A_1841] {strides = array<i32>} : memref<128x128xf32, #tpu.memory_space<vmem>>, vector<16xf32>,
      %mul3A_1843 = arith.constant 32 : i32
      %mul3A_1844 = vector.broadcast %mul3A_1843 : i32 to vector<16xi32>
      %mul3A_1845 = arith.muli %iota3A, %mul3A_1844 : vector<16xi32>
      %add3A_1846 = arith.constant 1024 : i32
      %add3A_1847 = vector.broadcast %add3A_1846 : i32 to vector<16xi32>
      %add3A_1848 = arith.addi %mul3A_1845, %add3A_1847 : vector<16xi32>
      tpu.vector_store_idx %arg14[%add3A_1848], %get3A_1842 {add = true} : memref<8192xf32, #tpu.memory_space<vmem>>[vector<16xi32>], vector<16xf32>,
      %get3A_1849 = arith.index_cast %add3A_1802 : i32 to index
      %get3A_1850 = arith.constant 48 : index
      %get3A_1851 = tpu.vector_load %arg15[%get3A_1849, %get3A_1850] {strides = array<i32>} : memref<128x128xf32, #tpu.memory_space<vmem>>, vector<16xf32>,
      %mul3A_1852 = arith.constant 32 : i32
      %mul3A_1853 = vector.broadcast %mul3A_1852 : i32 to vector<16xi32>
      %mul3A_1854 = arith.muli %iota3A, %mul3A_1853 : vector<16xi32>
      %add3A_1855 = arith.constant 1536 : i32
      %add3A_1856 = vector.broadcast %add3A_1855 : i32 to vector<16xi32>
      %add3A_1857 = arith.addi %mul3A_1854, %add3A_1856 : vector<16xi32>
      tpu.vector_store_idx %arg14[%add3A_1857], %get3A_1851 {add = true} : memref<8192xf32, #tpu.memory_space<vmem>>[vector<16xi32>], vector<16xf32>,
      %get3A_1858 = arith.index_cast %add3A_1802 : i32 to index
      %get3A_1859 = arith.constant 64 : index
      %get3A_1860 = tpu.vector_load %arg15[%get3A_1858, %get3A_1859] {strides = array<i32>} : memref<128x128xf32, #tpu.memory_space<vmem>>, vector<16xf32>,
      %mul3A_1861 = arith.constant 32 : i32
      %mul3A_1862 = vector.broadcast %mul3A_1861 : i32 to vector<16xi32>
      %mul3A_1863 = arith.muli %iota3A, %mul3A_1862 : vector<16xi32>
      %add3A_1864 = arith.constant 2048 : i32
      %add3A_1865 = vector.broadcast %add3A_1864 : i32 to vector<16xi32>
      %add3A_1866 = arith.addi %mul3A_1863, %add3A_1865 : vector<16xi32>
      tpu.vector_store_idx %arg14[%add3A_1866], %get3A_1860 {add = true} : memref<8192xf32, #tpu.memory_space<vmem>>[vector<16xi32>], vector<16xf32>,
      %get3A_1867 = arith.index_cast %add3A_1802 : i32 to index
      %get3A_1868 = arith.constant 80 : index
      %get3A_1869 = tpu.vector_load %arg15[%get3A_1867, %get3A_1868] {strides = array<i32>} : memref<128x128xf32, #tpu.memory_space<vmem>>, vector<16xf32>,
      %mul3A_1870 = arith.constant 32 : i32
      %mul3A_1871 = vector.broadcast %mul3A_1870 : i32 to vector<16xi32>
      %mul3A_1872 = arith.muli %iota3A, %mul3A_1871 : vector<16xi32>
      %add3A_1873 = arith.constant 2560 : i32
      %add3A_1874 = vector.broadcast %add3A_1873 : i32 to vector<16xi32>
      %add3A_1875 = arith.addi %mul3A_1872, %add3A_1874 : vector<16xi32>
      tpu.vector_store_idx %arg14[%add3A_1875], %get3A_1869 {add = true} : memref<8192xf32, #tpu.memory_space<vmem>>[vector<16xi32>], vector<16xf32>,
      %get3A_1876 = arith.index_cast %add3A_1802 : i32 to index
      %get3A_1877 = arith.constant 96 : index
      %get3A_1878 = tpu.vector_load %arg15[%get3A_1876, %get3A_1877] {strides = array<i32>} : memref<128x128xf32, #tpu.memory_space<vmem>>, vector<16xf32>,
      %mul3A_1879 = arith.constant 32 : i32
      %mul3A_1880 = vector.broadcast %mul3A_1879 : i32 to vector<16xi32>
      %mul3A_1881 = arith.muli %iota3A, %mul3A_1880 : vector<16xi32>
      %add3A_1882 = arith.constant 3072 : i32
      %add3A_1883 = vector.broadcast %add3A_1882 : i32 to vector<16xi32>
      %add3A_1884 = arith.addi %mul3A_1881, %add3A_1883 : vector<16xi32>
      tpu.vector_store_idx %arg14[%add3A_1884], %get3A_1878 {add = true} : memref<8192xf32, #tpu.memory_space<vmem>>[vector<16xi32>], vector<16xf32>,
      %get3A_1885 = arith.index_cast %add3A_1802 : i32 to index
      %get3A_1886 = arith.constant 112 : index
      %get3A_1887 = tpu.vector_load %arg15[%get3A_1885, %get3A_1886] {strides = array<i32>} : memref<128x128xf32, #tpu.memory_space<vmem>>, vector<16xf32>,
      %mul3A_1888 = arith.constant 32 : i32
      %mul3A_1889 = vector.broadcast %mul3A_1888 : i32 to vector<16xi32>
      %mul3A_1890 = arith.muli %iota3A, %mul3A_1889 : vector<16xi32>
      %add3A_1891 = arith.constant 3584 : i32
      %add3A_1892 = vector.broadcast %add3A_1891 : i32 to vector<16xi32>
      %add3A_1893 = arith.addi %mul3A_1890, %add3A_1892 : vector<16xi32>
      tpu.vector_store_idx %arg14[%add3A_1893], %get3A_1887 {add = true} : memref<8192xf32, #tpu.memory_space<vmem>>[vector<16xi32>], vector<16xf32>,
      %get3A_1894 = arith.index_cast %add3A_1802 : i32 to index
      %get3A_1895 = arith.constant 0 : index
      %get3A_1896 = tpu.vector_load %arg16[%get3A_1894, %get3A_1895] {strides = array<i32>} : memref<128x128xf32, #tpu.memory_space<vmem>>, vector<16xf32>,
      %mul3A_1897 = arith.constant 32 : i32
      %mul3A_1898 = vector.broadcast %mul3A_1897 : i32 to vector<16xi32>
      %mul3A_1899 = arith.muli %iota3A, %mul3A_1898 : vector<16xi32>
      %add3A_1900 = arith.constant 7 : i32
      %add3A_1901 = vector.broadcast %add3A_1900 : i32 to vector<16xi32>
      %add3A_1902 = arith.addi %mul3A_1899, %add3A_1901 : vector<16xi32>
      tpu.vector_store_idx %arg14[%add3A_1902], %get3A_1896 {add = true} : memref<8192xf32, #tpu.memory_space<vmem>>[vector<16xi32>], vector<16xf32>,
      %get3A_1903 = arith.index_cast %add3A_1802 : i32 to index
      %get3A_1904 = arith.constant 16 : index
      %get3A_1905 = tpu.vector_load %arg16[%get3A_1903, %get3A_1904] {strides = array<i32>} : memref<128x128xf32, #tpu.memory_space<vmem>>, vector<16xf32>,
      %mul3A_1906 = arith.constant 32 : i32
      %mul3A_1907 = vector.broadcast %mul3A_1906 : i32 to vector<16xi32>
      %mul3A_1908 = arith.muli %iota3A, %mul3A_1907 : vector<16xi32>
      %add3A_1909 = arith.constant 519 : i32
      %add3A_1910 = vector.broadcast %add3A_1909 : i32 to vector<16xi32>
      %add3A_1911 = arith.addi %mul3A_1908, %add3A_1910 : vector<16xi32>
      tpu.vector_store_idx %arg14[%add3A_1911], %get3A_1905 {add = true} : memref<8192xf32, #tpu.memory_space<vmem>>[vector<16xi32>], vector<16xf32>,
      %get3A_1912 = arith.index_cast %add3A_1802 : i32 to index
      %get3A_1913 = arith.constant 32 : index
      %get3A_1914 = tpu.vector_load %arg16[%get3A_1912, %get3A_1913] {strides = array<i32>} : memref<128x128xf32, #tpu.memory_space<vmem>>, vector<16xf32>,
      %mul3A_1915 = arith.constant 32 : i32
      %mul3A_1916 = vector.broadcast %mul3A_1915 : i32 to vector<16xi32>
      %mul3A_1917 = arith.muli %iota3A, %mul3A_1916 : vector<16xi32>
      %add3A_1918 = arith.constant 1031 : i32
      %add3A_1919 = vector.broadcast %add3A_1918 : i32 to vector<16xi32>
      %add3A_1920 = arith.addi %mul3A_1917, %add3A_1919 : vector<16xi32>
      tpu.vector_store_idx %arg14[%add3A_1920], %get3A_1914 {add = true} : memref<8192xf32, #tpu.memory_space<vmem>>[vector<16xi32>], vector<16xf32>,
      %get3A_1921 = arith.index_cast %add3A_1802 : i32 to index
      %get3A_1922 = arith.constant 48 : index
      %get3A_1923 = tpu.vector_load %arg16[%get3A_1921, %get3A_1922] {strides = array<i32>} : memref<128x128xf32, #tpu.memory_space<vmem>>, vector<16xf32>,
      %mul3A_1924 = arith.constant 32 : i32
      %mul3A_1925 = vector.broadcast %mul3A_1924 : i32 to vector<16xi32>
      %mul3A_1926 = arith.muli %iota3A, %mul3A_1925 : vector<16xi32>
      %add3A_1927 = arith.constant 1543 : i32
      %add3A_1928 = vector.broadcast %add3A_1927 : i32 to vector<16xi32>
      %add3A_1929 = arith.addi %mul3A_1926, %add3A_1928 : vector<16xi32>
      tpu.vector_store_idx %arg14[%add3A_1929], %get3A_1923 {add = true} : memref<8192xf32, #tpu.memory_space<vmem>>[vector<16xi32>], vector<16xf32>,
      %get3A_1930 = arith.index_cast %add3A_1802 : i32 to index
      %get3A_1931 = arith.constant 64 : index
      %get3A_1932 = tpu.vector_load %arg16[%get3A_1930, %get3A_1931] {strides = array<i32>} : memref<128x128xf32, #tpu.memory_space<vmem>>, vector<16xf32>,
      %mul3A_1933 = arith.constant 32 : i32
      %mul3A_1934 = vector.broadcast %mul3A_1933 : i32 to vector<16xi32>
      %mul3A_1935 = arith.muli %iota3A, %mul3A_1934 : vector<16xi32>
      %add3A_1936 = arith.constant 2055 : i32
      %add3A_1937 = vector.broadcast %add3A_1936 : i32 to vector<16xi32>
      %add3A_1938 = arith.addi %mul3A_1935, %add3A_1937 : vector<16xi32>
      tpu.vector_store_idx %arg14[%add3A_1938], %get3A_1932 {add = true} : memref<8192xf32, #tpu.memory_space<vmem>>[vector<16xi32>], vector<16xf32>,
      %get3A_1939 = arith.index_cast %add3A_1802 : i32 to index
      %get3A_1940 = arith.constant 80 : index
      %get3A_1941 = tpu.vector_load %arg16[%get3A_1939, %get3A_1940] {strides = array<i32>} : memref<128x128xf32, #tpu.memory_space<vmem>>, vector<16xf32>,
      %mul3A_1942 = arith.constant 32 : i32
      %mul3A_1943 = vector.broadcast %mul3A_1942 : i32 to vector<16xi32>
      %mul3A_1944 = arith.muli %iota3A, %mul3A_1943 : vector<16xi32>
      %add3A_1945 = arith.constant 2567 : i32
      %add3A_1946 = vector.broadcast %add3A_1945 : i32 to vector<16xi32>
      %add3A_1947 = arith.addi %mul3A_1944, %add3A_1946 : vector<16xi32>
      tpu.vector_store_idx %arg14[%add3A_1947], %get3A_1941 {add = true} : memref<8192xf32, #tpu.memory_space<vmem>>[vector<16xi32>], vector<16xf32>,
      %get3A_1948 = arith.index_cast %add3A_1802 : i32 to index
      %get3A_1949 = arith.constant 96 : index
      %get3A_1950 = tpu.vector_load %arg16[%get3A_1948, %get3A_1949] {strides = array<i32>} : memref<128x128xf32, #tpu.memory_space<vmem>>, vector<16xf32>,
      %mul3A_1951 = arith.constant 32 : i32
      %mul3A_1952 = vector.broadcast %mul3A_1951 : i32 to vector<16xi32>
      %mul3A_1953 = arith.muli %iota3A, %mul3A_1952 : vector<16xi32>
      %add3A_1954 = arith.constant 3079 : i32
      %add3A_1955 = vector.broadcast %add3A_1954 : i32 to vector<16xi32>
      %add3A_1956 = arith.addi %mul3A_1953, %add3A_1955 : vector<16xi32>
      tpu.vector_store_idx %arg14[%add3A_1956], %get3A_1950 {add = true} : memref<8192xf32, #tpu.memory_space<vmem>>[vector<16xi32>], vector<16xf32>,
      %get3A_1957 = arith.index_cast %add3A_1802 : i32 to index
      %get3A_1958 = arith.constant 112 : index
      %get3A_1959 = tpu.vector_load %arg16[%get3A_1957, %get3A_1958] {strides = array<i32>} : memref<128x128xf32, #tpu.memory_space<vmem>>, vector<16xf32>,
      %mul3A_1960 = arith.constant 32 : i32
      %mul3A_1961 = vector.broadcast %mul3A_1960 : i32 to vector<16xi32>
      %mul3A_1962 = arith.muli %iota3A, %mul3A_1961 : vector<16xi32>
      %add3A_1963 = arith.constant 3591 : i32
      %add3A_1964 = vector.broadcast %add3A_1963 : i32 to vector<16xi32>
      %add3A_1965 = arith.addi %mul3A_1962, %add3A_1964 : vector<16xi32>
      tpu.vector_store_idx %arg14[%add3A_1965], %get3A_1959 {add = true} : memref<8192xf32, #tpu.memory_space<vmem>>[vector<16xi32>], vector<16xf32>,
      %get3A_1966 = arith.index_cast %add3A_1802 : i32 to index
      %get3A_1967 = arith.constant 0 : index
      %get3A_1968 = tpu.vector_load %arg17[%get3A_1966, %get3A_1967] {strides = array<i32>} : memref<128x128xf32, #tpu.memory_space<vmem>>, vector<16xf32>,
      %mul3A_1969 = arith.constant 32 : i32
      %mul3A_1970 = vector.broadcast %mul3A_1969 : i32 to vector<16xi32>
      %mul3A_1971 = arith.muli %iota3A, %mul3A_1970 : vector<16xi32>
      %add3A_1972 = arith.constant 15 : i32
      %add3A_1973 = vector.broadcast %add3A_1972 : i32 to vector<16xi32>
      %add3A_1974 = arith.addi %mul3A_1971, %add3A_1973 : vector<16xi32>
      tpu.vector_store_idx %arg14[%add3A_1974], %get3A_1968 {add = true} : memref<8192xf32, #tpu.memory_space<vmem>>[vector<16xi32>], vector<16xf32>,
      %get3A_1975 = arith.index_cast %add3A_1802 : i32 to index
      %get3A_1976 = arith.constant 16 : index
      %get3A_1977 = tpu.vector_load %arg17[%get3A_1975, %get3A_1976] {strides = array<i32>} : memref<128x128xf32, #tpu.memory_space<vmem>>, vector<16xf32>,
      %mul3A_1978 = arith.constant 32 : i32
      %mul3A_1979 = vector.broadcast %mul3A_1978 : i32 to vector<16xi32>
      %mul3A_1980 = arith.muli %iota3A, %mul3A_1979 : vector<16xi32>
      %add3A_1981 = arith.constant 527 : i32
      %add3A_1982 = vector.broadcast %add3A_1981 : i32 to vector<16xi32>
      %add3A_1983 = arith.addi %mul3A_1980, %add3A_1982 : vector<16xi32>
      tpu.vector_store_idx %arg14[%add3A_1983], %get3A_1977 {add = true} : memref<8192xf32, #tpu.memory_space<vmem>>[vector<16xi32>], vector<16xf32>,
      %get3A_1984 = arith.index_cast %add3A_1802 : i32 to index
      %get3A_1985 = arith.constant 32 : index
      %get3A_1986 = tpu.vector_load %arg17[%get3A_1984, %get3A_1985] {strides = array<i32>} : memref<128x128xf32, #tpu.memory_space<vmem>>, vector<16xf32>,
      %mul3A_1987 = arith.constant 32 : i32
      %mul3A_1988 = vector.broadcast %mul3A_1987 : i32 to vector<16xi32>
      %mul3A_1989 = arith.muli %iota3A, %mul3A_1988 : vector<16xi32>
      %add3A_1990 = arith.constant 1039 : i32
      %add3A_1991 = vector.broadcast %add3A_1990 : i32 to vector<16xi32>
      %add3A_1992 = arith.addi %mul3A_1989, %add3A_1991 : vector<16xi32>
      tpu.vector_store_idx %arg14[%add3A_1992], %get3A_1986 {add = true} : memref<8192xf32, #tpu.memory_space<vmem>>[vector<16xi32>], vector<16xf32>,
      %get3A_1993 = arith.index_cast %add3A_1802 : i32 to index
      %get3A_1994 = arith.constant 48 : index
      %get3A_1995 = tpu.vector_load %arg17[%get3A_1993, %get3A_1994] {strides = array<i32>} : memref<128x128xf32, #tpu.memory_space<vmem>>, vector<16xf32>,
      %mul3A_1996 = arith.constant 32 : i32
      %mul3A_1997 = vector.broadcast %mul3A_1996 : i32 to vector<16xi32>
      %mul3A_1998 = arith.muli %iota3A, %mul3A_1997 : vector<16xi32>
      %add3A_1999 = arith.constant 1551 : i32
      %add3A_2000 = vector.broadcast %add3A_1999 : i32 to vector<16xi32>
      %add3A_2001 = arith.addi %mul3A_1998, %add3A_2000 : vector<16xi32>
      tpu.vector_store_idx %arg14[%add3A_2001], %get3A_1995 {add = true} : memref<8192xf32, #tpu.memory_space<vmem>>[vector<16xi32>], vector<16xf32>,
      %get3A_2002 = arith.index_cast %add3A_1802 : i32 to index
      %get3A_2003 = arith.constant 64 : index
      %get3A_2004 = tpu.vector_load %arg17[%get3A_2002, %get3A_2003] {strides = array<i32>} : memref<128x128xf32, #tpu.memory_space<vmem>>, vector<16xf32>,
      %mul3A_2005 = arith.constant 32 : i32
      %mul3A_2006 = vector.broadcast %mul3A_2005 : i32 to vector<16xi32>
      %mul3A_2007 = arith.muli %iota3A, %mul3A_2006 : vector<16xi32>
      %add3A_2008 = arith.constant 2063 : i32
      %add3A_2009 = vector.broadcast %add3A_2008 : i32 to vector<16xi32>
      %add3A_2010 = arith.addi %mul3A_2007, %add3A_2009 : vector<16xi32>
      tpu.vector_store_idx %arg14[%add3A_2010], %get3A_2004 {add = true} : memref<8192xf32, #tpu.memory_space<vmem>>[vector<16xi32>], vector<16xf32>,
      %get3A_2011 = arith.index_cast %add3A_1802 : i32 to index
      %get3A_2012 = arith.constant 80 : index
      %get3A_2013 = tpu.vector_load %arg17[%get3A_2011, %get3A_2012] {strides = array<i32>} : memref<128x128xf32, #tpu.memory_space<vmem>>, vector<16xf32>,
      %mul3A_2014 = arith.constant 32 : i32
      %mul3A_2015 = vector.broadcast %mul3A_2014 : i32 to vector<16xi32>
      %mul3A_2016 = arith.muli %iota3A, %mul3A_2015 : vector<16xi32>
      %add3A_2017 = arith.constant 2575 : i32
      %add3A_2018 = vector.broadcast %add3A_2017 : i32 to vector<16xi32>
      %add3A_2019 = arith.addi %mul3A_2016, %add3A_2018 : vector<16xi32>
      tpu.vector_store_idx %arg14[%add3A_2019], %get3A_2013 {add = true} : memref<8192xf32, #tpu.memory_space<vmem>>[vector<16xi32>], vector<16xf32>,
      %get3A_2020 = arith.index_cast %add3A_1802 : i32 to index
      %get3A_2021 = arith.constant 96 : index
      %get3A_2022 = tpu.vector_load %arg17[%get3A_2020, %get3A_2021] {strides = array<i32>} : memref<128x128xf32, #tpu.memory_space<vmem>>, vector<16xf32>,
      %mul3A_2023 = arith.constant 32 : i32
      %mul3A_2024 = vector.broadcast %mul3A_2023 : i32 to vector<16xi32>
      %mul3A_2025 = arith.muli %iota3A, %mul3A_2024 : vector<16xi32>
      %add3A_2026 = arith.constant 3087 : i32
      %add3A_2027 = vector.broadcast %add3A_2026 : i32 to vector<16xi32>
      %add3A_2028 = arith.addi %mul3A_2025, %add3A_2027 : vector<16xi32>
      tpu.vector_store_idx %arg14[%add3A_2028], %get3A_2022 {add = true} : memref<8192xf32, #tpu.memory_space<vmem>>[vector<16xi32>], vector<16xf32>,
      %get3A_2029 = arith.index_cast %add3A_1802 : i32 to index
      %get3A_2030 = arith.constant 112 : index
      %get3A_2031 = tpu.vector_load %arg17[%get3A_2029, %get3A_2030] {strides = array<i32>} : memref<128x128xf32, #tpu.memory_space<vmem>>, vector<16xf32>,
      %mul3A_2032 = arith.constant 32 : i32
      %mul3A_2033 = vector.broadcast %mul3A_2032 : i32 to vector<16xi32>
      %mul3A_2034 = arith.muli %iota3A, %mul3A_2033 : vector<16xi32>
      %add3A_2035 = arith.constant 3599 : i32
      %add3A_2036 = vector.broadcast %add3A_2035 : i32 to vector<16xi32>
      %add3A_2037 = arith.addi %mul3A_2034, %add3A_2036 : vector<16xi32>
      tpu.vector_store_idx %arg14[%add3A_2037], %get3A_2031 {add = true} : memref<8192xf32, #tpu.memory_space<vmem>>[vector<16xi32>], vector<16xf32>,
      %add3A_2038 = arith.addi %mul3A_2, %add3A_1802 : i32
      %dma_start3A_2039 = arith.constant 0 : i32
      %dma_start3A_2040 = tpu.memref_slice %arg6[%add3A_2038, %dma_start3A_2039] : memref<4096x8192xf32, #tpu.memory_space<hbm>> -> memref<1x8192xf32, #tpu.memory_space<hbm>>
      %dma_start3A_2041 = tpu.memref_squeeze %dma_start3A_2040 : memref<1x8192xf32, #tpu.memory_space<hbm>> -> memref<8192xf32, #tpu.memory_space<hbm>>
      %dma_start3A_2042 = arith.constant 0 : i32
      %dma_start3A_2043 = tpu.memref_slice %arg6[%add3A_2038, %dma_start3A_2042] : memref<4096x8192xf32, #tpu.memory_space<hbm>> -> memref<1x8192xf32, #tpu.memory_space<hbm>>
      %dma_start3A_2044 = tpu.memref_squeeze %dma_start3A_2043 : memref<1x8192xf32, #tpu.memory_space<hbm>> -> memref<8192xf32, #tpu.memory_space<hbm>>
      tpu.enqueue_dma source(%arg14 : memref<8192xf32, #tpu.memory_space<vmem>>) target(%dma_start3A_2044 : memref<8192xf32, #tpu.memory_space<hbm>>) target_semaphore(%arg33 : memref<!tpu.dma_semaphore, #tpu.memory_space<semaphore_mem>>)
    }
    %scan3A_76 = arith.constant 16 : i32
    %add3A_77 = arith.constant 126 : i32
    %add3A_78 = arith.addi %mul3A_2, %add3A_77 : i32
    %dma_wait3A_79 = arith.constant 0 : i32
    %dma_wait3A_80 = tpu.memref_slice %arg6[%add3A_78, %dma_wait3A_79] : memref<4096x8192xf32, #tpu.memory_space<hbm>> -> memref<1x8192xf32, #tpu.memory_space<hbm>>
    %dma_wait3A_81 = tpu.memref_squeeze %dma_wait3A_80 : memref<1x8192xf32, #tpu.memory_space<hbm>> -> memref<8192xf32, #tpu.memory_space<hbm>>
    %dma_wait3A_82 = arith.constant 0 : i32
    %dma_wait3A_83 = tpu.memref_slice %arg6[%add3A_78, %dma_wait3A_82] : memref<4096x8192xf32, #tpu.memory_space<hbm>> -> memref<1x8192xf32, #tpu.memory_space<hbm>>
    %dma_wait3A_84 = tpu.memref_squeeze %dma_wait3A_83 : memref<1x8192xf32, #tpu.memory_space<hbm>> -> memref<8192xf32, #tpu.memory_space<hbm>>
    tpu.wait_dma2 semaphore(%arg32 : memref<!tpu.dma_semaphore, #tpu.memory_space<semaphore_mem>>) src(%arg13 : memref<8192xf32, #tpu.memory_space<vmem>>) dst(%dma_wait3A_84 : memref<8192xf32, #tpu.memory_space<hbm>>)
    %add3A_85 = arith.constant 127 : i32
    %add3A_86 = arith.addi %mul3A_2, %add3A_85 : i32
    %dma_wait3A_87 = arith.constant 0 : i32
    %dma_wait3A_88 = tpu.memref_slice %arg6[%add3A_86, %dma_wait3A_87] : memref<4096x8192xf32, #tpu.memory_space<hbm>> -> memref<1x8192xf32, #tpu.memory_space<hbm>>
    %dma_wait3A_89 = tpu.memref_squeeze %dma_wait3A_88 : memref<1x8192xf32, #tpu.memory_space<hbm>> -> memref<8192xf32, #tpu.memory_space<hbm>>
    %dma_wait3A_90 = arith.constant 0 : i32
    %dma_wait3A_91 = tpu.memref_slice %arg6[%add3A_86, %dma_wait3A_90] : memref<4096x8192xf32, #tpu.memory_space<hbm>> -> memref<1x8192xf32, #tpu.memory_space<hbm>>
    %dma_wait3A_92 = tpu.memref_squeeze %dma_wait3A_91 : memref<1x8192xf32, #tpu.memory_space<hbm>> -> memref<8192xf32, #tpu.memory_space<hbm>>
    tpu.wait_dma2 semaphore(%arg33 : memref<!tpu.dma_semaphore, #tpu.memory_space<semaphore_mem>>) src(%arg14 : memref<8192xf32, #tpu.memory_space<vmem>>) dst(%dma_wait3A_92 : memref<8192xf32, #tpu.memory_space<hbm>>)
    return
  }
}

</mosaic_0001>

<sc_bundles>
// kernel: kernel.3.cloned.1.call-start
scs
__scs_entry_jumppad:
0x0: {  	(pc) =	sbr.rel $0x88, $3  }
0x1: {  	(tag) =	ssettag $0x0;
	lr =	simm.s32 $0x1  }
0x2: {  	[smem:$0x3F9D] =	sst lr;
	_ =	strace $0xD0000000  }
0x3: {  	_ = 	snop  }
0x4: {  	_ = 	snop  }
0x5: {  	_ = 	snop  }
0x6: {  	_ = 	snop  }
0x7: {  	_ = 	snop  }
__scs_overlays_trampoline_lowered:
0x8: {  	[smem:$0x3FAC] =	sst s0  }
0x9: {  	[smem:$0x3FAD] =	sst s1  }
0xa: {  	[smem:$0x3FAE] =	sst s2  }
0xb: {  	[smem:$0x3FAF] =	sst s3  }
0xc: {  	[smem:$0x3FB0] =	sst s4  }
0xd: {  	[smem:$0x3FB1] =	sst s5  }
0xe: {  	[smem:$0x3FB2] =	sst s6  }
0xf: {  	[smem:$0x3FB3] =	sst s7  }
0x10: {  	[smem:$0x3FB4] =	sst s8  }
0x11: {  	[smem:$0x3FB5] =	sst s9;
	s0 =	simm.s32 @!p0 $0x0  }
0x12: {  	s1 =	sld [smem:$0x3F9B];
	s0 =	simm.s32 @p0 $0x1  }
0x13: {  	[smem:$0x3FB6] =	sst s0;
	s0 =	simm.s32 @!p1 $0x0  }
0x14: {  	s2 =	sld [smem:$0x3F9A];
	s0 =	simm.s32 @p1 $0x1  }
0x15: {  	[smem:$0x3FB7] =	sst s0;
	s0 =	simm.s32 @!p2 $0x0  }
0x16: {  	s3 =	sld [smem:$0x3FDB];
	s0 =	simm.s32 @p2 $0x1  }
0x17: {  	s4 =	simm.s32 $0x1BF5;
	[smem:$0x3FB9] =	sst s0  }
0x18: {  	s0 =	sld [smem:$0x3F9C];
	_ =	swait.ge [sflag:s4], $0x0  }
0x19: {  	s7 =	sld [smem:$0x3F9D]  }
0x1a: {  	s8 =	sadd.s32 $0xFFFFE003, lr  }
0x1b: {  	s9 =	sadd.s32 $0xFFFFFEF7, lr;
	s5 =	simm.s32 $0xFFFFFFFF;
	p2 =	slt.u32 s8, $0xFFFFF086  }
0x1c: {  	p1 =	slt.u32 s9, $0xF7A;
	s5 =	simm.s32 @!p2 $0x0  }
0x1d: {  	s5 =	simm.s32 @p1 $0x1;
	p0 =	seq.s32 s7, s2  }
0x1e: {  	s7 =	smul.u32 @!p0 $0xF7A, s2;
	p2 =	seq.s32 @!p0 s5, $0x0  }
0x1f: {  	s9 =	smul.u32 $0xF7A, s1;
	s8 =	simm.s32 @!p0 $0x1BF5;
	p2 =	por !p2, p0  }
0x20: {  	[sflag:s8] =	ssyncset.s32 @!p0 $0xFFFFF086;
	s6 =	sadd.s32 @!p0 s3, s7;
	s7 =	simm.s32 @!p0 $0x108  }
0x21: {  	s3 =	sadd.s32 s3, s9;
	s6 =	sadd.s32 @!p0 $0x88, s6;
	s7 =	simm.s32 @p2 $0x1082  }
0x22: {  	[simem:s7], [sflag:s8] =	dma.local @!p0 [hbm:s6], $0xF7A  }
0x23: {  	s9 =	sor.u32 $0xD0000000, s2;
	s6 =	simm.s32 $0x108;
	_ =	swait.ge @!p0 [sflag:s8], $0x0  }
0x24: {  	s3 =	sadd.s32 $0x88, s3;
	s6 =	simm.s32 @!p1 $0x1082;
	[sflag:s4] =	ssyncset.s32 $0xFFFFF086  }
0x25: {  	[simem:s6], [sflag:s4] =	dma.local [hbm:s3], $0xF7A  }
0x26: {  	[smem:$0x3F9D] =	sst s1;
	(tag) =	ssettag s2;
	_ =	strace s9  }
0x27: {  	s1 =	sld [smem:$0x3FAD]  }
0x28: {  	s2 =	sld [smem:$0x3FAE]  }
0x29: {  	s4 =	sld [smem:$0x3FB0]  }
0x2a: {  	p0 =	seq.s32 s5, $0x0;
	s5 =	sld [smem:$0x3FB1]  }
0x2b: {  	s6 =	sld [smem:$0x3FB2]  }
0x2c: {  	s7 =	sld [smem:$0x3FB3]  }
0x2d: {  	s3 =	simm.s32 $0x108;
	s8 =	sld [smem:$0x3FB4]  }
0x2e: {  	s3 =	simm.s32 @!p0 $0x1082;
	s9 =	sld [smem:$0x3FB5]  }
0x2f: {  	lr =	sadd.s32 s0, s3;
	s0 =	sld [smem:$0x3FAC]  }
0x30: {  	s3 =	sld [smem:$0x3FAF]  }
0x31: {  	[smem:$0x3FB8] =	sst s10  }
0x32: {  	s10 =	sld [smem:$0x3FB6];
	_ =	sdelay $0x3  }
0x33: {  	p0 =	seq.s32 s10, $0x1;
	s10 =	sld [smem:$0x3FB8];
	_ =	sdelay $0x3  }
0x34: {  	[smem:$0x3FB8] =	sst s10  }
0x35: {  	s10 =	sld [smem:$0x3FB7];
	_ =	sdelay $0x3  }
0x36: {  	p1 =	seq.s32 s10, $0x1;
	s10 =	sld [smem:$0x3FB8];
	_ =	sdelay $0x3  }
0x37: {  	[smem:$0x3FB8] =	sst s10  }
0x38: {  	s10 =	sld [smem:$0x3FB9]  }
0x39: {  	_ = 	snop;
	(pc) =	sbr.ind lr, $3  }
0x3a: {  	_ = 	snop  }
0x3b: {  	_ = 	snop  }
0x3c: {  	p2 =	seq.s32 s10, $0x1;
	s10 =	sld [smem:$0x3FB8]  }
0x3d: {  	_ =	shalt  }
0x3e: {  	_ =	shalt  }
0x3f: {  	_ =	shalt  }
0x40: {  	_ =	shalt  }
0x41: {  	_ =	shalt  }
0x42: {  	_ =	shalt  }
0x43: {  	_ =	shalt  }
0x44: {  	_ =	shalt  }
0x45: {  	_ =	shalt  }
0x46: {  	_ =	shalt  }
0x47: {  	_ =	shalt  }
0x48: {  	_ =	shalt  }
0x49: {  	_ =	shalt  }
0x4a: {  	_ =	shalt  }
0x4b: {  	_ =	shalt  }
0x4c: {  	_ =	shalt  }
0x4d: {  	_ =	shalt  }
0x4e: {  	_ =	shalt  }
0x4f: {  	_ =	shalt  }
0x50: {  	_ =	shalt  }
0x51: {  	_ =	shalt  }
0x52: {  	_ =	shalt  }
0x53: {  	_ =	shalt  }
0x54: {  	_ =	shalt  }
0x55: {  	_ =	shalt  }
0x56: {  	_ =	shalt  }
0x57: {  	_ =	shalt  }
0x58: {  	_ =	shalt  }
0x59: {  	_ =	shalt  }
0x5a: {  	_ =	shalt  }
0x5b: {  	_ =	shalt  }
0x5c: {  	_ =	shalt  }
0x5d: {  	_ =	shalt  }
0x5e: {  	_ =	shalt  }
0x5f: {  	_ =	shalt  }
0x60: {  	_ =	shalt  }
0x61: {  	_ =	shalt  }
0x62: {  	_ =	shalt  }
0x63: {  	_ =	shalt  }
0x64: {  	_ =	shalt  }
0x65: {  	_ =	shalt  }
0x66: {  	_ =	shalt  }
0x67: {  	_ =	shalt  }
0x68: {  	_ =	shalt  }
0x69: {  	_ =	shalt  }
0x6a: {  	_ =	shalt  }
0x6b: {  	_ =	shalt  }
0x6c: {  	_ =	shalt  }
0x6d: {  	_ =	shalt  }
0x6e: {  	_ =	shalt  }
0x6f: {  	_ =	shalt  }
0x70: {  	_ =	shalt  }
0x71: {  	_ =	shalt  }
0x72: {  	_ =	shalt  }
0x73: {  	_ =	shalt  }
0x74: {  	_ =	shalt  }
0x75: {  	_ =	shalt  }
0x76: {  	_ =	shalt  }
0x77: {  	_ =	shalt  }
0x78: {  	_ =	shalt  }
0x79: {  	_ =	shalt  }
0x7a: {  	_ =	shalt  }
0x7b: {  	_ =	shalt  }
0x7c: {  	_ =	shalt  }
0x7d: {  	_ =	shalt  }
0x7e: {  	_ =	shalt  }
0x7f: {  	_ =	shalt  }
0x80: {  	_ =	shalt  }
0x81: {  	_ =	shalt  }
0x82: {  	_ =	shalt  }
0x83: {  	_ =	shalt  }
0x84: {  	_ =	shalt  }
0x85: {  	_ =	shalt  }
0x86: {  	_ =	shalt  }
0x87: {  	_ =	shalt  }
.Lfunc_end0:
.L_simem_size_0:
called_computation_lowered:
.L_overlay_start_0:
0x88: {  	s2 =	sld [smem:$0x3FD9]  }
0x89: {  	s3 =	sld [smem:$0x3FFE];
	_ =	sdelay $0x1  }
0x8a: {  	s1 =	srdreg.scid  }
0x8b: {  	s0 =	sand.u32 $0x1, s1  }
0x8c: {  	s18 =	sshll.u32 s0, $0xA;
	s2 =	sadd.s32 s3, s2  }
0x8d: {  	s2 =	sadd.s32 s2, s18  }
0x8e: {  	[smem:$0x3FC4] =	sst s2  }
0x8f: {  	_ = 	snop  }
0x90: {  	s2 =	sld [smem:$0x3FC9]  }
0x91: {  	s19 =	sld [smem:$0x3FC8]  }
0x92: {  	s4 =	sld [smem:$0x3FC7]  }
0x93: {  	s5 =	sld [smem:$0x3FC6]  }
0x94: {  	s6 =	sld [smem:$0x3FD0];
	(tm) =	ssettm $0x1  }
0x95: {  	s7 =	sld [smem:$0x3FFB];
	_ =	sdelay $0x3  }
0x96: {  	_ =	strace s7  }
0x97: {  	s7 =	sld [smem:$0x3FFC];
	_ =	sdelay $0x3  }
0x98: {  	_ =	strace s7  }
0x99: {  	s7 =	sld [smem:$0x3FFD];
	_ =	sdelay $0x3  }
0x9a: {  	_ =	strace s7  }
0x9b: {  	_ =	strace $0x8FFFFFFF  }
0x9c: {  	s20 =	sld [smem:$0x3FDB];
	_ =	sdelay $0x1  }
0x9d: {  	s8 =	simm.s32 $_scs_section_size  }
0x9e: {  	s9 =	simm.s32 $_size__tile_overlayer_lowered;
	s10 =	simm.s32 $_tile_overlayer_lowered  }
0x9f: {  	s23 =	simm.s32 $0x1BFF;
	s22 =	sshll.u32 s10, $0x1;
	s7 =	sadd.s32 s8, s20  }
0xa0: {  	s11 =	simm.s32 $0x0;
	s21 =	sshll.u32 s9, $0x1;
	s9 =	sadd.s32 s22, s7  }
0xa1: {  	[timem:s11], [sflag:s23] =	dma.local [hbm:s9], s21  }
0xa2: {  	_ =	swait.ge [sflag:s23], s21  }
0xa3: {  	s8 =	ssub.s32 $0x0, s21;
	[sflag:s23] =	ssyncset.done $0x0  }
0xa4: {  	[sflag:s23] =	ssyncadd.s32 s8;
	_ =	sdelay $0x1  }
0xa5: {  	s24 =	simm.s32 $0x1B8B  }
0xa6: {  	_ =	swait.ge [sflag:s24], $0x1  }
0xa7: {  	[sflag:s24] =	ssyncset.done $0x0  }
0xa8: {  	s25 =	simm.s32 $0x1B8E;
	[sflag:s24] =	ssyncadd.s32 $0xFFFFFFFF  }
0xa9: {  	s26 =	simm.s32 $execute0_lowered;
	[smem:$0x3FD2] =	sst s25  }
0xaa: {  	s8 =	sshll.u32 s26, $0x1;
	_ =	strace $0x80000046;
	[dreg:$0x1] =	wrdreg $0xFFFFFFFF  }
0xab: {  	s28 =	simm.s32 $_size_execute0_lowered;
	s7 =	sadd.s32 s7, s8;
	[dreg:$0x0] =	wrdreg $0x0  }
0xac: {  	s8 =	sshll.u32 s28, $0x1;
	[dreg:$0x2] =	wrdreg s7  }
0xad: {  	[dreg:$0x3] =	wrdreg s8  }
0xae: {  	[dreg:$0x4] =	wrdreg $0xC0  }
0xaf: {  	_ =	task [dreg:s11], $0x5FFFF  }
0xb0: {  	[dreg:$0x1] =	wrdreg $0xFFFFFFFF  }
0xb1: {  	[dreg:$0x0] =	wrdreg $0x60  }
0xb2: {  	[dreg:$0x2] =	wrdreg s2  }
0xb3: {  	[dreg:$0x3] =	wrdreg s19  }
0xb4: {  	[dreg:$0x4] =	wrdreg s4  }
0xb5: {  	[dreg:$0x5] =	wrdreg s5  }
0xb6: {  	[dreg:$0x6] =	wrdreg s6  }
0xb7: {  	[dreg:$0x7] =	wrdreg $0x9  }
0xb8: {  	_ =	task.clear_ibuf [dreg:s11], $0x8FFFF;
	_ =	strace $0x90000046  }
0xb9: {  	s29 =	simm.s32 $0x9;
	_ =	strace $0x80000048  }
0xba: {  	_ =	swait.ge [sflag:s29], $0x1  }
0xbb: {  	[sflag:s29] =	ssyncadd.s32 $0xFFFFFFFF  }
0xbc: {  	_ =	strace $0x90000048  }
0xbd: {  	_ =	sfence  }
0xbe: {  	s30 =	sld [smem:$0x0];
	_ =	sdelay $0x2  }
0xbf: {  	s31 =	sshll.u32 s1, $0xD;
	s1 =	sshrl.u32 s1, $0x2  }
0xc0: {  	s3 =	sand.u32 $0x4000, s31;
	s1 =	sadd.s32 s1, s30  }
0xc1: {  	s0 =	sor.u32 s3, s0;
	s1 =	sshll.u32 s1, $0x11  }
0xc2: {  	s0 =	sor.u32 s1, s0  }
0xc3: {  	s0 =	sadd.s32 $0x8F2B, s0  }
0xc4: {  	[sflag:s0] =	ssyncadd.remote.s32 $0x1  }
0xc5: {  	_ =	sfence.sel $0xFFFF  }
0xc6: {  	[dreg:$0x0] =	wrdreg $0xFFFFFFFF;
	(pc) =	sbr.abs _section_cstart, $3  }
0xc7: {  	[dreg:$0x1] =	wrdreg $0xFFFFFFFF  }
0xc8: {  	_ =	task.clear_ibuf [dreg:s11], $0x2FFFF;
	_ =	strace $0x9FFFFFFF  }
0xc9: {  	(tm) =	ssettm $0x7FFFFFFF  }
tec
execute0_lowered:
.L_overlay_start_1:
0x0: {  	(tag) =	ssettag $0x1  }
0x1: {  	s23 =	rddreg [dreg:$0x0]  }
0x2: {  	s0 =	rddreg [dreg:$0x1]  }
0x3: {  	s1 =	rddreg [dreg:$0x2]  }
0x4: {  	s2 =	rddreg [dreg:$0x3];
	s3 =	srdreg.scid  }
0x5: {  	s7 =	rddreg [dreg:$0x4];
	s4 =	stileid.u32;
	s28 =	simm.s32 $0x4000  }
0x6: {  	s29 =	simm.s32 $0x6000;
	s5 =	sshll.u32 s4, $0x8;
	s4 =	simm.s32 $0x0  }
0x7: {  	s30 =	simm.s32 $0x8000;
	s14 =	sadd.s32 $0x10, s23;
	[smem:$0x7FF] =	sst s4  }
0x8: {  	s15 =	sadd.s32 $0x20, s23;
	_ =	strace $0x80000047;
	[dreg:$0x10] =	wrdreg s14  }
0x9: {  	s31 =	simm.s32 $0xA000;
	s17 =	sadd.s32 $0x10, s7;
	[dreg:$0x11] =	wrdreg s15  }
0xa: {  	s3 =	sand.u32 $0x1, s3;
	s18 =	sadd.s32 $0x30, s23;
	[dreg:$0x6] =	wrdreg s17  }
0xb: {  	s20 =	sadd.s32 $0x20, s7;
	s21 =	sadd.s32 $0x30, s7;
	[dreg:$0x14] =	wrdreg s18  }
0xc: {  	s24 =	sadd.s32 $0x40, s7;
	s12 =	sadd.s32 $0x50, s23;
	[dreg:$0x8] =	wrdreg s20  }
0xd: {  	s25 =	sadd.s32 $0x50, s7;
	s6 =	sshll.u32 s3, $0x7;
	[dreg:$0x9] =	wrdreg s21  }
0xe: {  	s3 =	ssub.s32 $0x2, s3;
	s8 =	sor.u32 s6, s5;
	[dreg:$0xa] =	wrdreg s24  }
0xf: {  	s26 =	sshrl.u32 s3, $0x1;
	[dreg:$0xb] =	wrdreg s25;
	s24 =	simm.s32 $0x80  }
0x10: {  	s25 =	simm.s32 $0x400;
	s21 =	simm.s32 $0x9;
	s20 =	simm.s32 $0xB  }
0x11: {  	s5 =	simm.s32 $0xC;
	s6 =	sshll.u32 s8, $0x4;
	s19 =	sor.u32 $0x8, s8  }
0x12: {  	v0 =	vlaneseq.u32;
	s17 =	simm.s32 $0xD;
	s0 =	sadd.s32 s0, s6;
	[dreg:$0x7] =	wrdreg s19  }
0x13: {  	v0 =	vmul.u32 $0x20, v0;
	s3 =	ssub.s32 s3, s26;
	s9 =	sadd.s32 s1, s6;
	[dreg:$0xc] =	wrdreg s0  }
0x14: {  	s11 =	sshll.u32 s8, $0xA;
	s10 =	sadd.s32 s2, s6;
	[dreg:$0xd] =	wrdreg s9  }
0x15: {  	v1 =	vor.u32 $0x200, v0;
	v2 =	vor.u32 $0x400, v0;
	s13 =	sadd.s32 s23, s11;
	s1 =	sadd.s32 s11, s14;
	[dreg:$0xe] =	wrdreg s10  }
0x16: {  	v3 =	vor.u32 $0x600, v0;
	v4 =	vor.u32 $0x800, v0;
	v5 =	vor.u32 $0xA00, v0;
	s16 =	sadd.s32 s11, s15;
	s2 =	sadd.s32 s11, s18;
	[dreg:$0xf] =	wrdreg s13  }
0x17: {  	v6 =	vor.u32 $0xC00, v0;
	v7 =	vor.u32 $0xE00, v0;
	v8 =	vor.u32 $0x7, v0;
	s26 =	smax.u32 s3, $0x1;
	s6 =	simm.s32 $0x1;
	[dreg:$0x12] =	wrdreg s1  }
0x18: {  	v9 =	vor.u32 $0x207, v0;
	v10 =	vor.u32 $0x407, v0;
	v11 =	vor.u32 $0x607, v0;
	s3 =	simm.s32 $0x0;
	s19 =	simm.s32 $0x4;
	[dreg:$0x13] =	wrdreg s16  }
0x19: {  	v12 =	vor.u32 $0x807, v0;
	v13 =	vor.u32 $0xA07, v0;
	v14 =	vor.u32 $0xC07, v0;
	s15 =	simm.s32 $0x6;
	[dreg:$0x15] =	wrdreg s2;
	s9 =	sadd.s32 $0x40, s23  }
0x1a: {  	v15 =	vor.u32 $0xE07, v0;
	v16 =	vor.u32 $0xF, v0;
	v17 =	vor.u32 $0x20F, v0;
	s0 =	sadd.s32 s11, s12;
	[dreg:$0x18] =	wrdreg s26;
	s26 =	simm.s32 $0x2000  }
0x1b: {  	v18 =	vor.u32 $0x40F, v0;
	v19 =	vor.u32 $0x60F, v0;
	v20 =	vor.u32 $0x80F, v0;
	s2 =	simm.s32 $0xC000;
	s22 =	sadd.s32 s11, s9;
	[dreg:$0x17] =	wrdreg s0  }
0x1c: {  	v21 =	vor.u32 $0xA0F, v0;
	v22 =	vor.u32 $0xC0F, v0;
	v23 =	vor.u32 $0xE0F, v0;
	s13 =	simm.s32 $0x2;
	[dreg:$0x16] =	wrdreg s22;
	s22 =	simm.s32 $0xE000  }
.LBB2_1:
0x1d: {  	[dreg:$0x19] =	wrdreg s3  }
0x1e: {  	s0 =	rddreg [dreg:$0xc];
	s10 =	simm.s32 $0x10000  }
0x1f: {  	[tilespmem:s10], [sflag:$0x11] =	stream.linear.gather [hbm4b:s0+s4], $0x4000, $0x38;
	[tilespmem:$0x1C000] =	vst v63  }
0x20: {  	s11 =	rddreg [dreg:$0xd];
	s14 =	simm.s32 $0x14000  }
0x21: {  	[tilespmem:s14], [sflag:$0x11] =	stream.linear.gather [hbm4b:s11+s4], $0x4000, $0x38;
	[tilespmem:$0x1C000] =	vst v63  }
0x22: {  	s16 =	rddreg [dreg:$0xe];
	s18 =	simm.s32 $0x18000  }
0x23: {  	[tilespmem:s18], [sflag:$0x11] =	stream.linear.gather [hbm4b:s16+s4], $0x4000, $0x38;
	[tilespmem:$0x1C000] =	vst v63  }
0x24: {  	s1 =	rddreg [dreg:$0xf]  }
0x25: {  	[tilespmem:s4], [sflag:$0x1] =	stream.strided.gather [hbm4b:s1+s24], $0x2000, s25, s24, $0x38;
	[tilespmem:$0x1C000] =	vst v63  }
0x26: {  	s3 =	rddreg [dreg:$0x12]  }
0x27: {  	[tilespmem:s26], [sflag:$0x2] =	stream.strided.gather [hbm4b:s3+s24], $0x2000, s25, s24, $0x38;
	[tilespmem:$0x1C000] =	vst v63  }
0x28: {  	s10 =	rddreg [dreg:$0x13]  }
0x29: {  	[tilespmem:s28], [sflag:$0x3] =	stream.strided.gather [hbm4b:s10+s24], $0x2000, s25, s24, $0x38;
	[tilespmem:$0x1C000] =	vst v63  }
0x2a: {  	s11 =	rddreg [dreg:$0x15]  }
0x2b: {  	[tilespmem:s29], [sflag:$0x4] =	stream.strided.gather [hbm4b:s11+s24], $0x2000, s25, s24, $0x38;
	[tilespmem:$0x1C000] =	vst v63  }
0x2c: {  	s14 =	rddreg [dreg:$0x16]  }
0x2d: {  	[tilespmem:s30], [sflag:$0x5] =	stream.strided.gather [hbm4b:s14+s24], $0x2000, s25, s24, $0x38;
	[tilespmem:$0x1C000] =	vst v63  }
0x2e: {  	s16 =	rddreg [dreg:$0x17];
	s18 =	simm.s32 $0x11  }
0x2f: {  	[tilespmem:s31], [sflag:$0x6] =	stream.strided.gather [hbm4b:s16+s24], $0x2000, s25, s24, $0x38;
	[tilespmem:$0x1C000] =	vst v63  }
0x30: {  	_ =	swait.ge [sflag:s18], $0x4000  }
0x31: {  	[sflag:s18] =	ssyncset.done $0x0  }
0x32: {  	[sflag:s18] =	ssyncadd.s32 $0xFFFFC000  }
0x33: {  	_ =	swait.ge [sflag:s18], $0x4000  }
0x34: {  	[sflag:s18] =	ssyncset.done $0x0  }
0x35: {  	[sflag:s18] =	ssyncadd.s32 $0xFFFFC000  }
0x36: {  	_ =	swait.ge [sflag:s18], $0x4000  }
0x37: {  	[sflag:s18] =	ssyncset.done $0x0  }
0x38: {  	s1 =	simm.s32 $0x5;
	s10 =	simm.s32 $0x0;
	[sflag:s18] =	ssyncadd.s32 $0xFFFFC000  }
.LBB2_2:
0x39: {  	s0 =	sshll.u32 s10, $0x3;
	p0 =	seq.s32 s10, $0x0  }
0x3a: {  	s3 =	simm.s32 @!p0 $0xF;
	s11 =	sor.u32 s8, s0  }
0x3b: {  	_ =	swait.ge @!p0 [sflag:s3], $0x2000;
	s18 =	sshll.u32 s11, $0xA  }
0x3c: {  	[sflag:s3] =	ssyncset.done @!p0 $0x0;
	s14 =	sor.u32 $0x60, s18  }
0x3d: {  	[sflag:s3] =	ssyncadd.s32 @!p0 $0xFFFFE000;
	s11 =	sadd.s32 s23, s14  }
0x3e: {  	[tilespmem:s2], [sflag:$0x7] =	stream.strided.gather [hbm4b:s11+s24], $0x2000, s25, s24, $0x38;
	[tilespmem:$0x1C000] =	vst v63  }
0x3f: {  	_ =	swait.ge [sflag:s6], $0x2000  }
0x40: {  	[sflag:s6] =	ssyncset.done $0x0  }
0x41: {  	s11 =	sshll.u32 s10, $0xA;
	[sflag:s6] =	ssyncadd.s32 $0xFFFFE000  }
0x42: {  	v24 =	vld [tilespmem:s11+$0x10000];
	_ =	sdelay $0x4  }
0x43: {  	[tilespmem:v0+s4+$0x0] =	vst.idx.add.f32.msk $0xffff, v24  }
0x44: {  	v24 =	vld [tilespmem:s11+$0x10010];
	_ =	sdelay $0x4  }
0x45: {  	[tilespmem:v1+s4+$0x0] =	vst.idx.add.f32.msk $0xffff, v24  }
0x46: {  	v24 =	vld [tilespmem:s11+$0x10020];
	_ =	sdelay $0x4  }
0x47: {  	[tilespmem:v2+s4+$0x0] =	vst.idx.add.f32.msk $0xffff, v24  }
0x48: {  	v24 =	vld [tilespmem:s11+$0x10030];
	_ =	sdelay $0x4  }
0x49: {  	[tilespmem:v3+s4+$0x0] =	vst.idx.add.f32.msk $0xffff, v24  }
0x4a: {  	v24 =	vld [tilespmem:s11+$0x10040];
	_ =	sdelay $0x4  }
0x4b: {  	[tilespmem:v4+s4+$0x0] =	vst.idx.add.f32.msk $0xffff, v24  }
0x4c: {  	v24 =	vld [tilespmem:s11+$0x10050];
	_ =	sdelay $0x4  }
0x4d: {  	[tilespmem:v5+s4+$0x0] =	vst.idx.add.f32.msk $0xffff, v24  }
0x4e: {  	v24 =	vld [tilespmem:s11+$0x10060];
	_ =	sdelay $0x4  }
0x4f: {  	[tilespmem:v6+s4+$0x0] =	vst.idx.add.f32.msk $0xffff, v24  }
0x50: {  	v24 =	vld [tilespmem:s11+$0x10070];
	_ =	sdelay $0x4  }
0x51: {  	[tilespmem:v7+s4+$0x0] =	vst.idx.add.f32.msk $0xffff, v24  }
0x52: {  	v24 =	vld [tilespmem:s11+$0x14000];
	_ =	sdelay $0x4  }
0x53: {  	[tilespmem:v8+s4+$0x0] =	vst.idx.add.f32.msk $0xffff, v24  }
0x54: {  	v24 =	vld [tilespmem:s11+$0x14010];
	_ =	sdelay $0x4  }
0x55: {  	[tilespmem:v9+s4+$0x0] =	vst.idx.add.f32.msk $0xffff, v24  }
0x56: {  	v24 =	vld [tilespmem:s11+$0x14020];
	_ =	sdelay $0x4  }
0x57: {  	[tilespmem:v10+s4+$0x0] =	vst.idx.add.f32.msk $0xffff, v24  }
0x58: {  	v24 =	vld [tilespmem:s11+$0x14030];
	_ =	sdelay $0x4  }
0x59: {  	[tilespmem:v11+s4+$0x0] =	vst.idx.add.f32.msk $0xffff, v24  }
0x5a: {  	v24 =	vld [tilespmem:s11+$0x14040];
	_ =	sdelay $0x4  }
0x5b: {  	[tilespmem:v12+s4+$0x0] =	vst.idx.add.f32.msk $0xffff, v24  }
0x5c: {  	v24 =	vld [tilespmem:s11+$0x14050];
	_ =	sdelay $0x4  }
0x5d: {  	[tilespmem:v13+s4+$0x0] =	vst.idx.add.f32.msk $0xffff, v24  }
0x5e: {  	v24 =	vld [tilespmem:s11+$0x14060];
	_ =	sdelay $0x4  }
0x5f: {  	[tilespmem:v14+s4+$0x0] =	vst.idx.add.f32.msk $0xffff, v24  }
0x60: {  	v24 =	vld [tilespmem:s11+$0x14070];
	_ =	sdelay $0x4  }
0x61: {  	[tilespmem:v15+s4+$0x0] =	vst.idx.add.f32.msk $0xffff, v24  }
0x62: {  	v24 =	vld [tilespmem:s11+$0x18000];
	_ =	sdelay $0x4  }
0x63: {  	[tilespmem:v16+s4+$0x0] =	vst.idx.add.f32.msk $0xffff, v24  }
0x64: {  	v24 =	vld [tilespmem:s11+$0x18010];
	_ =	sdelay $0x4  }
0x65: {  	[tilespmem:v17+s4+$0x0] =	vst.idx.add.f32.msk $0xffff, v24  }
0x66: {  	v24 =	vld [tilespmem:s11+$0x18020];
	_ =	sdelay $0x4  }
0x67: {  	[tilespmem:v18+s4+$0x0] =	vst.idx.add.f32.msk $0xffff, v24  }
0x68: {  	v24 =	vld [tilespmem:s11+$0x18030];
	_ =	sdelay $0x4  }
0x69: {  	[tilespmem:v19+s4+$0x0] =	vst.idx.add.f32.msk $0xffff, v24  }
0x6a: {  	v24 =	vld [tilespmem:s11+$0x18040];
	_ =	sdelay $0x4  }
0x6b: {  	[tilespmem:v20+s4+$0x0] =	vst.idx.add.f32.msk $0xffff, v24  }
0x6c: {  	v24 =	vld [tilespmem:s11+$0x18050];
	_ =	sdelay $0x4  }
0x6d: {  	[tilespmem:v21+s4+$0x0] =	vst.idx.add.f32.msk $0xffff, v24  }
0x6e: {  	v24 =	vld [tilespmem:s11+$0x18060];
	_ =	sdelay $0x4  }
0x6f: {  	[tilespmem:v22+s4+$0x0] =	vst.idx.add.f32.msk $0xffff, v24  }
0x70: {  	v24 =	vld [tilespmem:s11+$0x18070];
	_ =	sdelay $0x4  }
0x71: {  	s16 =	sadd.s32 s7, s18;
	s3 =	simm.s32 @!p0 $0x10;
	[tilespmem:v23+s4+$0x0] =	vst.idx.add.f32.msk $0xffff, v24  }
0x72: {  	[hbm4b:s16+s24] =	stream.strided.scatter [tilespmem:s4], [sflag:$0x9], $0x2000, s25, s24, $0x38;
	[tilespmem:$0x1C000] =	vst v63  }
0x73: {  	_ =	swait.ge @!p0 [sflag:s3], $0x2000  }
0x74: {  	s16 =	sor.u32 $0x70, s18;
	[sflag:s3] =	ssyncset.done @!p0 $0x0  }
0x75: {  	s6 =	sadd.s32 s23, s16;
	[sflag:s3] =	ssyncadd.s32 @!p0 $0xFFFFE000  }
0x76: {  	[tilespmem:s22], [sflag:$0x8] =	stream.strided.gather [hbm4b:s6+s24], $0x2000, s25, s24, $0x38;
	[tilespmem:$0x1C000] =	vst v63  }
0x77: {  	_ =	swait.ge [sflag:s13], $0x2000  }
0x78: {  	[sflag:s13] =	ssyncset.done $0x0  }
0x79: {  	[sflag:s13] =	ssyncadd.s32 $0xFFFFE000  }
0x7a: {  	v57 =	vld [tilespmem:s11+$0x10080];
	_ =	sdelay $0x4  }
0x7b: {  	[tilespmem:v0+s26+$0x0] =	vst.idx.add.f32.msk $0xffff, v57  }
0x7c: {  	v24 =	vld [tilespmem:s11+$0x10090];
	_ =	sdelay $0x4  }
0x7d: {  	[tilespmem:v1+s26+$0x0] =	vst.idx.add.f32.msk $0xffff, v24  }
0x7e: {  	v24 =	vld [tilespmem:s11+$0x100A0];
	_ =	sdelay $0x4  }
0x7f: {  	[tilespmem:v2+s26+$0x0] =	vst.idx.add.f32.msk $0xffff, v24  }
0x80: {  	v24 =	vld [tilespmem:s11+$0x100B0];
	_ =	sdelay $0x4  }
0x81: {  	[tilespmem:v3+s26+$0x0] =	vst.idx.add.f32.msk $0xffff, v24  }
0x82: {  	v24 =	vld [tilespmem:s11+$0x100C0];
	_ =	sdelay $0x4  }
0x83: {  	[tilespmem:v4+s26+$0x0] =	vst.idx.add.f32.msk $0xffff, v24  }
0x84: {  	v24 =	vld [tilespmem:s11+$0x100D0];
	_ =	sdelay $0x4  }
0x85: {  	[tilespmem:v5+s26+$0x0] =	vst.idx.add.f32.msk $0xffff, v24  }
0x86: {  	v24 =	vld [tilespmem:s11+$0x100E0];
	_ =	sdelay $0x4  }
0x87: {  	[tilespmem:v6+s26+$0x0] =	vst.idx.add.f32.msk $0xffff, v24  }
0x88: {  	v24 =	vld [tilespmem:s11+$0x100F0];
	_ =	sdelay $0x4  }
0x89: {  	[tilespmem:v7+s26+$0x0] =	vst.idx.add.f32.msk $0xffff, v24  }
0x8a: {  	v24 =	vld [tilespmem:s11+$0x14080];
	_ =	sdelay $0x4  }
0x8b: {  	[tilespmem:v8+s26+$0x0] =	vst.idx.add.f32.msk $0xffff, v24  }
0x8c: {  	v24 =	vld [tilespmem:s11+$0x14090];
	_ =	sdelay $0x4  }
0x8d: {  	[tilespmem:v9+s26+$0x0] =	vst.idx.add.f32.msk $0xffff, v24  }
0x8e: {  	v24 =	vld [tilespmem:s11+$0x140A0];
	_ =	sdelay $0x4  }
0x8f: {  	[tilespmem:v10+s26+$0x0] =	vst.idx.add.f32.msk $0xffff, v24  }
0x90: {  	v24 =	vld [tilespmem:s11+$0x140B0];
	_ =	sdelay $0x4  }
0x91: {  	[tilespmem:v11+s26+$0x0] =	vst.idx.add.f32.msk $0xffff, v24  }
0x92: {  	v24 =	vld [tilespmem:s11+$0x140C0];
	_ =	sdelay $0x4  }
0x93: {  	[tilespmem:v12+s26+$0x0] =	vst.idx.add.f32.msk $0xffff, v24  }
0x94: {  	v24 =	vld [tilespmem:s11+$0x140D0];
	_ =	sdelay $0x4  }
0x95: {  	[tilespmem:v13+s26+$0x0] =	vst.idx.add.f32.msk $0xffff, v24  }
0x96: {  	v24 =	vld [tilespmem:s11+$0x140E0];
	_ =	sdelay $0x4  }
0x97: {  	[tilespmem:v14+s26+$0x0] =	vst.idx.add.f32.msk $0xffff, v24  }
0x98: {  	v24 =	vld [tilespmem:s11+$0x140F0];
	_ =	sdelay $0x4  }
0x99: {  	[tilespmem:v15+s26+$0x0] =	vst.idx.add.f32.msk $0xffff, v24  }
0x9a: {  	v24 =	vld [tilespmem:s11+$0x18080];
	_ =	sdelay $0x4  }
0x9b: {  	[tilespmem:v16+s26+$0x0] =	vst.idx.add.f32.msk $0xffff, v24  }
0x9c: {  	v24 =	vld [tilespmem:s11+$0x18090];
	_ =	sdelay $0x4  }
0x9d: {  	[tilespmem:v17+s26+$0x0] =	vst.idx.add.f32.msk $0xffff, v24  }
0x9e: {  	v24 =	vld [tilespmem:s11+$0x180A0];
	_ =	sdelay $0x4  }
0x9f: {  	[tilespmem:v18+s26+$0x0] =	vst.idx.add.f32.msk $0xffff, v24  }
0xa0: {  	v24 =	vld [tilespmem:s11+$0x180B0];
	_ =	sdelay $0x4  }
0xa1: {  	[tilespmem:v19+s26+$0x0] =	vst.idx.add.f32.msk $0xffff, v24  }
0xa2: {  	v24 =	vld [tilespmem:s11+$0x180C0];
	_ =	sdelay $0x4  }
0xa3: {  	[tilespmem:v20+s26+$0x0] =	vst.idx.add.f32.msk $0xffff, v24  }
0xa4: {  	v24 =	vld [tilespmem:s11+$0x180D0];
	_ =	sdelay $0x4  }
0xa5: {  	[tilespmem:v21+s26+$0x0] =	vst.idx.add.f32.msk $0xffff, v24  }
0xa6: {  	v24 =	vld [tilespmem:s11+$0x180E0];
	_ =	sdelay $0x4  }
0xa7: {  	[tilespmem:v22+s26+$0x0] =	vst.idx.add.f32.msk $0xffff, v24  }
0xa8: {  	v24 =	vld [tilespmem:s11+$0x180F0];
	_ =	sdelay $0x3  }
0xa9: {  	s6 =	rddreg [dreg:$0x6]  }
0xaa: {  	s3 =	sadd.s32 s18, s6;
	[tilespmem:v23+s26+$0x0] =	vst.idx.add.f32.msk $0xffff, v24  }
0xab: {  	[hbm4b:s3+s24] =	stream.strided.scatter [tilespmem:s26], [sflag:$0xA], $0x2000, s25, s24, $0x38;
	[tilespmem:$0x1C000] =	vst v63  }
0xac: {  	p0 =	seq.s32 s10, $0xF;
	_ =	swait.ge [sflag:s21], $0x2000  }
0xad: {  	s13 =	simm.s32 $0x9;
	s3 =	rddreg [dreg:$0x7];
	[sflag:s21] =	ssyncset.done $0x0  }
0xae: {  	s6 =	simm.s32 @!p0 $0x0;
	s0 =	sadd.s32 @!p0 s0, s3;
	[sflag:s13] =	ssyncadd.s32 $0xFFFFE000  }
0xaf: {  	s13 =	smov.u32 s12;
	s12 =	smov.u32 s9;
	s9 =	smov.u32 s8  }
0xb0: {  	s8 =	smov.u32 s7;
	s7 =	smov.u32 s23;
	s21 =	sshll.u32 @!p0 s0, $0xA  }
0xb1: {  	s3 =	simm.s32 @!p0 $0x400;
	s0 =	simm.s32 @!p0 $0x80;
	s23 =	sadd.s32 @!p0 s23, s21  }
0xb2: {  	[tilespmem:s6], [sflag:$0x1] =	stream.strided.gather @!p0 [hbm4b:s23+s0], $0x2000, s3, s0, $0x38;
	[tilespmem:$0x1C000] =	vst v63  }
0xb3: {  	s23 =	simm.s32 $0x3  }
0xb4: {  	_ =	swait.ge [sflag:s23], $0x2000  }
0xb5: {  	[sflag:s23] =	ssyncset.done $0x0  }
0xb6: {  	[sflag:s23] =	ssyncadd.s32 $0xFFFFE000  }
0xb7: {  	v58 =	vld [tilespmem:s11+$0x10100];
	_ =	sdelay $0x4  }
0xb8: {  	[tilespmem:v0+s28+$0x0] =	vst.idx.add.f32.msk $0xffff, v58  }
0xb9: {  	v24 =	vld [tilespmem:s11+$0x10110];
	_ =	sdelay $0x4  }
0xba: {  	[tilespmem:v1+s28+$0x0] =	vst.idx.add.f32.msk $0xffff, v24  }
0xbb: {  	v24 =	vld [tilespmem:s11+$0x10120];
	_ =	sdelay $0x4  }
0xbc: {  	[tilespmem:v2+s28+$0x0] =	vst.idx.add.f32.msk $0xffff, v24  }
0xbd: {  	v24 =	vld [tilespmem:s11+$0x10130];
	_ =	sdelay $0x4  }
0xbe: {  	[tilespmem:v3+s28+$0x0] =	vst.idx.add.f32.msk $0xffff, v24  }
0xbf: {  	v24 =	vld [tilespmem:s11+$0x10140];
	_ =	sdelay $0x4  }
0xc0: {  	[tilespmem:v4+s28+$0x0] =	vst.idx.add.f32.msk $0xffff, v24  }
0xc1: {  	v24 =	vld [tilespmem:s11+$0x10150];
	_ =	sdelay $0x4  }
0xc2: {  	[tilespmem:v5+s28+$0x0] =	vst.idx.add.f32.msk $0xffff, v24  }
0xc3: {  	v24 =	vld [tilespmem:s11+$0x10160];
	_ =	sdelay $0x4  }
0xc4: {  	[tilespmem:v6+s28+$0x0] =	vst.idx.add.f32.msk $0xffff, v24  }
0xc5: {  	v24 =	vld [tilespmem:s11+$0x10170];
	_ =	sdelay $0x4  }
0xc6: {  	[tilespmem:v7+s28+$0x0] =	vst.idx.add.f32.msk $0xffff, v24  }
0xc7: {  	v24 =	vld [tilespmem:s11+$0x14100];
	_ =	sdelay $0x4  }
0xc8: {  	[tilespmem:v8+s28+$0x0] =	vst.idx.add.f32.msk $0xffff, v24  }
0xc9: {  	v24 =	vld [tilespmem:s11+$0x14110];
	_ =	sdelay $0x4  }
0xca: {  	[tilespmem:v9+s28+$0x0] =	vst.idx.add.f32.msk $0xffff, v24  }
0xcb: {  	v24 =	vld [tilespmem:s11+$0x14120];
	_ =	sdelay $0x4  }
0xcc: {  	[tilespmem:v10+s28+$0x0] =	vst.idx.add.f32.msk $0xffff, v24  }
0xcd: {  	v24 =	vld [tilespmem:s11+$0x14130];
	_ =	sdelay $0x4  }
0xce: {  	[tilespmem:v11+s28+$0x0] =	vst.idx.add.f32.msk $0xffff, v24  }
0xcf: {  	v24 =	vld [tilespmem:s11+$0x14140];
	_ =	sdelay $0x4  }
0xd0: {  	[tilespmem:v12+s28+$0x0] =	vst.idx.add.f32.msk $0xffff, v24  }
0xd1: {  	v24 =	vld [tilespmem:s11+$0x14150];
	_ =	sdelay $0x4  }
0xd2: {  	[tilespmem:v13+s28+$0x0] =	vst.idx.add.f32.msk $0xffff, v24  }
0xd3: {  	v24 =	vld [tilespmem:s11+$0x14160];
	_ =	sdelay $0x4  }
0xd4: {  	[tilespmem:v14+s28+$0x0] =	vst.idx.add.f32.msk $0xffff, v24  }
0xd5: {  	v24 =	vld [tilespmem:s11+$0x14170];
	_ =	sdelay $0x4  }
0xd6: {  	[tilespmem:v15+s28+$0x0] =	vst.idx.add.f32.msk $0xffff, v24  }
0xd7: {  	v24 =	vld [tilespmem:s11+$0x18100];
	_ =	sdelay $0x4  }
0xd8: {  	[tilespmem:v16+s28+$0x0] =	vst.idx.add.f32.msk $0xffff, v24  }
0xd9: {  	v24 =	vld [tilespmem:s11+$0x18110];
	_ =	sdelay $0x4  }
0xda: {  	[tilespmem:v17+s28+$0x0] =	vst.idx.add.f32.msk $0xffff, v24  }
0xdb: {  	v24 =	vld [tilespmem:s11+$0x18120];
	_ =	sdelay $0x4  }
0xdc: {  	[tilespmem:v18+s28+$0x0] =	vst.idx.add.f32.msk $0xffff, v24  }
0xdd: {  	v24 =	vld [tilespmem:s11+$0x18130];
	_ =	sdelay $0x4  }
0xde: {  	[tilespmem:v19+s28+$0x0] =	vst.idx.add.f32.msk $0xffff, v24  }
0xdf: {  	v24 =	vld [tilespmem:s11+$0x18140];
	_ =	sdelay $0x4  }
0xe0: {  	[tilespmem:v20+s28+$0x0] =	vst.idx.add.f32.msk $0xffff, v24  }
0xe1: {  	v24 =	vld [tilespmem:s11+$0x18150];
	_ =	sdelay $0x4  }
0xe2: {  	[tilespmem:v21+s28+$0x0] =	vst.idx.add.f32.msk $0xffff, v24  }
0xe3: {  	v24 =	vld [tilespmem:s11+$0x18160];
	_ =	sdelay $0x4  }
0xe4: {  	[tilespmem:v22+s28+$0x0] =	vst.idx.add.f32.msk $0xffff, v24  }
0xe5: {  	v24 =	vld [tilespmem:s11+$0x18170];
	_ =	sdelay $0x3  }
0xe6: {  	s23 =	rddreg [dreg:$0x8]  }
0xe7: {  	s6 =	sadd.s32 s18, s23;
	s23 =	simm.s32 $0xA;
	[tilespmem:v23+s28+$0x0] =	vst.idx.add.f32.msk $0xffff, v24  }
0xe8: {  	[hbm4b:s6+s24] =	stream.strided.scatter [tilespmem:s28], [sflag:$0xB], $0x2000, s25, s24, $0x38;
	[tilespmem:$0x1C000] =	vst v63  }
0xe9: {  	_ =	swait.ge [sflag:s23], $0x2000  }
0xea: {  	s21 =	sand.u32 @!p0 $0x7FE000, s21;
	[sflag:s23] =	ssyncset.done $0x0;
	s6 =	rddreg [dreg:$0x10]  }
0xeb: {  	[sflag:s23] =	ssyncadd.s32 $0xFFFFE000;
	s6 =	sadd.s32 @!p0 s21, s6;
	s23 =	simm.s32 @!p0 $0x2000  }
0xec: {  	[tilespmem:s23], [sflag:$0x2] =	stream.strided.gather @!p0 [hbm4b:s6+s0], $0x2000, s3, s0, $0x38;
	[tilespmem:$0x1C000] =	vst v63  }
0xed: {  	_ =	swait.ge [sflag:s19], $0x2000  }
0xee: {  	[sflag:s19] =	ssyncset.done $0x0  }
0xef: {  	[sflag:s19] =	ssyncadd.s32 $0xFFFFE000  }
0xf0: {  	v59 =	vld [tilespmem:s11+$0x10180];
	_ =	sdelay $0x4  }
0xf1: {  	[tilespmem:v0+s29+$0x0] =	vst.idx.add.f32.msk $0xffff, v59  }
0xf2: {  	v24 =	vld [tilespmem:s11+$0x10190];
	_ =	sdelay $0x4  }
0xf3: {  	[tilespmem:v1+s29+$0x0] =	vst.idx.add.f32.msk $0xffff, v24  }
0xf4: {  	v24 =	vld [tilespmem:s11+$0x101A0];
	_ =	sdelay $0x4  }
0xf5: {  	[tilespmem:v2+s29+$0x0] =	vst.idx.add.f32.msk $0xffff, v24  }
0xf6: {  	v24 =	vld [tilespmem:s11+$0x101B0];
	_ =	sdelay $0x4  }
0xf7: {  	[tilespmem:v3+s29+$0x0] =	vst.idx.add.f32.msk $0xffff, v24  }
0xf8: {  	v24 =	vld [tilespmem:s11+$0x101C0];
	_ =	sdelay $0x4  }
0xf9: {  	[tilespmem:v4+s29+$0x0] =	vst.idx.add.f32.msk $0xffff, v24  }
0xfa: {  	v24 =	vld [tilespmem:s11+$0x101D0];
	_ =	sdelay $0x4  }
0xfb: {  	[tilespmem:v5+s29+$0x0] =	vst.idx.add.f32.msk $0xffff, v24  }
0xfc: {  	v24 =	vld [tilespmem:s11+$0x101E0];
	_ =	sdelay $0x4  }
0xfd: {  	[tilespmem:v6+s29+$0x0] =	vst.idx.add.f32.msk $0xffff, v24  }
0xfe: {  	v24 =	vld [tilespmem:s11+$0x101F0];
	_ =	sdelay $0x4  }
0xff: {  	[tilespmem:v7+s29+$0x0] =	vst.idx.add.f32.msk $0xffff, v24  }
0x100: {  	v24 =	vld [tilespmem:s11+$0x14180];
	_ =	sdelay $0x4  }
0x101: {  	[tilespmem:v8+s29+$0x0] =	vst.idx.add.f32.msk $0xffff, v24  }
0x102: {  	v24 =	vld [tilespmem:s11+$0x14190];
	_ =	sdelay $0x4  }
0x103: {  	[tilespmem:v9+s29+$0x0] =	vst.idx.add.f32.msk $0xffff, v24  }
0x104: {  	v24 =	vld [tilespmem:s11+$0x141A0];
	_ =	sdelay $0x4  }
0x105: {  	[tilespmem:v10+s29+$0x0] =	vst.idx.add.f32.msk $0xffff, v24  }
0x106: {  	v24 =	vld [tilespmem:s11+$0x141B0];
	_ =	sdelay $0x4  }
0x107: {  	[tilespmem:v11+s29+$0x0] =	vst.idx.add.f32.msk $0xffff, v24  }
0x108: {  	v24 =	vld [tilespmem:s11+$0x141C0];
	_ =	sdelay $0x4  }
0x109: {  	[tilespmem:v12+s29+$0x0] =	vst.idx.add.f32.msk $0xffff, v24  }
0x10a: {  	v24 =	vld [tilespmem:s11+$0x141D0];
	_ =	sdelay $0x4  }
0x10b: {  	[tilespmem:v13+s29+$0x0] =	vst.idx.add.f32.msk $0xffff, v24  }
0x10c: {  	v24 =	vld [tilespmem:s11+$0x141E0];
	_ =	sdelay $0x4  }
0x10d: {  	[tilespmem:v14+s29+$0x0] =	vst.idx.add.f32.msk $0xffff, v24  }
0x10e: {  	v24 =	vld [tilespmem:s11+$0x141F0];
	_ =	sdelay $0x4  }
0x10f: {  	[tilespmem:v15+s29+$0x0] =	vst.idx.add.f32.msk $0xffff, v24  }
0x110: {  	v24 =	vld [tilespmem:s11+$0x18180];
	_ =	sdelay $0x4  }
0x111: {  	[tilespmem:v16+s29+$0x0] =	vst.idx.add.f32.msk $0xffff, v24  }
0x112: {  	v24 =	vld [tilespmem:s11+$0x18190];
	_ =	sdelay $0x4  }
0x113: {  	[tilespmem:v17+s29+$0x0] =	vst.idx.add.f32.msk $0xffff, v24  }
0x114: {  	v24 =	vld [tilespmem:s11+$0x181A0];
	_ =	sdelay $0x4  }
0x115: {  	[tilespmem:v18+s29+$0x0] =	vst.idx.add.f32.msk $0xffff, v24  }
0x116: {  	v24 =	vld [tilespmem:s11+$0x181B0];
	_ =	sdelay $0x4  }
0x117: {  	[tilespmem:v19+s29+$0x0] =	vst.idx.add.f32.msk $0xffff, v24  }
0x118: {  	v24 =	vld [tilespmem:s11+$0x181C0];
	_ =	sdelay $0x4  }
0x119: {  	[tilespmem:v20+s29+$0x0] =	vst.idx.add.f32.msk $0xffff, v24  }
0x11a: {  	v24 =	vld [tilespmem:s11+$0x181D0];
	_ =	sdelay $0x4  }
0x11b: {  	[tilespmem:v21+s29+$0x0] =	vst.idx.add.f32.msk $0xffff, v24  }
0x11c: {  	v24 =	vld [tilespmem:s11+$0x181E0];
	_ =	sdelay $0x4  }
0x11d: {  	[tilespmem:v22+s29+$0x0] =	vst.idx.add.f32.msk $0xffff, v24  }
0x11e: {  	v24 =	vld [tilespmem:s11+$0x181F0];
	_ =	sdelay $0x3  }
0x11f: {  	s23 =	rddreg [dreg:$0x9]  }
0x120: {  	s6 =	sadd.s32 s18, s23;
	[tilespmem:v23+s29+$0x0] =	vst.idx.add.f32.msk $0xffff, v24  }
0x121: {  	[hbm4b:s6+s24] =	stream.strided.scatter [tilespmem:s29], [sflag:$0xC], $0x2000, s25, s24, $0x38;
	[tilespmem:$0x1C000] =	vst v63  }
0x122: {  	_ =	swait.ge [sflag:s20], $0x2000  }
0x123: {  	[sflag:s20] =	ssyncset.done $0x0;
	s6 =	rddreg [dreg:$0x11]  }
0x124: {  	s23 =	simm.s32 @!p0 $0x4000;
	[sflag:s20] =	ssyncadd.s32 $0xFFFFE000;
	s6 =	sadd.s32 @!p0 s21, s6  }
0x125: {  	[tilespmem:s23], [sflag:$0x3] =	stream.strided.gather @!p0 [hbm4b:s6+s0], $0x2000, s3, s0, $0x38;
	[tilespmem:$0x1C000] =	vst v63  }
0x126: {  	_ =	swait.ge [sflag:s1], $0x2000  }
0x127: {  	[sflag:s1] =	ssyncset.done $0x0  }
0x128: {  	[sflag:s1] =	ssyncadd.s32 $0xFFFFE000  }
0x129: {  	v60 =	vld [tilespmem:s11+$0x10200];
	_ =	sdelay $0x4  }
0x12a: {  	[tilespmem:v0+s30+$0x0] =	vst.idx.add.f32.msk $0xffff, v60  }
0x12b: {  	v24 =	vld [tilespmem:s11+$0x10210];
	_ =	sdelay $0x4  }
0x12c: {  	[tilespmem:v1+s30+$0x0] =	vst.idx.add.f32.msk $0xffff, v24  }
0x12d: {  	v24 =	vld [tilespmem:s11+$0x10220];
	_ =	sdelay $0x4  }
0x12e: {  	[tilespmem:v2+s30+$0x0] =	vst.idx.add.f32.msk $0xffff, v24  }
0x12f: {  	v24 =	vld [tilespmem:s11+$0x10230];
	_ =	sdelay $0x4  }
0x130: {  	[tilespmem:v3+s30+$0x0] =	vst.idx.add.f32.msk $0xffff, v24  }
0x131: {  	v24 =	vld [tilespmem:s11+$0x10240];
	_ =	sdelay $0x4  }
0x132: {  	[tilespmem:v4+s30+$0x0] =	vst.idx.add.f32.msk $0xffff, v24  }
0x133: {  	v24 =	vld [tilespmem:s11+$0x10250];
	_ =	sdelay $0x4  }
0x134: {  	[tilespmem:v5+s30+$0x0] =	vst.idx.add.f32.msk $0xffff, v24  }
0x135: {  	v24 =	vld [tilespmem:s11+$0x10260];
	_ =	sdelay $0x4  }
0x136: {  	[tilespmem:v6+s30+$0x0] =	vst.idx.add.f32.msk $0xffff, v24  }
0x137: {  	v24 =	vld [tilespmem:s11+$0x10270];
	_ =	sdelay $0x4  }
0x138: {  	[tilespmem:v7+s30+$0x0] =	vst.idx.add.f32.msk $0xffff, v24  }
0x139: {  	v24 =	vld [tilespmem:s11+$0x14200];
	_ =	sdelay $0x4  }
0x13a: {  	[tilespmem:v8+s30+$0x0] =	vst.idx.add.f32.msk $0xffff, v24  }
0x13b: {  	v24 =	vld [tilespmem:s11+$0x14210];
	_ =	sdelay $0x4  }
0x13c: {  	[tilespmem:v9+s30+$0x0] =	vst.idx.add.f32.msk $0xffff, v24  }
0x13d: {  	v24 =	vld [tilespmem:s11+$0x14220];
	_ =	sdelay $0x4  }
0x13e: {  	[tilespmem:v10+s30+$0x0] =	vst.idx.add.f32.msk $0xffff, v24  }
0x13f: {  	v24 =	vld [tilespmem:s11+$0x14230];
	_ =	sdelay $0x4  }
0x140: {  	[tilespmem:v11+s30+$0x0] =	vst.idx.add.f32.msk $0xffff, v24  }
0x141: {  	v24 =	vld [tilespmem:s11+$0x14240];
	_ =	sdelay $0x4  }
0x142: {  	[tilespmem:v12+s30+$0x0] =	vst.idx.add.f32.msk $0xffff, v24  }
0x143: {  	v24 =	vld [tilespmem:s11+$0x14250];
	_ =	sdelay $0x4  }
0x144: {  	[tilespmem:v13+s30+$0x0] =	vst.idx.add.f32.msk $0xffff, v24  }
0x145: {  	v24 =	vld [tilespmem:s11+$0x14260];
	_ =	sdelay $0x4  }
0x146: {  	[tilespmem:v14+s30+$0x0] =	vst.idx.add.f32.msk $0xffff, v24  }
0x147: {  	v24 =	vld [tilespmem:s11+$0x14270];
	_ =	sdelay $0x4  }
0x148: {  	[tilespmem:v15+s30+$0x0] =	vst.idx.add.f32.msk $0xffff, v24  }
0x149: {  	v24 =	vld [tilespmem:s11+$0x18200];
	_ =	sdelay $0x4  }
0x14a: {  	[tilespmem:v16+s30+$0x0] =	vst.idx.add.f32.msk $0xffff, v24  }
0x14b: {  	v24 =	vld [tilespmem:s11+$0x18210];
	_ =	sdelay $0x4  }
0x14c: {  	[tilespmem:v17+s30+$0x0] =	vst.idx.add.f32.msk $0xffff, v24  }
0x14d: {  	v24 =	vld [tilespmem:s11+$0x18220];
	_ =	sdelay $0x4  }
0x14e: {  	[tilespmem:v18+s30+$0x0] =	vst.idx.add.f32.msk $0xffff, v24  }
0x14f: {  	v24 =	vld [tilespmem:s11+$0x18230];
	_ =	sdelay $0x4  }
0x150: {  	[tilespmem:v19+s30+$0x0] =	vst.idx.add.f32.msk $0xffff, v24  }
0x151: {  	v24 =	vld [tilespmem:s11+$0x18240];
	_ =	sdelay $0x4  }
0x152: {  	[tilespmem:v20+s30+$0x0] =	vst.idx.add.f32.msk $0xffff, v24  }
0x153: {  	v24 =	vld [tilespmem:s11+$0x18250];
	_ =	sdelay $0x4  }
0x154: {  	[tilespmem:v21+s30+$0x0] =	vst.idx.add.f32.msk $0xffff, v24  }
0x155: {  	v24 =	vld [tilespmem:s11+$0x18260];
	_ =	sdelay $0x4  }
0x156: {  	[tilespmem:v22+s30+$0x0] =	vst.idx.add.f32.msk $0xffff, v24  }
0x157: {  	v24 =	vld [tilespmem:s11+$0x18270];
	_ =	sdelay $0x3  }
0x158: {  	s23 =	rddreg [dreg:$0xa]  }
0x159: {  	s6 =	sadd.s32 s18, s23;
	[tilespmem:v23+s30+$0x0] =	vst.idx.add.f32.msk $0xffff, v24  }
0x15a: {  	[hbm4b:s6+s24] =	stream.strided.scatter [tilespmem:s30], [sflag:$0xD], $0x2000, s25, s24, $0x38;
	[tilespmem:$0x1C000] =	vst v63  }
0x15b: {  	_ =	swait.ge [sflag:s5], $0x2000  }
0x15c: {  	[sflag:s5] =	ssyncset.done $0x0;
	s6 =	rddreg [dreg:$0x14]  }
0x15d: {  	s23 =	simm.s32 @!p0 $0x6000;
	[sflag:s5] =	ssyncadd.s32 $0xFFFFE000;
	s6 =	sadd.s32 @!p0 s21, s6  }
0x15e: {  	[tilespmem:s23], [sflag:$0x4] =	stream.strided.gather @!p0 [hbm4b:s6+s0], $0x2000, s3, s0, $0x38;
	[tilespmem:$0x1C000] =	vst v63  }
0x15f: {  	_ =	swait.ge [sflag:s15], $0x2000  }
0x160: {  	[sflag:s15] =	ssyncset.done $0x0  }
0x161: {  	[sflag:s15] =	ssyncadd.s32 $0xFFFFE000  }
0x162: {  	v61 =	vld [tilespmem:s11+$0x10280];
	_ =	sdelay $0x4  }
0x163: {  	[tilespmem:v0+s31+$0x0] =	vst.idx.add.f32.msk $0xffff, v61  }
0x164: {  	v24 =	vld [tilespmem:s11+$0x10290];
	_ =	sdelay $0x4  }
0x165: {  	[tilespmem:v1+s31+$0x0] =	vst.idx.add.f32.msk $0xffff, v24  }
0x166: {  	v24 =	vld [tilespmem:s11+$0x102A0];
	_ =	sdelay $0x4  }
0x167: {  	[tilespmem:v2+s31+$0x0] =	vst.idx.add.f32.msk $0xffff, v24  }
0x168: {  	v24 =	vld [tilespmem:s11+$0x102B0];
	_ =	sdelay $0x4  }
0x169: {  	[tilespmem:v3+s31+$0x0] =	vst.idx.add.f32.msk $0xffff, v24  }
0x16a: {  	v24 =	vld [tilespmem:s11+$0x102C0];
	_ =	sdelay $0x4  }
0x16b: {  	[tilespmem:v4+s31+$0x0] =	vst.idx.add.f32.msk $0xffff, v24  }
0x16c: {  	v24 =	vld [tilespmem:s11+$0x102D0];
	_ =	sdelay $0x4  }
0x16d: {  	[tilespmem:v5+s31+$0x0] =	vst.idx.add.f32.msk $0xffff, v24  }
0x16e: {  	v24 =	vld [tilespmem:s11+$0x102E0];
	_ =	sdelay $0x4  }
0x16f: {  	[tilespmem:v6+s31+$0x0] =	vst.idx.add.f32.msk $0xffff, v24  }
0x170: {  	v24 =	vld [tilespmem:s11+$0x102F0];
	_ =	sdelay $0x4  }
0x171: {  	[tilespmem:v7+s31+$0x0] =	vst.idx.add.f32.msk $0xffff, v24  }
0x172: {  	v24 =	vld [tilespmem:s11+$0x14280];
	_ =	sdelay $0x4  }
0x173: {  	[tilespmem:v8+s31+$0x0] =	vst.idx.add.f32.msk $0xffff, v24  }
0x174: {  	v24 =	vld [tilespmem:s11+$0x14290];
	_ =	sdelay $0x4  }
0x175: {  	[tilespmem:v9+s31+$0x0] =	vst.idx.add.f32.msk $0xffff, v24  }
0x176: {  	v24 =	vld [tilespmem:s11+$0x142A0];
	_ =	sdelay $0x4  }
0x177: {  	[tilespmem:v10+s31+$0x0] =	vst.idx.add.f32.msk $0xffff, v24  }
0x178: {  	v24 =	vld [tilespmem:s11+$0x142B0];
	_ =	sdelay $0x4  }
0x179: {  	[tilespmem:v11+s31+$0x0] =	vst.idx.add.f32.msk $0xffff, v24  }
0x17a: {  	v24 =	vld [tilespmem:s11+$0x142C0];
	_ =	sdelay $0x4  }
0x17b: {  	[tilespmem:v12+s31+$0x0] =	vst.idx.add.f32.msk $0xffff, v24  }
0x17c: {  	v24 =	vld [tilespmem:s11+$0x142D0];
	_ =	sdelay $0x4  }
0x17d: {  	[tilespmem:v13+s31+$0x0] =	vst.idx.add.f32.msk $0xffff, v24  }
0x17e: {  	v24 =	vld [tilespmem:s11+$0x142E0];
	_ =	sdelay $0x4  }
0x17f: {  	[tilespmem:v14+s31+$0x0] =	vst.idx.add.f32.msk $0xffff, v24  }
0x180: {  	v24 =	vld [tilespmem:s11+$0x142F0];
	_ =	sdelay $0x4  }
0x181: {  	[tilespmem:v15+s31+$0x0] =	vst.idx.add.f32.msk $0xffff, v24  }
0x182: {  	v24 =	vld [tilespmem:s11+$0x18280];
	_ =	sdelay $0x4  }
0x183: {  	[tilespmem:v16+s31+$0x0] =	vst.idx.add.f32.msk $0xffff, v24  }
0x184: {  	v24 =	vld [tilespmem:s11+$0x18290];
	_ =	sdelay $0x4  }
0x185: {  	[tilespmem:v17+s31+$0x0] =	vst.idx.add.f32.msk $0xffff, v24  }
0x186: {  	v24 =	vld [tilespmem:s11+$0x182A0];
	_ =	sdelay $0x4  }
0x187: {  	[tilespmem:v18+s31+$0x0] =	vst.idx.add.f32.msk $0xffff, v24  }
0x188: {  	v24 =	vld [tilespmem:s11+$0x182B0];
	_ =	sdelay $0x4  }
0x189: {  	[tilespmem:v19+s31+$0x0] =	vst.idx.add.f32.msk $0xffff, v24  }
0x18a: {  	v24 =	vld [tilespmem:s11+$0x182C0];
	_ =	sdelay $0x4  }
0x18b: {  	[tilespmem:v20+s31+$0x0] =	vst.idx.add.f32.msk $0xffff, v24  }
0x18c: {  	v24 =	vld [tilespmem:s11+$0x182D0];
	_ =	sdelay $0x4  }
0x18d: {  	[tilespmem:v21+s31+$0x0] =	vst.idx.add.f32.msk $0xffff, v24  }
0x18e: {  	v24 =	vld [tilespmem:s11+$0x182E0];
	_ =	sdelay $0x4  }
0x18f: {  	[tilespmem:v22+s31+$0x0] =	vst.idx.add.f32.msk $0xffff, v24  }
0x190: {  	v24 =	vld [tilespmem:s11+$0x182F0];
	_ =	sdelay $0x3  }
0x191: {  	s6 =	rddreg [dreg:$0xb]  }
0x192: {  	s6 =	sadd.s32 s18, s6;
	[tilespmem:v23+s31+$0x0] =	vst.idx.add.f32.msk $0xffff, v24  }
0x193: {  	[hbm4b:s6+s24] =	stream.strided.scatter [tilespmem:s31], [sflag:$0xE], $0x2000, s25, s24, $0x38;
	[tilespmem:$0x1C000] =	vst v63  }
0x194: {  	s23 =	smov.u32 s7;
	s7 =	smov.u32 s8;
	_ =	swait.ge [sflag:s17], $0x2000  }
0x195: {  	s8 =	smov.u32 s9;
	s9 =	smov.u32 s12;
	[sflag:s17] =	ssyncset.done $0x0  }
0x196: {  	s18 =	simm.s32 @!p0 $0x8000;
	s6 =	sadd.s32 @!p0 s21, s9;
	[sflag:s17] =	ssyncadd.s32 $0xFFFFE000  }
0x197: {  	[tilespmem:s18], [sflag:$0x5] =	stream.strided.gather @!p0 [hbm4b:s6+s0], $0x2000, s3, s0, $0x38;
	[tilespmem:$0x1C000] =	vst v63  }
0x198: {  	s6 =	simm.s32 $0x7  }
0x199: {  	_ =	swait.ge [sflag:s6], $0x2000  }
0x19a: {  	[sflag:s6] =	ssyncset.done $0x0  }
0x19b: {  	[sflag:s6] =	ssyncadd.s32 $0xFFFFE000  }
0x19c: {  	v62 =	vld [tilespmem:s11+$0x10300];
	_ =	sdelay $0x4  }
0x19d: {  	[tilespmem:v0+s2+$0x0] =	vst.idx.add.f32.msk $0xffff, v62  }
0x19e: {  	v24 =	vld [tilespmem:s11+$0x10310];
	_ =	sdelay $0x4  }
0x19f: {  	[tilespmem:v1+s2+$0x0] =	vst.idx.add.f32.msk $0xffff, v24  }
0x1a0: {  	v24 =	vld [tilespmem:s11+$0x10320];
	_ =	sdelay $0x4  }
0x1a1: {  	[tilespmem:v2+s2+$0x0] =	vst.idx.add.f32.msk $0xffff, v24  }
0x1a2: {  	v24 =	vld [tilespmem:s11+$0x10330];
	_ =	sdelay $0x4  }
0x1a3: {  	[tilespmem:v3+s2+$0x0] =	vst.idx.add.f32.msk $0xffff, v24  }
0x1a4: {  	v24 =	vld [tilespmem:s11+$0x10340];
	_ =	sdelay $0x4  }
0x1a5: {  	[tilespmem:v4+s2+$0x0] =	vst.idx.add.f32.msk $0xffff, v24  }
0x1a6: {  	v24 =	vld [tilespmem:s11+$0x10350];
	_ =	sdelay $0x4  }
0x1a7: {  	[tilespmem:v5+s2+$0x0] =	vst.idx.add.f32.msk $0xffff, v24  }
0x1a8: {  	v24 =	vld [tilespmem:s11+$0x10360];
	_ =	sdelay $0x4  }
0x1a9: {  	[tilespmem:v6+s2+$0x0] =	vst.idx.add.f32.msk $0xffff, v24  }
0x1aa: {  	v24 =	vld [tilespmem:s11+$0x10370];
	_ =	sdelay $0x4  }
0x1ab: {  	[tilespmem:v7+s2+$0x0] =	vst.idx.add.f32.msk $0xffff, v24  }
0x1ac: {  	v24 =	vld [tilespmem:s11+$0x14300];
	_ =	sdelay $0x4  }
0x1ad: {  	[tilespmem:v8+s2+$0x0] =	vst.idx.add.f32.msk $0xffff, v24  }
0x1ae: {  	v24 =	vld [tilespmem:s11+$0x14310];
	_ =	sdelay $0x4  }
0x1af: {  	[tilespmem:v9+s2+$0x0] =	vst.idx.add.f32.msk $0xffff, v24  }
0x1b0: {  	v24 =	vld [tilespmem:s11+$0x14320];
	_ =	sdelay $0x4  }
0x1b1: {  	[tilespmem:v10+s2+$0x0] =	vst.idx.add.f32.msk $0xffff, v24  }
0x1b2: {  	v24 =	vld [tilespmem:s11+$0x14330];
	_ =	sdelay $0x4  }
0x1b3: {  	[tilespmem:v11+s2+$0x0] =	vst.idx.add.f32.msk $0xffff, v24  }
0x1b4: {  	v24 =	vld [tilespmem:s11+$0x14340];
	_ =	sdelay $0x4  }
0x1b5: {  	[tilespmem:v12+s2+$0x0] =	vst.idx.add.f32.msk $0xffff, v24  }
0x1b6: {  	v24 =	vld [tilespmem:s11+$0x14350];
	_ =	sdelay $0x4  }
0x1b7: {  	[tilespmem:v13+s2+$0x0] =	vst.idx.add.f32.msk $0xffff, v24  }
0x1b8: {  	v24 =	vld [tilespmem:s11+$0x14360];
	_ =	sdelay $0x4  }
0x1b9: {  	[tilespmem:v14+s2+$0x0] =	vst.idx.add.f32.msk $0xffff, v24  }
0x1ba: {  	v24 =	vld [tilespmem:s11+$0x14370];
	_ =	sdelay $0x4  }
0x1bb: {  	[tilespmem:v15+s2+$0x0] =	vst.idx.add.f32.msk $0xffff, v24  }
0x1bc: {  	v24 =	vld [tilespmem:s11+$0x18300];
	_ =	sdelay $0x4  }
0x1bd: {  	[tilespmem:v16+s2+$0x0] =	vst.idx.add.f32.msk $0xffff, v24  }
0x1be: {  	v24 =	vld [tilespmem:s11+$0x18310];
	_ =	sdelay $0x4  }
0x1bf: {  	[tilespmem:v17+s2+$0x0] =	vst.idx.add.f32.msk $0xffff, v24  }
0x1c0: {  	v24 =	vld [tilespmem:s11+$0x18320];
	_ =	sdelay $0x4  }
0x1c1: {  	[tilespmem:v18+s2+$0x0] =	vst.idx.add.f32.msk $0xffff, v24  }
0x1c2: {  	v24 =	vld [tilespmem:s11+$0x18330];
	_ =	sdelay $0x4  }
0x1c3: {  	[tilespmem:v19+s2+$0x0] =	vst.idx.add.f32.msk $0xffff, v24  }
0x1c4: {  	v24 =	vld [tilespmem:s11+$0x18340];
	_ =	sdelay $0x4  }
0x1c5: {  	[tilespmem:v20+s2+$0x0] =	vst.idx.add.f32.msk $0xffff, v24  }
0x1c6: {  	v24 =	vld [tilespmem:s11+$0x18350];
	_ =	sdelay $0x4  }
0x1c7: {  	[tilespmem:v21+s2+$0x0] =	vst.idx.add.f32.msk $0xffff, v24  }
0x1c8: {  	v24 =	vld [tilespmem:s11+$0x18360];
	_ =	sdelay $0x4  }
0x1c9: {  	[tilespmem:v22+s2+$0x0] =	vst.idx.add.f32.msk $0xffff, v24  }
0x1ca: {  	v24 =	vld [tilespmem:s11+$0x18370];
	_ =	sdelay $0x4  }
0x1cb: {  	s14 =	sadd.s32 s7, s14;
	s18 =	simm.s32 $0xE;
	[tilespmem:v23+s2+$0x0] =	vst.idx.add.f32.msk $0xffff, v24  }
0x1cc: {  	[hbm4b:s14+s24] =	stream.strided.scatter [tilespmem:s2], [sflag:$0xF], $0x2000, s25, s24, $0x38;
	[tilespmem:$0x1C000] =	vst v63  }
0x1cd: {  	_ =	swait.ge [sflag:s18], $0x2000  }
0x1ce: {  	s12 =	smov.u32 s13;
	[sflag:s18] =	ssyncset.done $0x0  }
0x1cf: {  	s6 =	sadd.s32 @!p0 s21, s12;
	s14 =	simm.s32 @!p0 $0xA000;
	[sflag:s18] =	ssyncadd.s32 $0xFFFFE000  }
0x1d0: {  	[tilespmem:s14], [sflag:$0x6] =	stream.strided.gather @!p0 [hbm4b:s6+s0], $0x2000, s3, s0, $0x38;
	[tilespmem:$0x1C000] =	vst v63  }
0x1d1: {  	s14 =	simm.s32 $0x8  }
0x1d2: {  	_ =	swait.ge [sflag:s14], $0x2000  }
0x1d3: {  	[sflag:s14] =	ssyncset.done $0x0  }
0x1d4: {  	[sflag:s14] =	ssyncadd.s32 $0xFFFFE000  }
0x1d5: {  	v63 =	vld [tilespmem:s11+$0x10380];
	_ =	sdelay $0x4  }
0x1d6: {  	[tilespmem:v0+s22+$0x0] =	vst.idx.add.f32.msk $0xffff, v63  }
0x1d7: {  	v24 =	vld [tilespmem:s11+$0x10390];
	_ =	sdelay $0x4  }
0x1d8: {  	[tilespmem:v1+s22+$0x0] =	vst.idx.add.f32.msk $0xffff, v24  }
0x1d9: {  	v24 =	vld [tilespmem:s11+$0x103A0];
	_ =	sdelay $0x4  }
0x1da: {  	[tilespmem:v2+s22+$0x0] =	vst.idx.add.f32.msk $0xffff, v24  }
0x1db: {  	v24 =	vld [tilespmem:s11+$0x103B0];
	_ =	sdelay $0x4  }
0x1dc: {  	[tilespmem:v3+s22+$0x0] =	vst.idx.add.f32.msk $0xffff, v24  }
0x1dd: {  	v24 =	vld [tilespmem:s11+$0x103C0];
	_ =	sdelay $0x4  }
0x1de: {  	[tilespmem:v4+s22+$0x0] =	vst.idx.add.f32.msk $0xffff, v24  }
0x1df: {  	v24 =	vld [tilespmem:s11+$0x103D0];
	_ =	sdelay $0x4  }
0x1e0: {  	[tilespmem:v5+s22+$0x0] =	vst.idx.add.f32.msk $0xffff, v24  }
0x1e1: {  	v24 =	vld [tilespmem:s11+$0x103E0];
	_ =	sdelay $0x4  }
0x1e2: {  	[tilespmem:v6+s22+$0x0] =	vst.idx.add.f32.msk $0xffff, v24  }
0x1e3: {  	v24 =	vld [tilespmem:s11+$0x103F0];
	_ =	sdelay $0x4  }
0x1e4: {  	[tilespmem:v7+s22+$0x0] =	vst.idx.add.f32.msk $0xffff, v24  }
0x1e5: {  	v24 =	vld [tilespmem:s11+$0x14380];
	_ =	sdelay $0x4  }
0x1e6: {  	[tilespmem:v8+s22+$0x0] =	vst.idx.add.f32.msk $0xffff, v24  }
0x1e7: {  	v24 =	vld [tilespmem:s11+$0x14390];
	_ =	sdelay $0x4  }
0x1e8: {  	[tilespmem:v9+s22+$0x0] =	vst.idx.add.f32.msk $0xffff, v24  }
0x1e9: {  	v24 =	vld [tilespmem:s11+$0x143A0];
	_ =	sdelay $0x4  }
0x1ea: {  	[tilespmem:v10+s22+$0x0] =	vst.idx.add.f32.msk $0xffff, v24  }
0x1eb: {  	v24 =	vld [tilespmem:s11+$0x143B0];
	_ =	sdelay $0x4  }
0x1ec: {  	[tilespmem:v11+s22+$0x0] =	vst.idx.add.f32.msk $0xffff, v24  }
0x1ed: {  	v24 =	vld [tilespmem:s11+$0x143C0];
	_ =	sdelay $0x4  }
0x1ee: {  	[tilespmem:v12+s22+$0x0] =	vst.idx.add.f32.msk $0xffff, v24  }
0x1ef: {  	v24 =	vld [tilespmem:s11+$0x143D0];
	_ =	sdelay $0x4  }
0x1f0: {  	[tilespmem:v13+s22+$0x0] =	vst.idx.add.f32.msk $0xffff, v24  }
0x1f1: {  	v24 =	vld [tilespmem:s11+$0x143E0];
	_ =	sdelay $0x4  }
0x1f2: {  	[tilespmem:v14+s22+$0x0] =	vst.idx.add.f32.msk $0xffff, v24  }
0x1f3: {  	v24 =	vld [tilespmem:s11+$0x143F0];
	_ =	sdelay $0x4  }
0x1f4: {  	[tilespmem:v15+s22+$0x0] =	vst.idx.add.f32.msk $0xffff, v24  }
0x1f5: {  	v24 =	vld [tilespmem:s11+$0x18380];
	_ =	sdelay $0x4  }
0x1f6: {  	[tilespmem:v16+s22+$0x0] =	vst.idx.add.f32.msk $0xffff, v24  }
0x1f7: {  	v24 =	vld [tilespmem:s11+$0x18390];
	_ =	sdelay $0x4  }
0x1f8: {  	[tilespmem:v17+s22+$0x0] =	vst.idx.add.f32.msk $0xffff, v24  }
0x1f9: {  	v24 =	vld [tilespmem:s11+$0x183A0];
	_ =	sdelay $0x4  }
0x1fa: {  	[tilespmem:v18+s22+$0x0] =	vst.idx.add.f32.msk $0xffff, v24  }
0x1fb: {  	v24 =	vld [tilespmem:s11+$0x183B0];
	_ =	sdelay $0x4  }
0x1fc: {  	[tilespmem:v19+s22+$0x0] =	vst.idx.add.f32.msk $0xffff, v24  }
0x1fd: {  	v24 =	vld [tilespmem:s11+$0x183C0];
	_ =	sdelay $0x4  }
0x1fe: {  	[tilespmem:v20+s22+$0x0] =	vst.idx.add.f32.msk $0xffff, v24  }
0x1ff: {  	v24 =	vld [tilespmem:s11+$0x183D0];
	_ =	sdelay $0x4  }
0x200: {  	[tilespmem:v21+s22+$0x0] =	vst.idx.add.f32.msk $0xffff, v24  }
0x201: {  	v24 =	vld [tilespmem:s11+$0x183E0];
	_ =	sdelay $0x4  }
0x202: {  	[tilespmem:v22+s22+$0x0] =	vst.idx.add.f32.msk $0xffff, v24  }
0x203: {  	s10 =	sadd.s32 $0x1, s10;
	v24 =	vld [tilespmem:s11+$0x183F0]  }
0x204: {  	p0 =	sne.s32 s10, $0x10  }
.Ltmp0:
0x205: {  	_ = 	snop;
	(pc) =	sbr.rel @p0 .LBB2_2-.Ltmp0, $4  }
0x206: {  	_ = 	snop  }
0x207: {  	s13 =	simm.s32 $0x2  }
0x208: {  	s21 =	simm.s32 $0x9;
	s18 =	sadd.s32 s7, s16;
	s6 =	simm.s32 $0x1;
	[tilespmem:v23+s22+$0x0] =	vst.idx.add.f32.msk $0xffff, v24  }
0x209: {  	[hbm4b:s18+s24] =	stream.strided.scatter [tilespmem:s22], [sflag:$0x10], $0x2000, s25, s24, $0x38;
	[tilespmem:$0x1C000] =	vst v63  }
0x20a: {  	s0 =	simm.s32 $0xF  }
0x20b: {  	_ =	swait.ge [sflag:s0], $0x2000  }
0x20c: {  	[sflag:s0] =	ssyncset.done $0x0  }
0x20d: {  	s1 =	simm.s32 $0x10;
	[sflag:s0] =	ssyncadd.s32 $0xFFFFE000  }
0x20e: {  	_ =	swait.ge [sflag:s1], $0x2000  }
0x20f: {  	s3 =	rddreg [dreg:$0x19]  }
0x210: {  	s18 =	rddreg [dreg:$0x18];
	s3 =	sadd.s32 $0x1, s3  }
0x211: {  	p0 =	sne.s32 s3, s18  }
.Ltmp1:
0x212: {  	_ = 	snop;
	(pc) =	sbr.rel @p0 .LBB2_1-.Ltmp1, $3  }
0x213: {  	_ =	sdelay $0x1  }
0x214: {  	[sflag:s1] =	ssyncset.done $0x0  }
0x215: {  	[sflag:s1] =	ssyncadd.s32 $0xFFFFE000  }
0x216: {  	_ =	sfence.sel $0x180000  }
0x217: {  	[bflag:$0x0] =	sbarrier.arrive $0xFFFF  }
0x218: {  	_ =	strace $0x90000047  }
0x219: {  	s0 =	stileid.u32;
	[bflag:$0x2] =	sbarrier.arrive $0xFFFF  }
0x21a: {  	p0 =	sne.s32 s0, $0x0;
	s0 =	rddreg [dreg:$0x5]  }
0x21b: {  	s0 =	sadd.s32 @!p0 $0x100000, s0  }
0x21c: {  	[sflag:s0] =	ssyncadd.tile.s32 @!p0 $0x1;
	_ =	shalt  }
.Lfunc_end2:
_tile_overlayer_lowered:
.L_overlay_start_2:
0x21d: {  	(tag) =	ssettag $0x2  }
0x21e: {  	s0 =	rddreg [dreg:$0x0];
	s2 =	stileid.u32  }
0x21f: {  	s1 =	rddreg [dreg:$0x1];
	p0 =	sne.s32 s2, $0x0  }
0x220: {  	s3 =	rddreg [dreg:$0x2];
	[bflag:$0x3] =	sbarrier.arrive $0xFFFF;
	s2 =	simm.s32 @!p0 $0x1C12  }
0x221: {  	[timem:s3], [sflag:s2] =	dma.local @!p0 [hbm:s0], s1  }
0x222: {  	s0 =	simm.s32 @!p0 $0x12  }
0x223: {  	_ =	swait.ge @!p0 [sflag:s0], s1  }
0x224: {  	s1 =	ssub.s32 @!p0 $0x0, s1;
	[sflag:s0] =	ssyncset.done @!p0 $0x0  }
0x225: {  	[sflag:s0] =	ssyncadd.s32 @!p0 s1  }
0x226: {  	[bflag:$0x3] =	sbarrier.arrive $0xFFFF  }
0x227: {  	_ =	shalt  }

</sc_bundles>
